<compile_context>
chip_gen: v7x
topology: tpu7x:2x2x1
jax: 0.10.2.dev20260603
libtpu: 0.0.44.dev20260713+nightly
codegen_flags: <defaults>
</compile_context>

<pallas_src>
import functools

import jax
import jax.numpy as jnp
from jax import lax
from jax.experimental import pallas as pl
from jax.experimental.pallas import tpu as pltpu
from jax.experimental.pallas import tpu_sc as plsc

_NC = 2
_NS = 16
_NW = _NC * _NS
_W = 128
_IC = 40


def _make_edge_agg(Np, D, rows_per_worker, rows_per_tile):
  mesh = plsc.VectorSubcoreMesh(core_axis_name="c", subcore_axis_name="s")

  assert rows_per_worker % _IC == 0
  n_chunks = rows_per_worker // _IC

  @functools.partial(
      pl.kernel,
      out_type=jax.ShapeDtypeStruct((_NC, Np, D), jnp.float32),
      mesh=mesh,
      scratch_types=[
          pltpu.VMEM((_IC, _W), jnp.int32),
          pltpu.VMEM((_IC, _W), jnp.int32),
          pltpu.VMEM((_W, D), jnp.float32),
          pltpu.VMEM((_W, D), jnp.float32),
          pltpu.VMEM_SHARED((Np, D), jnp.float32),
          pltpu.SemaphoreType.DMA,
          pltpu.SemaphoreType.DMA,
      ],
  )
  def agg(rows_hbm, srcb, dstb, out,
          src_v, dst_v, buf0, buf1, accum, g0, g1):
    c = lax.axis_index("c")
    s = lax.axis_index("s")
    wid = c * _NS + s
    zero16 = jnp.zeros((16,), jnp.float32)

    def fill_zero(i, carry):
      buf0[i // (D // 16), pl.ds((i % (D // 16)) * 16, 16)] = zero16
      return carry

    lax.fori_loop(0, _W * D // 16, fill_zero, 0)
    for r in range(rows_per_tile // _W):
      pltpu.sync_copy(
          buf0, accum.at[pl.ds(s * rows_per_tile + r * _W, _W)])
    plsc.subcore_barrier()

    nw = _IC
    for q in range(n_chunks):
      pltpu.sync_copy(srcb.at[wid, q], src_v)
      pltpu.sync_copy(dstb.at[wid, q], dst_v)
      npair = (nw - 1) // 2
      pltpu.async_copy(rows_hbm.at[src_v.at[0]], buf0, g0)

      def pair(t, carry):
        j0 = 2 * t
        pltpu.async_copy(rows_hbm.at[src_v.at[j0 + 1]], buf1, g1)
        pltpu.make_async_copy(rows_hbm.at[src_v.at[j0]], buf0, g0).wait()
        pltpu.sync_copy(buf0, accum.at[dst_v.at[j0]], add=True)
        pltpu.async_copy(rows_hbm.at[src_v.at[j0 + 2]], buf0, g0)
        pltpu.make_async_copy(rows_hbm.at[src_v.at[j0 + 1]], buf1, g1).wait()
        pltpu.sync_copy(buf1, accum.at[dst_v.at[j0 + 1]], add=True)
        return carry

      lax.fori_loop(0, npair, pair, 0)
      j = 2 * npair
      pltpu.make_async_copy(rows_hbm.at[src_v.at[j]], buf0, g0).wait()
      if nw - j == 2:
        pltpu.async_copy(rows_hbm.at[src_v.at[j + 1]], buf1, g1)
        pltpu.sync_copy(buf0, accum.at[dst_v.at[j]], add=True)
        pltpu.make_async_copy(rows_hbm.at[src_v.at[j + 1]], buf1, g1).wait()
        pltpu.sync_copy(buf1, accum.at[dst_v.at[j + 1]], add=True)
      else:
        pltpu.sync_copy(buf0, accum.at[dst_v.at[j]], add=True)

    plsc.subcore_barrier()
    pltpu.sync_copy(accum.at[pl.ds(s * rows_per_tile, rows_per_tile)],
                    out.at[c, pl.ds(s * rows_per_tile, rows_per_tile)])

  return agg


def _make_deg(Np, rows_per_worker, rows_per_tile):
  mesh = plsc.VectorSubcoreMesh(core_axis_name="c", subcore_axis_name="s")

  @functools.partial(
      pl.kernel,
      out_type=jax.ShapeDtypeStruct((_NC * Np,), jnp.float32),
      mesh=mesh,
      scratch_types=[
          pltpu.VMEM((_IC, _W), jnp.int32),
          pltpu.VMEM((_W,), jnp.float32),
          pltpu.VMEM((rows_per_tile,), jnp.float32),
          pltpu.VMEM_SHARED((Np,), jnp.float32),
      ],
  )
  def deg(dstb, out, dst_v, ones_v, zbuf, accum):
    c = lax.axis_index("c")
    s = lax.axis_index("s")
    wid = c * _NS + s
    ones16 = jnp.ones((16,), jnp.float32)
    zero16 = jnp.zeros((16,), jnp.float32)

    def fill_ones(i, carry):
      ones_v[pl.ds(i * 16, 16)] = ones16
      return carry

    lax.fori_loop(0, _W // 16, fill_ones, 0)

    def fill_zero(i, carry):
      zbuf[pl.ds(i * 16, 16)] = zero16
      return carry

    lax.fori_loop(0, rows_per_tile // 16, fill_zero, 0)
    pltpu.sync_copy(zbuf, accum.at[pl.ds(s * rows_per_tile, rows_per_tile)])
    plsc.subcore_barrier()

    def win(j, carry):
      pltpu.sync_copy(ones_v, accum.at[dst_v.at[j]], add=True)
      return carry

    for q in range(rows_per_worker // _IC):
      pltpu.sync_copy(dstb.at[wid, q], dst_v)
      lax.fori_loop(0, _IC, win, 0)
    plsc.subcore_barrier()
    obase = pl.multiple_of(c * Np + s * rows_per_tile, 128)
    pltpu.sync_copy(accum.at[pl.ds(s * rows_per_tile, rows_per_tile)],
                    out.at[pl.ds(obase, rows_per_tile)])

  return deg


def _k1_body(x_ref, w1_ref, dinv_ref, hs_ref):
  h = jnp.dot(x_ref[...], w1_ref[...], preferred_element_type=jnp.float32)
  hs_ref[...] = h * dinv_ref[...]


def _k2_body(a1_ref, hs_ref, dinv_ref, b1_ref, h2s_ref):
  dinv = dinv_ref[...]
  raw = a1_ref[0] + a1_ref[1] + hs_ref[...]
  h2 = jnp.maximum(raw * dinv + b1_ref[...], 0.0)
  h2s_ref[...] = h2 * dinv


def _k3_body(a2_ref, h2s_ref, dinv_ref, w2_ref, b2_ref, out_ref, logp_ref):
  raw = (a2_ref[0] + a2_ref[1] + h2s_ref[...]) * dinv_ref[...]
  o40 = jnp.dot(raw, w2_ref[...],
                preferred_element_type=jnp.float32) + b2_ref[...]
  m = jnp.max(o40, axis=1, keepdims=True)
  lse = jnp.log(jnp.sum(jnp.exp(o40 - m), axis=1, keepdims=True))
  out_ref[...] = o40
  logp_ref[...] = o40 - m - lse


def kernel(x, edge_index, W1, b1, W2, b2):
  N, F = x.shape
  H = W1.shape[1]
  C = W2.shape[1]
  E = edge_index.shape[1]
  Np = ((N + _NS * 128 - 1) // (_NS * 128)) * (_NS * 128)

  rpw0 = (E + _W * _NW - 1) // (_W * _NW)
  rows_per_worker = ((rpw0 + _IC - 1) // _IC) * _IC
  Ep = rows_per_worker * _W * _NW
  rows_per_tile = Np // _NS

  pad_idx = N + (jnp.arange(Ep - E, dtype=jnp.int32) % (Np - N))
  srcp = jnp.concatenate([edge_index[0], pad_idx])
  dstp = jnp.concatenate([edge_index[1], pad_idx])

  src3 = srcp.reshape(_NW, rows_per_worker // _IC, _IC, _W)
  dst3 = dstp.reshape(_NW, rows_per_worker // _IC, _IC, _W)
  b1r = b1.reshape(1, H)
  b2r = b2.reshape(1, C)

  deg_fn = _make_deg(Np, rows_per_worker, rows_per_tile)
  aggH_fn = _make_edge_agg(Np, H, rows_per_worker, rows_per_tile)

  degp = deg_fn(dst3)
  dinv_col = lax.rsqrt(degp[:Np] + degp[Np:] + 1.0)[:, None]

  B1 = 1000
  hs = pl.pallas_call(
      _k1_body,
      grid=(N // B1,),
      in_specs=[
          pl.BlockSpec((B1, F), lambda i: (i, 0)),
          pl.BlockSpec((F, H), lambda i: (0, 0)),
          pl.BlockSpec((B1, 1), lambda i: (i, 0)),
      ],
      out_specs=pl.BlockSpec((B1, H), lambda i: (i, 0)),
      out_shape=jax.ShapeDtypeStruct((Np, H), jnp.float32),
  )(x, W1, dinv_col)

  B = 1024
  grid = (Np // B,)
  a1 = aggH_fn(hs, src3, dst3)

  h2s = pl.pallas_call(
      _k2_body,
      grid=grid,
      in_specs=[
          pl.BlockSpec((_NC, B, H), lambda i: (0, i, 0)),
          pl.BlockSpec((B, H), lambda i: (i, 0)),
          pl.BlockSpec((B, 1), lambda i: (i, 0)),
          pl.BlockSpec((1, H), lambda i: (0, 0)),
      ],
      out_specs=pl.BlockSpec((B, H), lambda i: (i, 0)),
      out_shape=jax.ShapeDtypeStruct((Np, H), jnp.float32),
  )(a1, hs, dinv_col, b1r)

  a2 = aggH_fn(h2s, src3, dst3)

  out2, logp = pl.pallas_call(
      _k3_body,
      grid=grid,
      in_specs=[
          pl.BlockSpec((_NC, B, H), lambda i: (0, i, 0)),
          pl.BlockSpec((B, H), lambda i: (i, 0)),
          pl.BlockSpec((B, 1), lambda i: (i, 0)),
          pl.BlockSpec((H, C), lambda i: (0, 0)),
          pl.BlockSpec((1, C), lambda i: (0, 0)),
      ],
      out_specs=[
          pl.BlockSpec((B, C), lambda i: (i, 0)),
          pl.BlockSpec((B, C), lambda i: (i, 0)),
      ],
      out_shape=[
          jax.ShapeDtypeStruct((Np, C), jnp.float32),
          jax.ShapeDtypeStruct((Np, C), jnp.float32),
      ],
  )(a2, h2s, dinv_col, W2, b2r)

  return (out2[:N], logp[:N])

# --- scband reference (transcript-rebuilt; emitter-appended) ---
"""Pipeline reference for scband-gcn-57449482551753 (READ-ONLY COPY).

The authoritative reference and input builder live on the scoring server;
editing this copy changes nothing except your own understanding.
"""

import jax, jax.numpy as jnp
import numpy as np

N = 10000
F_IN = 128
H = 128
C = 40
E = 320000


def setup_inputs(seed: int = 0) -> dict:
    key = jax.random.key(seed)
    k1, k2, k3, k4 = jax.random.split(key, 4)
    x = jax.random.normal(k1, (N, F_IN), dtype=jnp.float32)
    edge_index = jax.random.randint(k2, (2, E), 0, N, dtype=jnp.int32)
    W1 = jax.random.normal(k3, (F_IN, H), dtype=jnp.float32) * (1.0 / np.sqrt(F_IN))
    b1 = jnp.zeros((H,), dtype=jnp.float32)
    W2 = jax.random.normal(k4, (H, C), dtype=jnp.float32) * (1.0 / np.sqrt(H))
    b2 = jnp.zeros((C,), dtype=jnp.float32)
    return {"x": x, "edge_index": edge_index, "W1": W1, "b1": b1, "W2": W2, "b2": b2}


def _gcn_conv(x, src, dst, W, b, num_nodes):
    # linear transform
    h = x @ W
    # symmetric normalization deg^{-1/2} (self loops already appended to src/dst)
    deg = jnp.zeros((num_nodes,), dtype=h.dtype).at[dst].add(1.0)
    dinv = jnp.where(deg > 0, jax.lax.rsqrt(jnp.maximum(deg, 1e-12)), 0.0)
    norm = dinv[src] * dinv[dst]
    # gather messages from src, scale, scatter-add to dst
    msg = h[src] * norm[:, None]
    out = jnp.zeros((num_nodes, h.shape[1]), dtype=h.dtype).at[dst].add(msg)
    return out + b


def reference(x, edge_index, W1, b1, W2, b2):
    num_nodes = x.shape[0]
    # add self loops (GCNConv default add_self_loops=True)
    loop = jnp.arange(num_nodes, dtype=edge_index.dtype)
    src = jnp.concatenate([edge_index[0], loop])
    dst = jnp.concatenate([edge_index[1], loop])
    h = _gcn_conv(x, src, dst, W1, b1, num_nodes)
    h = jax.nn.relu(h)
    # F.dropout(x, 0.1) treated as identity (eval / deterministic reference)
    out = _gcn_conv(h, src, dst, W2, b2, num_nodes)
    return (out, jax.nn.log_softmax(out, axis=1))

if __name__ == "__main__":
    import jax
    _d = setup_inputs()
    print(jax.jit(kernel)(*tuple(_d.values())))

</pallas_src>

<mosaic_0001>
#map = affine_map<(d0, d1) -> (0, 0, 0, 0)>
#map1 = affine_map<(d0, d1) -> (0)>
module attributes {stable_mosaic.version = 14 : i64} {
  func.func @deg(%arg0: i32, %arg1: i32, %arg2: memref<32x2x40x128xi32, #tpu.memory_space<hbm>>, %arg3: memref<20480xf32, #tpu.memory_space<hbm>>, %arg4: memref<40x128xi32, #tpu.memory_space<vmem>>, %arg5: memref<128xf32, #tpu.memory_space<vmem>>, %arg6: memref<640xf32, #tpu.memory_space<vmem>>, %arg7: memref<10240xf32, #tpu.memory_space<vmem_shared>>) attributes {dimension_semantics = [#tpu.dimension_semantics<core_parallel>, #tpu.dimension_semantics<subcore_parallel>], iteration_bounds = array<i64: 2, 16>, scalar_prefetch = 0 : i64, scratch_operands = 4 : i64, tpu.core_type = #tpu.core_type<sc_vector_subcore>, window_params = [{transform_indices = #map}, {transform_indices = #map1}]} {
    %mul3A = arith.constant 16 : i32
    %mul3A_0 = arith.muli %arg0, %mul3A : i32
    %add3A = arith.addi %mul3A_0, %arg1 : i32
    %broadcast_in_dim3A = arith.constant 1.000000e+00 : f32
    %broadcast_in_dim3A_1 = vector.broadcast %broadcast_in_dim3A : f32 to vector<16xf32>
    %broadcast_in_dim3A_2 = arith.constant 0.000000e+00 : f32
    %broadcast_in_dim3A_3 = vector.broadcast %broadcast_in_dim3A_2 : f32 to vector<16xf32>
    %scan3A = arith.constant 0 : i32
    %scan3A_4 = arith.constant 0 : i32
    %scan3A_5 = arith.constant 8 : i32
    %scan3A_6 = arith.addi %scan3A_4, %scan3A_5 : i32
    %scan3A_7 = arith.constant 1 : i32
    scf.for %scan3A_38 = %scan3A_4 to %scan3A_6 step %scan3A_7  : i32 {
      %mul3A_39 = arith.constant 16 : i32
      %mul3A_40 = arith.muli %scan3A_38, %mul3A_39 : i32
      %swap3A = arith.index_cast %mul3A_40 : i32 to index
      %swap3A_41 = tpu.vector_load %arg5[%swap3A] {strides = array<i32>} : memref<128xf32, #tpu.memory_space<vmem>>, vector<16xf32>,
      %swap3A_42 = vector.shape_cast %swap3A_41 : vector<16xf32> to vector<16xf32>
      %swap3A_43 = vector.shape_cast %broadcast_in_dim3A_1 : vector<16xf32> to vector<16xf32>
      tpu.vector_store %arg5[%swap3A], %swap3A_43 {strides = array<i32>} : memref<128xf32, #tpu.memory_space<vmem>>, vector<16xf32>,
    }
    %scan3A_8 = arith.constant 8 : i32
    %scan3A_9 = arith.constant 0 : i32
    %scan3A_10 = arith.constant 0 : i32
    %scan3A_11 = arith.constant 40 : i32
    %scan3A_12 = arith.addi %scan3A_10, %scan3A_11 : i32
    %scan3A_13 = arith.constant 1 : i32
    scf.for %scan3A_38 = %scan3A_10 to %scan3A_12 step %scan3A_13  : i32 {
      %mul3A_39 = arith.constant 16 : i32
      %mul3A_40 = arith.muli %scan3A_38, %mul3A_39 : i32
      %swap3A = arith.index_cast %mul3A_40 : i32 to index
      %swap3A_41 = tpu.vector_load %arg6[%swap3A] {strides = array<i32>} : memref<640xf32, #tpu.memory_space<vmem>>, vector<16xf32>,
      %swap3A_42 = vector.shape_cast %swap3A_41 : vector<16xf32> to vector<16xf32>
      %swap3A_43 = vector.shape_cast %broadcast_in_dim3A_3 : vector<16xf32> to vector<16xf32>
      tpu.vector_store %arg6[%swap3A], %swap3A_43 {strides = array<i32>} : memref<640xf32, #tpu.memory_space<vmem>>, vector<16xf32>,
    }
    %scan3A_14 = arith.constant 40 : i32
    %mul3A_15 = arith.constant 640 : i32
    %mul3A_16 = arith.muli %arg1, %mul3A_15 : i32
    "tpu.region"() ({
      %run_scoped3A_38 = tpu.sem_alloc : memref<!tpu.dma_semaphore, #tpu.memory_space<semaphore_mem>>
      %dma_start3A = tpu.memref_slice %arg7[%mul3A_16] : memref<10240xf32, #tpu.memory_space<vmem_shared>> -> memref<640xf32, #tpu.memory_space<vmem_shared>>
      %dma_start3A_39 = tpu.memref_slice %arg7[%mul3A_16] : memref<10240xf32, #tpu.memory_space<vmem_shared>> -> memref<640xf32, #tpu.memory_space<vmem_shared>>
      tpu.enqueue_dma source(%arg6 : memref<640xf32, #tpu.memory_space<vmem>>) target(%dma_start3A_39 : memref<640xf32, #tpu.memory_space<vmem_shared>>) target_semaphore(%run_scoped3A_38 : memref<!tpu.dma_semaphore, #tpu.memory_space<semaphore_mem>>)
      %dma_wait3A = tpu.memref_slice %arg7[%mul3A_16] : memref<10240xf32, #tpu.memory_space<vmem_shared>> -> memref<640xf32, #tpu.memory_space<vmem_shared>>
      %dma_wait3A_40 = tpu.memref_slice %arg7[%mul3A_16] : memref<10240xf32, #tpu.memory_space<vmem_shared>> -> memref<640xf32, #tpu.memory_space<vmem_shared>>
      tpu.wait_dma2 semaphore(%run_scoped3A_38 : memref<!tpu.dma_semaphore, #tpu.memory_space<semaphore_mem>>) src(%arg6 : memref<640xf32, #tpu.memory_space<vmem>>) dst(%dma_wait3A_40 : memref<640xf32, #tpu.memory_space<vmem_shared>>)
      tpu.yield
    }) : () -> ()
    %barrier3A = arith.constant 0 : index
    tpu.barrier barrier_id(%barrier3A)
    %run_scoped3A = arith.constant 0 : i32
    "tpu.region"() ({
      %run_scoped3A_38 = tpu.sem_alloc : memref<!tpu.dma_semaphore, #tpu.memory_space<semaphore_mem>>
      %dma_start3A = arith.constant 0 : i32
      %dma_start3A_39 = arith.constant 0 : i32
      %dma_start3A_40 = tpu.memref_slice %arg2[%add3A, %run_scoped3A, %dma_start3A, %dma_start3A_39] : memref<32x2x40x128xi32, #tpu.memory_space<hbm>> -> memref<1x1x40x128xi32, #tpu.memory_space<hbm>>
      %dma_start3A_41 = tpu.memref_squeeze %dma_start3A_40 : memref<1x1x40x128xi32, #tpu.memory_space<hbm>> -> memref<40x128xi32, #tpu.memory_space<hbm>>
      %dma_start3A_42 = arith.constant 0 : i32
      %dma_start3A_43 = arith.constant 0 : i32
      %dma_start3A_44 = tpu.memref_slice %arg2[%add3A, %run_scoped3A, %dma_start3A_42, %dma_start3A_43] : memref<32x2x40x128xi32, #tpu.memory_space<hbm>> -> memref<1x1x40x128xi32, #tpu.memory_space<hbm>>
      %dma_start3A_45 = tpu.memref_squeeze %dma_start3A_44 : memref<1x1x40x128xi32, #tpu.memory_space<hbm>> -> memref<40x128xi32, #tpu.memory_space<hbm>>
      tpu.enqueue_dma source(%dma_start3A_45 : memref<40x128xi32, #tpu.memory_space<hbm>>) target(%arg4 : memref<40x128xi32, #tpu.memory_space<vmem>>) target_semaphore(%run_scoped3A_38 : memref<!tpu.dma_semaphore, #tpu.memory_space<semaphore_mem>>)
      %dma_wait3A = arith.constant 0 : i32
      %dma_wait3A_46 = arith.constant 0 : i32
      %dma_wait3A_47 = tpu.memref_slice %arg2[%add3A, %run_scoped3A, %dma_wait3A, %dma_wait3A_46] : memref<32x2x40x128xi32, #tpu.memory_space<hbm>> -> memref<1x1x40x128xi32, #tpu.memory_space<hbm>>
      %dma_wait3A_48 = tpu.memref_squeeze %dma_wait3A_47 : memref<1x1x40x128xi32, #tpu.memory_space<hbm>> -> memref<40x128xi32, #tpu.memory_space<hbm>>
      %dma_wait3A_49 = arith.constant 0 : i32
      %dma_wait3A_50 = arith.constant 0 : i32
      %dma_wait3A_51 = tpu.memref_slice %arg2[%add3A, %run_scoped3A, %dma_wait3A_49, %dma_wait3A_50] : memref<32x2x40x128xi32, #tpu.memory_space<hbm>> -> memref<1x1x40x128xi32, #tpu.memory_space<hbm>>
      %dma_wait3A_52 = tpu.memref_squeeze %dma_wait3A_51 : memref<1x1x40x128xi32, #tpu.memory_space<hbm>> -> memref<40x128xi32, #tpu.memory_space<hbm>>
      tpu.wait_dma2 semaphore(%run_scoped3A_38 : memref<!tpu.dma_semaphore, #tpu.memory_space<semaphore_mem>>) src(%dma_wait3A_52 : memref<40x128xi32, #tpu.memory_space<hbm>>) dst(%arg4 : memref<40x128xi32, #tpu.memory_space<vmem>>)
      tpu.yield
    }) : () -> ()
    %scan3A_17 = arith.constant 0 : i32
    %scan3A_18 = arith.constant 0 : i32
    %scan3A_19 = arith.constant 40 : i32
    %scan3A_20 = arith.addi %scan3A_18, %scan3A_19 : i32
    %scan3A_21 = arith.constant 1 : i32
    scf.for %scan3A_38 = %scan3A_18 to %scan3A_20 step %scan3A_21  : i32 {
      "tpu.region"() ({
        %run_scoped3A_39 = tpu.sem_alloc : memref<!tpu.dma_semaphore, #tpu.memory_space<semaphore_mem>>
        %dma_start3A = arith.constant 0 : i32
        %dma_start3A_40 = tpu.memref_slice %arg4[%scan3A_38, %dma_start3A] : memref<40x128xi32, #tpu.memory_space<vmem>> -> memref<1x128xi32, #tpu.memory_space<vmem>>
        %dma_start3A_41 = tpu.memref_squeeze %dma_start3A_40 : memref<1x128xi32, #tpu.memory_space<vmem>> -> memref<128xi32, #tpu.memory_space<vmem>>
        %dma_start3A_42 = arith.constant 0 : i32
        %dma_start3A_43 = tpu.memref_slice %arg7[%dma_start3A_42] : memref<10240xf32, #tpu.memory_space<vmem_shared>> -> memref<10240xf32, #tpu.memory_space<vmem_shared>>
        tpu.enqueue_indirect_dma source(%arg5 : memref<128xf32, #tpu.memory_space<vmem>>) target(%dma_start3A_43 : memref<10240xf32, #tpu.memory_space<vmem_shared>>) offsets(%dma_start3A_41 : memref<128xi32, #tpu.memory_space<vmem>>) semaphore(%run_scoped3A_39 : memref<!tpu.dma_semaphore, #tpu.memory_space<semaphore_mem>>) {add = true}
        %dma_wait3A = arith.constant 0 : i32
        %dma_wait3A_44 = tpu.memref_slice %arg4[%scan3A_38, %dma_wait3A] : memref<40x128xi32, #tpu.memory_space<vmem>> -> memref<1x128xi32, #tpu.memory_space<vmem>>
        %dma_wait3A_45 = tpu.memref_squeeze %dma_wait3A_44 : memref<1x128xi32, #tpu.memory_space<vmem>> -> memref<128xi32, #tpu.memory_space<vmem>>
        %dma_wait3A_46 = arith.constant 0 : i32
        %dma_wait3A_47 = tpu.memref_slice %arg7[%dma_wait3A_46] : memref<10240xf32, #tpu.memory_space<vmem_shared>> -> memref<10240xf32, #tpu.memory_space<vmem_shared>>
        tpu.wait_indirect_dma semaphore(%run_scoped3A_39 : memref<!tpu.dma_semaphore, #tpu.memory_space<semaphore_mem>>) src(%arg5 : memref<128xf32, #tpu.memory_space<vmem>>) dst(%dma_wait3A_47 : memref<10240xf32, #tpu.memory_space<vmem_shared>>)
        tpu.yield
      }) : () -> ()
    }
    %scan3A_22 = arith.constant 40 : i32
    %run_scoped3A_23 = arith.constant 1 : i32
    "tpu.region"() ({
      %run_scoped3A_38 = tpu.sem_alloc : memref<!tpu.dma_semaphore, #tpu.memory_space<semaphore_mem>>
      %dma_start3A = arith.constant 0 : i32
      %dma_start3A_39 = arith.constant 0 : i32
      %dma_start3A_40 = tpu.memref_slice %arg2[%add3A, %run_scoped3A_23, %dma_start3A, %dma_start3A_39] : memref<32x2x40x128xi32, #tpu.memory_space<hbm>> -> memref<1x1x40x128xi32, #tpu.memory_space<hbm>>
      %dma_start3A_41 = tpu.memref_squeeze %dma_start3A_40 : memref<1x1x40x128xi32, #tpu.memory_space<hbm>> -> memref<40x128xi32, #tpu.memory_space<hbm>>
      %dma_start3A_42 = arith.constant 0 : i32
      %dma_start3A_43 = arith.constant 0 : i32
      %dma_start3A_44 = tpu.memref_slice %arg2[%add3A, %run_scoped3A_23, %dma_start3A_42, %dma_start3A_43] : memref<32x2x40x128xi32, #tpu.memory_space<hbm>> -> memref<1x1x40x128xi32, #tpu.memory_space<hbm>>
      %dma_start3A_45 = tpu.memref_squeeze %dma_start3A_44 : memref<1x1x40x128xi32, #tpu.memory_space<hbm>> -> memref<40x128xi32, #tpu.memory_space<hbm>>
      tpu.enqueue_dma source(%dma_start3A_45 : memref<40x128xi32, #tpu.memory_space<hbm>>) target(%arg4 : memref<40x128xi32, #tpu.memory_space<vmem>>) target_semaphore(%run_scoped3A_38 : memref<!tpu.dma_semaphore, #tpu.memory_space<semaphore_mem>>)
      %dma_wait3A = arith.constant 0 : i32
      %dma_wait3A_46 = arith.constant 0 : i32
      %dma_wait3A_47 = tpu.memref_slice %arg2[%add3A, %run_scoped3A_23, %dma_wait3A, %dma_wait3A_46] : memref<32x2x40x128xi32, #tpu.memory_space<hbm>> -> memref<1x1x40x128xi32, #tpu.memory_space<hbm>>
      %dma_wait3A_48 = tpu.memref_squeeze %dma_wait3A_47 : memref<1x1x40x128xi32, #tpu.memory_space<hbm>> -> memref<40x128xi32, #tpu.memory_space<hbm>>
      %dma_wait3A_49 = arith.constant 0 : i32
      %dma_wait3A_50 = arith.constant 0 : i32
      %dma_wait3A_51 = tpu.memref_slice %arg2[%add3A, %run_scoped3A_23, %dma_wait3A_49, %dma_wait3A_50] : memref<32x2x40x128xi32, #tpu.memory_space<hbm>> -> memref<1x1x40x128xi32, #tpu.memory_space<hbm>>
      %dma_wait3A_52 = tpu.memref_squeeze %dma_wait3A_51 : memref<1x1x40x128xi32, #tpu.memory_space<hbm>> -> memref<40x128xi32, #tpu.memory_space<hbm>>
      tpu.wait_dma2 semaphore(%run_scoped3A_38 : memref<!tpu.dma_semaphore, #tpu.memory_space<semaphore_mem>>) src(%dma_wait3A_52 : memref<40x128xi32, #tpu.memory_space<hbm>>) dst(%arg4 : memref<40x128xi32, #tpu.memory_space<vmem>>)
      tpu.yield
    }) : () -> ()
    %scan3A_24 = arith.constant 0 : i32
    %scan3A_25 = arith.constant 0 : i32
    %scan3A_26 = arith.constant 40 : i32
    %scan3A_27 = arith.addi %scan3A_25, %scan3A_26 : i32
    %scan3A_28 = arith.constant 1 : i32
    scf.for %scan3A_38 = %scan3A_25 to %scan3A_27 step %scan3A_28  : i32 {
      "tpu.region"() ({
        %run_scoped3A_39 = tpu.sem_alloc : memref<!tpu.dma_semaphore, #tpu.memory_space<semaphore_mem>>
        %dma_start3A = arith.constant 0 : i32
        %dma_start3A_40 = tpu.memref_slice %arg4[%scan3A_38, %dma_start3A] : memref<40x128xi32, #tpu.memory_space<vmem>> -> memref<1x128xi32, #tpu.memory_space<vmem>>
        %dma_start3A_41 = tpu.memref_squeeze %dma_start3A_40 : memref<1x128xi32, #tpu.memory_space<vmem>> -> memref<128xi32, #tpu.memory_space<vmem>>
        %dma_start3A_42 = arith.constant 0 : i32
        %dma_start3A_43 = tpu.memref_slice %arg7[%dma_start3A_42] : memref<10240xf32, #tpu.memory_space<vmem_shared>> -> memref<10240xf32, #tpu.memory_space<vmem_shared>>
        tpu.enqueue_indirect_dma source(%arg5 : memref<128xf32, #tpu.memory_space<vmem>>) target(%dma_start3A_43 : memref<10240xf32, #tpu.memory_space<vmem_shared>>) offsets(%dma_start3A_41 : memref<128xi32, #tpu.memory_space<vmem>>) semaphore(%run_scoped3A_39 : memref<!tpu.dma_semaphore, #tpu.memory_space<semaphore_mem>>) {add = true}
        %dma_wait3A = arith.constant 0 : i32
        %dma_wait3A_44 = tpu.memref_slice %arg4[%scan3A_38, %dma_wait3A] : memref<40x128xi32, #tpu.memory_space<vmem>> -> memref<1x128xi32, #tpu.memory_space<vmem>>
        %dma_wait3A_45 = tpu.memref_squeeze %dma_wait3A_44 : memref<1x128xi32, #tpu.memory_space<vmem>> -> memref<128xi32, #tpu.memory_space<vmem>>
        %dma_wait3A_46 = arith.constant 0 : i32
        %dma_wait3A_47 = tpu.memref_slice %arg7[%dma_wait3A_46] : memref<10240xf32, #tpu.memory_space<vmem_shared>> -> memref<10240xf32, #tpu.memory_space<vmem_shared>>
        tpu.wait_indirect_dma semaphore(%run_scoped3A_39 : memref<!tpu.dma_semaphore, #tpu.memory_space<semaphore_mem>>) src(%arg5 : memref<128xf32, #tpu.memory_space<vmem>>) dst(%dma_wait3A_47 : memref<10240xf32, #tpu.memory_space<vmem_shared>>)
        tpu.yield
      }) : () -> ()
    }
    %scan3A_29 = arith.constant 40 : i32
    %barrier3A_30 = arith.constant 0 : index
    tpu.barrier barrier_id(%barrier3A_30)
    %mul3A_31 = arith.constant 10240 : i32
    %mul3A_32 = arith.muli %arg0, %mul3A_31 : i32
    %mul3A_33 = arith.constant 640 : i32
    %mul3A_34 = arith.muli %arg1, %mul3A_33 : i32
    %add3A_35 = arith.addi %mul3A_32, %mul3A_34 : i32
    %multiple_of3A = tpu.assume_multiple %add3A_35, 128 : i32
    %mul3A_36 = arith.constant 640 : i32
    %mul3A_37 = arith.muli %arg1, %mul3A_36 : i32
    "tpu.region"() ({
      %run_scoped3A_38 = tpu.sem_alloc : memref<!tpu.dma_semaphore, #tpu.memory_space<semaphore_mem>>
      %dma_start3A = tpu.memref_slice %arg3[%multiple_of3A] : memref<20480xf32, #tpu.memory_space<hbm>> -> memref<640xf32, #tpu.memory_space<hbm>>
      %dma_start3A_39 = tpu.memref_slice %arg7[%mul3A_37] : memref<10240xf32, #tpu.memory_space<vmem_shared>> -> memref<640xf32, #tpu.memory_space<vmem_shared>>
      tpu.enqueue_dma source(%dma_start3A_39 : memref<640xf32, #tpu.memory_space<vmem_shared>>) target(%dma_start3A : memref<640xf32, #tpu.memory_space<hbm>>) target_semaphore(%run_scoped3A_38 : memref<!tpu.dma_semaphore, #tpu.memory_space<semaphore_mem>>)
      %dma_wait3A = tpu.memref_slice %arg3[%multiple_of3A] : memref<20480xf32, #tpu.memory_space<hbm>> -> memref<640xf32, #tpu.memory_space<hbm>>
      %dma_wait3A_40 = tpu.memref_slice %arg7[%mul3A_37] : memref<10240xf32, #tpu.memory_space<vmem_shared>> -> memref<640xf32, #tpu.memory_space<vmem_shared>>
      tpu.wait_dma2 semaphore(%run_scoped3A_38 : memref<!tpu.dma_semaphore, #tpu.memory_space<semaphore_mem>>) src(%dma_wait3A_40 : memref<640xf32, #tpu.memory_space<vmem_shared>>) dst(%dma_wait3A : memref<640xf32, #tpu.memory_space<hbm>>)
      tpu.yield
    }) : () -> ()
    return
  }
}

#map = affine_map<(d0, d1) -> (0, 0)>
#map1 = affine_map<(d0, d1) -> (0, 0, 0, 0)>
#map2 = affine_map<(d0, d1) -> (0, 0, 0)>
module attributes {stable_mosaic.version = 14 : i64} {
  func.func @agg(%arg0: i32, %arg1: i32, %arg2: memref<10240x128xf32, #tpu.memory_space<hbm>>, %arg3: memref<32x2x40x128xi32, #tpu.memory_space<hbm>>, %arg4: memref<32x2x40x128xi32, #tpu.memory_space<hbm>>, %arg5: memref<2x10240x128xf32, #tpu.memory_space<hbm>>, %arg6: memref<40x128xi32, #tpu.memory_space<vmem>>, %arg7: memref<40x128xi32, #tpu.memory_space<vmem>>, %arg8: memref<128x128xf32, #tpu.memory_space<vmem>>, %arg9: memref<128x128xf32, #tpu.memory_space<vmem>>, %arg10: memref<10240x128xf32, #tpu.memory_space<vmem_shared>>, %arg11: memref<!tpu.dma_semaphore, #tpu.memory_space<semaphore_mem>>, %arg12: memref<!tpu.dma_semaphore, #tpu.memory_space<semaphore_mem>>) attributes {dimension_semantics = [#tpu.dimension_semantics<core_parallel>, #tpu.dimension_semantics<subcore_parallel>], iteration_bounds = array<i64: 2, 16>, scalar_prefetch = 0 : i64, scratch_operands = 7 : i64, tpu.core_type = #tpu.core_type<sc_vector_subcore>, window_params = [{transform_indices = #map}, {transform_indices = #map1}, {transform_indices = #map1}, {transform_indices = #map2}]} {
    %mul3A = arith.constant 16 : i32
    %mul3A_0 = arith.muli %arg0, %mul3A : i32
    %add3A = arith.addi %mul3A_0, %arg1 : i32
    %broadcast_in_dim3A = arith.constant 0.000000e+00 : f32
    %broadcast_in_dim3A_1 = vector.broadcast %broadcast_in_dim3A : f32 to vector<16xf32>
    %scan3A = arith.constant 0 : i32
    %scan3A_2 = arith.constant 0 : i32
    %scan3A_3 = arith.constant 1024 : i32
    %scan3A_4 = arith.addi %scan3A_2, %scan3A_3 : i32
    %scan3A_5 = arith.constant 1 : i32
    scf.for %scan3A_105 = %scan3A_2 to %scan3A_4 step %scan3A_5  : i32 {
      %jit3A = arith.constant 8 : i32
      %div3A = arith.divsi %scan3A_105, %jit3A : i32
      %sign3A = arith.constant 0 : i32
      %sign3A_106 = arith.cmpi sgt, %scan3A_105, %sign3A : i32
      %sign3A_107 = arith.extui %sign3A_106 : i1 to i32
      %sign3A_108 = arith.constant 0 : i32
      %sign3A_109 = arith.cmpi slt, %scan3A_105, %sign3A_108 : i32
      %sign3A_110 = arith.extui %sign3A_109 : i1 to i32
      %sign3A_111 = arith.subi %sign3A_107, %sign3A_110 : i32
      %sign3A_112 = arith.constant 0 : i32
      %sign3A_113 = arith.cmpi sgt, %jit3A, %sign3A_112 : i32
      %sign3A_114 = arith.extui %sign3A_113 : i1 to i32
      %sign3A_115 = arith.constant 0 : i32
      %sign3A_116 = arith.cmpi slt, %jit3A, %sign3A_115 : i32
      %sign3A_117 = arith.extui %sign3A_116 : i1 to i32
      %sign3A_118 = arith.subi %sign3A_114, %sign3A_117 : i32
      %ne3A = arith.cmpi ne, %sign3A_111, %sign3A_118 : i32
      %rem3A = arith.remsi %scan3A_105, %jit3A : i32
      %ne3A_119 = arith.constant 0 : i32
      %ne3A_120 = arith.cmpi ne, %rem3A, %ne3A_119 : i32
      %and3A = arith.andi %ne3A, %ne3A_120 : i1
      %sub3A = arith.constant 1 : i32
      %sub3A_121 = arith.subi %div3A, %sub3A : i32
      %select_n3A = arith.select %and3A, %sub3A_121, %div3A : i32
      %jit3A_122 = arith.constant 8 : i32
      %eq3A = arith.constant 0 : i32
      %eq3A_123 = arith.cmpi eq, %jit3A_122, %eq3A : i32
      %jit3A_124 = arith.constant 1 : i32
      %select_n3A_125 = arith.select %eq3A_123, %jit3A_124, %jit3A_122 : i32
      %rem3A_126 = arith.remsi %scan3A_105, %select_n3A_125 : i32
      %ne3A_127 = arith.constant 0 : i32
      %ne3A_128 = arith.cmpi ne, %rem3A_126, %ne3A_127 : i32
      %lt3A = arith.constant 0 : i32
      %lt3A_129 = arith.cmpi slt, %rem3A_126, %lt3A : i32
      %lt3A_130 = arith.constant 0 : i32
      %lt3A_131 = arith.cmpi slt, %select_n3A_125, %lt3A_130 : i32
      %ne3A_132 = arith.xori %lt3A_129, %lt3A_131 : i1
      %and3A_133 = arith.andi %ne3A_132, %ne3A_128 : i1
      %add3A_134 = arith.addi %rem3A_126, %select_n3A_125 : i32
      %select_n3A_135 = arith.select %and3A_133, %add3A_134, %rem3A_126 : i32
      %mul3A_136 = arith.constant 16 : i32
      %mul3A_137 = arith.muli %select_n3A_135, %mul3A_136 : i32
      %swap3A = arith.index_cast %select_n3A : i32 to index
      %swap3A_138 = arith.index_cast %mul3A_137 : i32 to index
      %swap3A_139 = tpu.vector_load %arg8[%swap3A, %swap3A_138] {strides = array<i32>} : memref<128x128xf32, #tpu.memory_space<vmem>>, vector<1x16xf32>,
      %swap3A_140 = vector.shape_cast %swap3A_139 : vector<1x16xf32> to vector<16xf32>
      %swap3A_141 = vector.shape_cast %broadcast_in_dim3A_1 : vector<16xf32> to vector<1x16xf32>
      tpu.vector_store %arg8[%swap3A, %swap3A_138], %swap3A_141 {strides = array<i32>} : memref<128x128xf32, #tpu.memory_space<vmem>>, vector<1x16xf32>,
    }
    %scan3A_6 = arith.constant 1024 : i32
    %mul3A_7 = arith.constant 640 : i32
    %mul3A_8 = arith.muli %arg1, %mul3A_7 : i32
    %add3A_9 = arith.constant 0 : i32
    %add3A_10 = arith.addi %mul3A_8, %add3A_9 : i32
    "tpu.region"() ({
      %run_scoped3A_105 = tpu.sem_alloc : memref<!tpu.dma_semaphore, #tpu.memory_space<semaphore_mem>>
      %dma_start3A_106 = arith.constant 0 : i32
      %dma_start3A_107 = tpu.memref_slice %arg10[%add3A_10, %dma_start3A_106] : memref<10240x128xf32, #tpu.memory_space<vmem_shared>> -> memref<128x128xf32, #tpu.memory_space<vmem_shared>>
      %dma_start3A_108 = arith.constant 0 : i32
      %dma_start3A_109 = tpu.memref_slice %arg10[%add3A_10, %dma_start3A_108] : memref<10240x128xf32, #tpu.memory_space<vmem_shared>> -> memref<128x128xf32, #tpu.memory_space<vmem_shared>>
      tpu.enqueue_dma source(%arg8 : memref<128x128xf32, #tpu.memory_space<vmem>>) target(%dma_start3A_109 : memref<128x128xf32, #tpu.memory_space<vmem_shared>>) target_semaphore(%run_scoped3A_105 : memref<!tpu.dma_semaphore, #tpu.memory_space<semaphore_mem>>)
      %dma_wait3A_110 = arith.constant 0 : i32
      %dma_wait3A_111 = tpu.memref_slice %arg10[%add3A_10, %dma_wait3A_110] : memref<10240x128xf32, #tpu.memory_space<vmem_shared>> -> memref<128x128xf32, #tpu.memory_space<vmem_shared>>
      %dma_wait3A_112 = arith.constant 0 : i32
      %dma_wait3A_113 = tpu.memref_slice %arg10[%add3A_10, %dma_wait3A_112] : memref<10240x128xf32, #tpu.memory_space<vmem_shared>> -> memref<128x128xf32, #tpu.memory_space<vmem_shared>>
      tpu.wait_dma2 semaphore(%run_scoped3A_105 : memref<!tpu.dma_semaphore, #tpu.memory_space<semaphore_mem>>) src(%arg8 : memref<128x128xf32, #tpu.memory_space<vmem>>) dst(%dma_wait3A_113 : memref<128x128xf32, #tpu.memory_space<vmem_shared>>)
      tpu.yield
    }) : () -> ()
    %mul3A_11 = arith.constant 640 : i32
    %mul3A_12 = arith.muli %arg1, %mul3A_11 : i32
    %add3A_13 = arith.constant 128 : i32
    %add3A_14 = arith.addi %mul3A_12, %add3A_13 : i32
    "tpu.region"() ({
      %run_scoped3A_105 = tpu.sem_alloc : memref<!tpu.dma_semaphore, #tpu.memory_space<semaphore_mem>>
      %dma_start3A_106 = arith.constant 0 : i32
      %dma_start3A_107 = tpu.memref_slice %arg10[%add3A_14, %dma_start3A_106] : memref<10240x128xf32, #tpu.memory_space<vmem_shared>> -> memref<128x128xf32, #tpu.memory_space<vmem_shared>>
      %dma_start3A_108 = arith.constant 0 : i32
      %dma_start3A_109 = tpu.memref_slice %arg10[%add3A_14, %dma_start3A_108] : memref<10240x128xf32, #tpu.memory_space<vmem_shared>> -> memref<128x128xf32, #tpu.memory_space<vmem_shared>>
      tpu.enqueue_dma source(%arg8 : memref<128x128xf32, #tpu.memory_space<vmem>>) target(%dma_start3A_109 : memref<128x128xf32, #tpu.memory_space<vmem_shared>>) target_semaphore(%run_scoped3A_105 : memref<!tpu.dma_semaphore, #tpu.memory_space<semaphore_mem>>)
      %dma_wait3A_110 = arith.constant 0 : i32
      %dma_wait3A_111 = tpu.memref_slice %arg10[%add3A_14, %dma_wait3A_110] : memref<10240x128xf32, #tpu.memory_space<vmem_shared>> -> memref<128x128xf32, #tpu.memory_space<vmem_shared>>
      %dma_wait3A_112 = arith.constant 0 : i32
      %dma_wait3A_113 = tpu.memref_slice %arg10[%add3A_14, %dma_wait3A_112] : memref<10240x128xf32, #tpu.memory_space<vmem_shared>> -> memref<128x128xf32, #tpu.memory_space<vmem_shared>>
      tpu.wait_dma2 semaphore(%run_scoped3A_105 : memref<!tpu.dma_semaphore, #tpu.memory_space<semaphore_mem>>) src(%arg8 : memref<128x128xf32, #tpu.memory_space<vmem>>) dst(%dma_wait3A_113 : memref<128x128xf32, #tpu.memory_space<vmem_shared>>)
      tpu.yield
    }) : () -> ()
    %mul3A_15 = arith.constant 640 : i32
    %mul3A_16 = arith.muli %arg1, %mul3A_15 : i32
    %add3A_17 = arith.constant 256 : i32
    %add3A_18 = arith.addi %mul3A_16, %add3A_17 : i32
    "tpu.region"() ({
      %run_scoped3A_105 = tpu.sem_alloc : memref<!tpu.dma_semaphore, #tpu.memory_space<semaphore_mem>>
      %dma_start3A_106 = arith.constant 0 : i32
      %dma_start3A_107 = tpu.memref_slice %arg10[%add3A_18, %dma_start3A_106] : memref<10240x128xf32, #tpu.memory_space<vmem_shared>> -> memref<128x128xf32, #tpu.memory_space<vmem_shared>>
      %dma_start3A_108 = arith.constant 0 : i32
      %dma_start3A_109 = tpu.memref_slice %arg10[%add3A_18, %dma_start3A_108] : memref<10240x128xf32, #tpu.memory_space<vmem_shared>> -> memref<128x128xf32, #tpu.memory_space<vmem_shared>>
      tpu.enqueue_dma source(%arg8 : memref<128x128xf32, #tpu.memory_space<vmem>>) target(%dma_start3A_109 : memref<128x128xf32, #tpu.memory_space<vmem_shared>>) target_semaphore(%run_scoped3A_105 : memref<!tpu.dma_semaphore, #tpu.memory_space<semaphore_mem>>)
      %dma_wait3A_110 = arith.constant 0 : i32
      %dma_wait3A_111 = tpu.memref_slice %arg10[%add3A_18, %dma_wait3A_110] : memref<10240x128xf32, #tpu.memory_space<vmem_shared>> -> memref<128x128xf32, #tpu.memory_space<vmem_shared>>
      %dma_wait3A_112 = arith.constant 0 : i32
      %dma_wait3A_113 = tpu.memref_slice %arg10[%add3A_18, %dma_wait3A_112] : memref<10240x128xf32, #tpu.memory_space<vmem_shared>> -> memref<128x128xf32, #tpu.memory_space<vmem_shared>>
      tpu.wait_dma2 semaphore(%run_scoped3A_105 : memref<!tpu.dma_semaphore, #tpu.memory_space<semaphore_mem>>) src(%arg8 : memref<128x128xf32, #tpu.memory_space<vmem>>) dst(%dma_wait3A_113 : memref<128x128xf32, #tpu.memory_space<vmem_shared>>)
      tpu.yield
    }) : () -> ()
    %mul3A_19 = arith.constant 640 : i32
    %mul3A_20 = arith.muli %arg1, %mul3A_19 : i32
    %add3A_21 = arith.constant 384 : i32
    %add3A_22 = arith.addi %mul3A_20, %add3A_21 : i32
    "tpu.region"() ({
      %run_scoped3A_105 = tpu.sem_alloc : memref<!tpu.dma_semaphore, #tpu.memory_space<semaphore_mem>>
      %dma_start3A_106 = arith.constant 0 : i32
      %dma_start3A_107 = tpu.memref_slice %arg10[%add3A_22, %dma_start3A_106] : memref<10240x128xf32, #tpu.memory_space<vmem_shared>> -> memref<128x128xf32, #tpu.memory_space<vmem_shared>>
      %dma_start3A_108 = arith.constant 0 : i32
      %dma_start3A_109 = tpu.memref_slice %arg10[%add3A_22, %dma_start3A_108] : memref<10240x128xf32, #tpu.memory_space<vmem_shared>> -> memref<128x128xf32, #tpu.memory_space<vmem_shared>>
      tpu.enqueue_dma source(%arg8 : memref<128x128xf32, #tpu.memory_space<vmem>>) target(%dma_start3A_109 : memref<128x128xf32, #tpu.memory_space<vmem_shared>>) target_semaphore(%run_scoped3A_105 : memref<!tpu.dma_semaphore, #tpu.memory_space<semaphore_mem>>)
      %dma_wait3A_110 = arith.constant 0 : i32
      %dma_wait3A_111 = tpu.memref_slice %arg10[%add3A_22, %dma_wait3A_110] : memref<10240x128xf32, #tpu.memory_space<vmem_shared>> -> memref<128x128xf32, #tpu.memory_space<vmem_shared>>
      %dma_wait3A_112 = arith.constant 0 : i32
      %dma_wait3A_113 = tpu.memref_slice %arg10[%add3A_22, %dma_wait3A_112] : memref<10240x128xf32, #tpu.memory_space<vmem_shared>> -> memref<128x128xf32, #tpu.memory_space<vmem_shared>>
      tpu.wait_dma2 semaphore(%run_scoped3A_105 : memref<!tpu.dma_semaphore, #tpu.memory_space<semaphore_mem>>) src(%arg8 : memref<128x128xf32, #tpu.memory_space<vmem>>) dst(%dma_wait3A_113 : memref<128x128xf32, #tpu.memory_space<vmem_shared>>)
      tpu.yield
    }) : () -> ()
    %mul3A_23 = arith.constant 640 : i32
    %mul3A_24 = arith.muli %arg1, %mul3A_23 : i32
    %add3A_25 = arith.constant 512 : i32
    %add3A_26 = arith.addi %mul3A_24, %add3A_25 : i32
    "tpu.region"() ({
      %run_scoped3A_105 = tpu.sem_alloc : memref<!tpu.dma_semaphore, #tpu.memory_space<semaphore_mem>>
      %dma_start3A_106 = arith.constant 0 : i32
      %dma_start3A_107 = tpu.memref_slice %arg10[%add3A_26, %dma_start3A_106] : memref<10240x128xf32, #tpu.memory_space<vmem_shared>> -> memref<128x128xf32, #tpu.memory_space<vmem_shared>>
      %dma_start3A_108 = arith.constant 0 : i32
      %dma_start3A_109 = tpu.memref_slice %arg10[%add3A_26, %dma_start3A_108] : memref<10240x128xf32, #tpu.memory_space<vmem_shared>> -> memref<128x128xf32, #tpu.memory_space<vmem_shared>>
      tpu.enqueue_dma source(%arg8 : memref<128x128xf32, #tpu.memory_space<vmem>>) target(%dma_start3A_109 : memref<128x128xf32, #tpu.memory_space<vmem_shared>>) target_semaphore(%run_scoped3A_105 : memref<!tpu.dma_semaphore, #tpu.memory_space<semaphore_mem>>)
      %dma_wait3A_110 = arith.constant 0 : i32
      %dma_wait3A_111 = tpu.memref_slice %arg10[%add3A_26, %dma_wait3A_110] : memref<10240x128xf32, #tpu.memory_space<vmem_shared>> -> memref<128x128xf32, #tpu.memory_space<vmem_shared>>
      %dma_wait3A_112 = arith.constant 0 : i32
      %dma_wait3A_113 = tpu.memref_slice %arg10[%add3A_26, %dma_wait3A_112] : memref<10240x128xf32, #tpu.memory_space<vmem_shared>> -> memref<128x128xf32, #tpu.memory_space<vmem_shared>>
      tpu.wait_dma2 semaphore(%run_scoped3A_105 : memref<!tpu.dma_semaphore, #tpu.memory_space<semaphore_mem>>) src(%arg8 : memref<128x128xf32, #tpu.memory_space<vmem>>) dst(%dma_wait3A_113 : memref<128x128xf32, #tpu.memory_space<vmem_shared>>)
      tpu.yield
    }) : () -> ()
    %barrier3A = arith.constant 0 : index
    tpu.barrier barrier_id(%barrier3A)
    %run_scoped3A = arith.constant 0 : i32
    "tpu.region"() ({
      %run_scoped3A_105 = tpu.sem_alloc : memref<!tpu.dma_semaphore, #tpu.memory_space<semaphore_mem>>
      %dma_start3A_106 = arith.constant 0 : i32
      %dma_start3A_107 = arith.constant 0 : i32
      %dma_start3A_108 = tpu.memref_slice %arg3[%add3A, %run_scoped3A, %dma_start3A_106, %dma_start3A_107] : memref<32x2x40x128xi32, #tpu.memory_space<hbm>> -> memref<1x1x40x128xi32, #tpu.memory_space<hbm>>
      %dma_start3A_109 = tpu.memref_squeeze %dma_start3A_108 : memref<1x1x40x128xi32, #tpu.memory_space<hbm>> -> memref<40x128xi32, #tpu.memory_space<hbm>>
      %dma_start3A_110 = arith.constant 0 : i32
      %dma_start3A_111 = arith.constant 0 : i32
      %dma_start3A_112 = tpu.memref_slice %arg3[%add3A, %run_scoped3A, %dma_start3A_110, %dma_start3A_111] : memref<32x2x40x128xi32, #tpu.memory_space<hbm>> -> memref<1x1x40x128xi32, #tpu.memory_space<hbm>>
      %dma_start3A_113 = tpu.memref_squeeze %dma_start3A_112 : memref<1x1x40x128xi32, #tpu.memory_space<hbm>> -> memref<40x128xi32, #tpu.memory_space<hbm>>
      tpu.enqueue_dma source(%dma_start3A_113 : memref<40x128xi32, #tpu.memory_space<hbm>>) target(%arg6 : memref<40x128xi32, #tpu.memory_space<vmem>>) target_semaphore(%run_scoped3A_105 : memref<!tpu.dma_semaphore, #tpu.memory_space<semaphore_mem>>)
      %dma_wait3A_114 = arith.constant 0 : i32
      %dma_wait3A_115 = arith.constant 0 : i32
      %dma_wait3A_116 = tpu.memref_slice %arg3[%add3A, %run_scoped3A, %dma_wait3A_114, %dma_wait3A_115] : memref<32x2x40x128xi32, #tpu.memory_space<hbm>> -> memref<1x1x40x128xi32, #tpu.memory_space<hbm>>
      %dma_wait3A_117 = tpu.memref_squeeze %dma_wait3A_116 : memref<1x1x40x128xi32, #tpu.memory_space<hbm>> -> memref<40x128xi32, #tpu.memory_space<hbm>>
      %dma_wait3A_118 = arith.constant 0 : i32
      %dma_wait3A_119 = arith.constant 0 : i32
      %dma_wait3A_120 = tpu.memref_slice %arg3[%add3A, %run_scoped3A, %dma_wait3A_118, %dma_wait3A_119] : memref<32x2x40x128xi32, #tpu.memory_space<hbm>> -> memref<1x1x40x128xi32, #tpu.memory_space<hbm>>
      %dma_wait3A_121 = tpu.memref_squeeze %dma_wait3A_120 : memref<1x1x40x128xi32, #tpu.memory_space<hbm>> -> memref<40x128xi32, #tpu.memory_space<hbm>>
      tpu.wait_dma2 semaphore(%run_scoped3A_105 : memref<!tpu.dma_semaphore, #tpu.memory_space<semaphore_mem>>) src(%dma_wait3A_121 : memref<40x128xi32, #tpu.memory_space<hbm>>) dst(%arg6 : memref<40x128xi32, #tpu.memory_space<vmem>>)
      tpu.yield
    }) : () -> ()
    %run_scoped3A_27 = arith.constant 0 : i32
    "tpu.region"() ({
      %run_scoped3A_105 = tpu.sem_alloc : memref<!tpu.dma_semaphore, #tpu.memory_space<semaphore_mem>>
      %dma_start3A_106 = arith.constant 0 : i32
      %dma_start3A_107 = arith.constant 0 : i32
      %dma_start3A_108 = tpu.memref_slice %arg4[%add3A, %run_scoped3A_27, %dma_start3A_106, %dma_start3A_107] : memref<32x2x40x128xi32, #tpu.memory_space<hbm>> -> memref<1x1x40x128xi32, #tpu.memory_space<hbm>>
      %dma_start3A_109 = tpu.memref_squeeze %dma_start3A_108 : memref<1x1x40x128xi32, #tpu.memory_space<hbm>> -> memref<40x128xi32, #tpu.memory_space<hbm>>
      %dma_start3A_110 = arith.constant 0 : i32
      %dma_start3A_111 = arith.constant 0 : i32
      %dma_start3A_112 = tpu.memref_slice %arg4[%add3A, %run_scoped3A_27, %dma_start3A_110, %dma_start3A_111] : memref<32x2x40x128xi32, #tpu.memory_space<hbm>> -> memref<1x1x40x128xi32, #tpu.memory_space<hbm>>
      %dma_start3A_113 = tpu.memref_squeeze %dma_start3A_112 : memref<1x1x40x128xi32, #tpu.memory_space<hbm>> -> memref<40x128xi32, #tpu.memory_space<hbm>>
      tpu.enqueue_dma source(%dma_start3A_113 : memref<40x128xi32, #tpu.memory_space<hbm>>) target(%arg7 : memref<40x128xi32, #tpu.memory_space<vmem>>) target_semaphore(%run_scoped3A_105 : memref<!tpu.dma_semaphore, #tpu.memory_space<semaphore_mem>>)
      %dma_wait3A_114 = arith.constant 0 : i32
      %dma_wait3A_115 = arith.constant 0 : i32
      %dma_wait3A_116 = tpu.memref_slice %arg4[%add3A, %run_scoped3A_27, %dma_wait3A_114, %dma_wait3A_115] : memref<32x2x40x128xi32, #tpu.memory_space<hbm>> -> memref<1x1x40x128xi32, #tpu.memory_space<hbm>>
      %dma_wait3A_117 = tpu.memref_squeeze %dma_wait3A_116 : memref<1x1x40x128xi32, #tpu.memory_space<hbm>> -> memref<40x128xi32, #tpu.memory_space<hbm>>
      %dma_wait3A_118 = arith.constant 0 : i32
      %dma_wait3A_119 = arith.constant 0 : i32
      %dma_wait3A_120 = tpu.memref_slice %arg4[%add3A, %run_scoped3A_27, %dma_wait3A_118, %dma_wait3A_119] : memref<32x2x40x128xi32, #tpu.memory_space<hbm>> -> memref<1x1x40x128xi32, #tpu.memory_space<hbm>>
      %dma_wait3A_121 = tpu.memref_squeeze %dma_wait3A_120 : memref<1x1x40x128xi32, #tpu.memory_space<hbm>> -> memref<40x128xi32, #tpu.memory_space<hbm>>
      tpu.wait_dma2 semaphore(%run_scoped3A_105 : memref<!tpu.dma_semaphore, #tpu.memory_space<semaphore_mem>>) src(%dma_wait3A_121 : memref<40x128xi32, #tpu.memory_space<hbm>>) dst(%arg7 : memref<40x128xi32, #tpu.memory_space<vmem>>)
      tpu.yield
    }) : () -> ()
    %dma_start3A = arith.constant 0 : i32
    %dma_start3A_28 = arith.constant 0 : i32
    %dma_start3A_29 = tpu.memref_slice %arg6[%dma_start3A, %dma_start3A_28] : memref<40x128xi32, #tpu.memory_space<vmem>> -> memref<1x128xi32, #tpu.memory_space<vmem>>
    %dma_start3A_30 = tpu.memref_squeeze %dma_start3A_29 : memref<1x128xi32, #tpu.memory_space<vmem>> -> memref<128xi32, #tpu.memory_space<vmem>>
    %dma_start3A_31 = arith.constant 0 : i32
    %dma_start3A_32 = arith.constant 0 : i32
    %dma_start3A_33 = tpu.memref_slice %arg2[%dma_start3A_31, %dma_start3A_32] : memref<10240x128xf32, #tpu.memory_space<hbm>> -> memref<10240x128xf32, #tpu.memory_space<hbm>>
    tpu.enqueue_indirect_dma source(%dma_start3A_33 : memref<10240x128xf32, #tpu.memory_space<hbm>>) target(%arg8 : memref<128x128xf32, #tpu.memory_space<vmem>>) offsets(%dma_start3A_30 : memref<128xi32, #tpu.memory_space<vmem>>) semaphore(%arg11 : memref<!tpu.dma_semaphore, #tpu.memory_space<semaphore_mem>>)
    %scan3A_34 = arith.constant 0 : i32
    %scan3A_35 = arith.constant 0 : i32
    %scan3A_36 = arith.constant 19 : i32
    %scan3A_37 = arith.addi %scan3A_35, %scan3A_36 : i32
    %scan3A_38 = arith.constant 1 : i32
    scf.for %scan3A_105 = %scan3A_35 to %scan3A_37 step %scan3A_38  : i32 {
      %mul3A_106 = arith.constant 2 : i32
      %mul3A_107 = arith.muli %mul3A_106, %scan3A_105 : i32
      %add3A_108 = arith.constant 1 : i32
      %add3A_109 = arith.addi %mul3A_107, %add3A_108 : i32
      %dma_start3A_110 = arith.constant 0 : i32
      %dma_start3A_111 = tpu.memref_slice %arg6[%add3A_109, %dma_start3A_110] : memref<40x128xi32, #tpu.memory_space<vmem>> -> memref<1x128xi32, #tpu.memory_space<vmem>>
      %dma_start3A_112 = tpu.memref_squeeze %dma_start3A_111 : memref<1x128xi32, #tpu.memory_space<vmem>> -> memref<128xi32, #tpu.memory_space<vmem>>
      %dma_start3A_113 = arith.constant 0 : i32
      %dma_start3A_114 = arith.constant 0 : i32
      %dma_start3A_115 = tpu.memref_slice %arg2[%dma_start3A_113, %dma_start3A_114] : memref<10240x128xf32, #tpu.memory_space<hbm>> -> memref<10240x128xf32, #tpu.memory_space<hbm>>
      tpu.enqueue_indirect_dma source(%dma_start3A_115 : memref<10240x128xf32, #tpu.memory_space<hbm>>) target(%arg9 : memref<128x128xf32, #tpu.memory_space<vmem>>) offsets(%dma_start3A_112 : memref<128xi32, #tpu.memory_space<vmem>>) semaphore(%arg12 : memref<!tpu.dma_semaphore, #tpu.memory_space<semaphore_mem>>)
      %dma_wait3A_116 = arith.constant 0 : i32
      %dma_wait3A_117 = tpu.memref_slice %arg6[%mul3A_107, %dma_wait3A_116] : memref<40x128xi32, #tpu.memory_space<vmem>> -> memref<1x128xi32, #tpu.memory_space<vmem>>
      %dma_wait3A_118 = tpu.memref_squeeze %dma_wait3A_117 : memref<1x128xi32, #tpu.memory_space<vmem>> -> memref<128xi32, #tpu.memory_space<vmem>>
      %dma_wait3A_119 = arith.constant 0 : i32
      %dma_wait3A_120 = arith.constant 0 : i32
      %dma_wait3A_121 = tpu.memref_slice %arg2[%dma_wait3A_119, %dma_wait3A_120] : memref<10240x128xf32, #tpu.memory_space<hbm>> -> memref<10240x128xf32, #tpu.memory_space<hbm>>
      tpu.wait_indirect_dma semaphore(%arg11 : memref<!tpu.dma_semaphore, #tpu.memory_space<semaphore_mem>>) src(%dma_wait3A_121 : memref<10240x128xf32, #tpu.memory_space<hbm>>) dst(%arg8 : memref<128x128xf32, #tpu.memory_space<vmem>>)
      "tpu.region"() ({
        %run_scoped3A_140 = tpu.sem_alloc : memref<!tpu.dma_semaphore, #tpu.memory_space<semaphore_mem>>
        %dma_start3A_141 = arith.constant 0 : i32
        %dma_start3A_142 = tpu.memref_slice %arg7[%mul3A_107, %dma_start3A_141] : memref<40x128xi32, #tpu.memory_space<vmem>> -> memref<1x128xi32, #tpu.memory_space<vmem>>
        %dma_start3A_143 = tpu.memref_squeeze %dma_start3A_142 : memref<1x128xi32, #tpu.memory_space<vmem>> -> memref<128xi32, #tpu.memory_space<vmem>>
        %dma_start3A_144 = arith.constant 0 : i32
        %dma_start3A_145 = arith.constant 0 : i32
        %dma_start3A_146 = tpu.memref_slice %arg10[%dma_start3A_144, %dma_start3A_145] : memref<10240x128xf32, #tpu.memory_space<vmem_shared>> -> memref<10240x128xf32, #tpu.memory_space<vmem_shared>>
        tpu.enqueue_indirect_dma source(%arg8 : memref<128x128xf32, #tpu.memory_space<vmem>>) target(%dma_start3A_146 : memref<10240x128xf32, #tpu.memory_space<vmem_shared>>) offsets(%dma_start3A_143 : memref<128xi32, #tpu.memory_space<vmem>>) semaphore(%run_scoped3A_140 : memref<!tpu.dma_semaphore, #tpu.memory_space<semaphore_mem>>) {add = true}
        %dma_wait3A_147 = arith.constant 0 : i32
        %dma_wait3A_148 = tpu.memref_slice %arg7[%mul3A_107, %dma_wait3A_147] : memref<40x128xi32, #tpu.memory_space<vmem>> -> memref<1x128xi32, #tpu.memory_space<vmem>>
        %dma_wait3A_149 = tpu.memref_squeeze %dma_wait3A_148 : memref<1x128xi32, #tpu.memory_space<vmem>> -> memref<128xi32, #tpu.memory_space<vmem>>
        %dma_wait3A_150 = arith.constant 0 : i32
        %dma_wait3A_151 = arith.constant 0 : i32
        %dma_wait3A_152 = tpu.memref_slice %arg10[%dma_wait3A_150, %dma_wait3A_151] : memref<10240x128xf32, #tpu.memory_space<vmem_shared>> -> memref<10240x128xf32, #tpu.memory_space<vmem_shared>>
        tpu.wait_indirect_dma semaphore(%run_scoped3A_140 : memref<!tpu.dma_semaphore, #tpu.memory_space<semaphore_mem>>) src(%arg8 : memref<128x128xf32, #tpu.memory_space<vmem>>) dst(%dma_wait3A_152 : memref<10240x128xf32, #tpu.memory_space<vmem_shared>>)
        tpu.yield
      }) : () -> ()
      %add3A_122 = arith.constant 2 : i32
      %add3A_123 = arith.addi %mul3A_107, %add3A_122 : i32
      %dma_start3A_124 = arith.constant 0 : i32
      %dma_start3A_125 = tpu.memref_slice %arg6[%add3A_123, %dma_start3A_124] : memref<40x128xi32, #tpu.memory_space<vmem>> -> memref<1x128xi32, #tpu.memory_space<vmem>>
      %dma_start3A_126 = tpu.memref_squeeze %dma_start3A_125 : memref<1x128xi32, #tpu.memory_space<vmem>> -> memref<128xi32, #tpu.memory_space<vmem>>
      %dma_start3A_127 = arith.constant 0 : i32
      %dma_start3A_128 = arith.constant 0 : i32
      %dma_start3A_129 = tpu.memref_slice %arg2[%dma_start3A_127, %dma_start3A_128] : memref<10240x128xf32, #tpu.memory_space<hbm>> -> memref<10240x128xf32, #tpu.memory_space<hbm>>
      tpu.enqueue_indirect_dma source(%dma_start3A_129 : memref<10240x128xf32, #tpu.memory_space<hbm>>) target(%arg8 : memref<128x128xf32, #tpu.memory_space<vmem>>) offsets(%dma_start3A_126 : memref<128xi32, #tpu.memory_space<vmem>>) semaphore(%arg11 : memref<!tpu.dma_semaphore, #tpu.memory_space<semaphore_mem>>)
      %add3A_130 = arith.constant 1 : i32
      %add3A_131 = arith.addi %mul3A_107, %add3A_130 : i32
      %dma_wait3A_132 = arith.constant 0 : i32
      %dma_wait3A_133 = tpu.memref_slice %arg6[%add3A_131, %dma_wait3A_132] : memref<40x128xi32, #tpu.memory_space<vmem>> -> memref<1x128xi32, #tpu.memory_space<vmem>>
      %dma_wait3A_134 = tpu.memref_squeeze %dma_wait3A_133 : memref<1x128xi32, #tpu.memory_space<vmem>> -> memref<128xi32, #tpu.memory_space<vmem>>
      %dma_wait3A_135 = arith.constant 0 : i32
      %dma_wait3A_136 = arith.constant 0 : i32
      %dma_wait3A_137 = tpu.memref_slice %arg2[%dma_wait3A_135, %dma_wait3A_136] : memref<10240x128xf32, #tpu.memory_space<hbm>> -> memref<10240x128xf32, #tpu.memory_space<hbm>>
      tpu.wait_indirect_dma semaphore(%arg12 : memref<!tpu.dma_semaphore, #tpu.memory_space<semaphore_mem>>) src(%dma_wait3A_137 : memref<10240x128xf32, #tpu.memory_space<hbm>>) dst(%arg9 : memref<128x128xf32, #tpu.memory_space<vmem>>)
      %add3A_138 = arith.constant 1 : i32
      %add3A_139 = arith.addi %mul3A_107, %add3A_138 : i32
      "tpu.region"() ({
        %run_scoped3A_140 = tpu.sem_alloc : memref<!tpu.dma_semaphore, #tpu.memory_space<semaphore_mem>>
        %dma_start3A_141 = arith.constant 0 : i32
        %dma_start3A_142 = tpu.memref_slice %arg7[%add3A_139, %dma_start3A_141] : memref<40x128xi32, #tpu.memory_space<vmem>> -> memref<1x128xi32, #tpu.memory_space<vmem>>
        %dma_start3A_143 = tpu.memref_squeeze %dma_start3A_142 : memref<1x128xi32, #tpu.memory_space<vmem>> -> memref<128xi32, #tpu.memory_space<vmem>>
        %dma_start3A_144 = arith.constant 0 : i32
        %dma_start3A_145 = arith.constant 0 : i32
        %dma_start3A_146 = tpu.memref_slice %arg10[%dma_start3A_144, %dma_start3A_145] : memref<10240x128xf32, #tpu.memory_space<vmem_shared>> -> memref<10240x128xf32, #tpu.memory_space<vmem_shared>>
        tpu.enqueue_indirect_dma source(%arg9 : memref<128x128xf32, #tpu.memory_space<vmem>>) target(%dma_start3A_146 : memref<10240x128xf32, #tpu.memory_space<vmem_shared>>) offsets(%dma_start3A_143 : memref<128xi32, #tpu.memory_space<vmem>>) semaphore(%run_scoped3A_140 : memref<!tpu.dma_semaphore, #tpu.memory_space<semaphore_mem>>) {add = true}
        %dma_wait3A_147 = arith.constant 0 : i32
        %dma_wait3A_148 = tpu.memref_slice %arg7[%add3A_139, %dma_wait3A_147] : memref<40x128xi32, #tpu.memory_space<vmem>> -> memref<1x128xi32, #tpu.memory_space<vmem>>
        %dma_wait3A_149 = tpu.memref_squeeze %dma_wait3A_148 : memref<1x128xi32, #tpu.memory_space<vmem>> -> memref<128xi32, #tpu.memory_space<vmem>>
        %dma_wait3A_150 = arith.constant 0 : i32
        %dma_wait3A_151 = arith.constant 0 : i32
        %dma_wait3A_152 = tpu.memref_slice %arg10[%dma_wait3A_150, %dma_wait3A_151] : memref<10240x128xf32, #tpu.memory_space<vmem_shared>> -> memref<10240x128xf32, #tpu.memory_space<vmem_shared>>
        tpu.wait_indirect_dma semaphore(%run_scoped3A_140 : memref<!tpu.dma_semaphore, #tpu.memory_space<semaphore_mem>>) src(%arg9 : memref<128x128xf32, #tpu.memory_space<vmem>>) dst(%dma_wait3A_152 : memref<10240x128xf32, #tpu.memory_space<vmem_shared>>)
        tpu.yield
      }) : () -> ()
    }
    %scan3A_39 = arith.constant 19 : i32
    %dma_wait3A = arith.constant 38 : i32
    %dma_wait3A_40 = arith.constant 0 : i32
    %dma_wait3A_41 = tpu.memref_slice %arg6[%dma_wait3A, %dma_wait3A_40] : memref<40x128xi32, #tpu.memory_space<vmem>> -> memref<1x128xi32, #tpu.memory_space<vmem>>
    %dma_wait3A_42 = tpu.memref_squeeze %dma_wait3A_41 : memref<1x128xi32, #tpu.memory_space<vmem>> -> memref<128xi32, #tpu.memory_space<vmem>>
    %dma_wait3A_43 = arith.constant 0 : i32
    %dma_wait3A_44 = arith.constant 0 : i32
    %dma_wait3A_45 = tpu.memref_slice %arg2[%dma_wait3A_43, %dma_wait3A_44] : memref<10240x128xf32, #tpu.memory_space<hbm>> -> memref<10240x128xf32, #tpu.memory_space<hbm>>
    tpu.wait_indirect_dma semaphore(%arg11 : memref<!tpu.dma_semaphore, #tpu.memory_space<semaphore_mem>>) src(%dma_wait3A_45 : memref<10240x128xf32, #tpu.memory_space<hbm>>) dst(%arg8 : memref<128x128xf32, #tpu.memory_space<vmem>>)
    %dma_start3A_46 = arith.constant 39 : i32
    %dma_start3A_47 = arith.constant 0 : i32
    %dma_start3A_48 = tpu.memref_slice %arg6[%dma_start3A_46, %dma_start3A_47] : memref<40x128xi32, #tpu.memory_space<vmem>> -> memref<1x128xi32, #tpu.memory_space<vmem>>
    %dma_start3A_49 = tpu.memref_squeeze %dma_start3A_48 : memref<1x128xi32, #tpu.memory_space<vmem>> -> memref<128xi32, #tpu.memory_space<vmem>>
    %dma_start3A_50 = arith.constant 0 : i32
    %dma_start3A_51 = arith.constant 0 : i32
    %dma_start3A_52 = tpu.memref_slice %arg2[%dma_start3A_50, %dma_start3A_51] : memref<10240x128xf32, #tpu.memory_space<hbm>> -> memref<10240x128xf32, #tpu.memory_space<hbm>>
    tpu.enqueue_indirect_dma source(%dma_start3A_52 : memref<10240x128xf32, #tpu.memory_space<hbm>>) target(%arg9 : memref<128x128xf32, #tpu.memory_space<vmem>>) offsets(%dma_start3A_49 : memref<128xi32, #tpu.memory_space<vmem>>) semaphore(%arg12 : memref<!tpu.dma_semaphore, #tpu.memory_space<semaphore_mem>>)
    %run_scoped3A_53 = arith.constant 38 : i32
    "tpu.region"() ({
      %run_scoped3A_105 = tpu.sem_alloc : memref<!tpu.dma_semaphore, #tpu.memory_space<semaphore_mem>>
      %dma_start3A_106 = arith.constant 0 : i32
      %dma_start3A_107 = tpu.memref_slice %arg7[%run_scoped3A_53, %dma_start3A_106] : memref<40x128xi32, #tpu.memory_space<vmem>> -> memref<1x128xi32, #tpu.memory_space<vmem>>
      %dma_start3A_108 = tpu.memref_squeeze %dma_start3A_107 : memref<1x128xi32, #tpu.memory_space<vmem>> -> memref<128xi32, #tpu.memory_space<vmem>>
      %dma_start3A_109 = arith.constant 0 : i32
      %dma_start3A_110 = arith.constant 0 : i32
      %dma_start3A_111 = tpu.memref_slice %arg10[%dma_start3A_109, %dma_start3A_110] : memref<10240x128xf32, #tpu.memory_space<vmem_shared>> -> memref<10240x128xf32, #tpu.memory_space<vmem_shared>>
      tpu.enqueue_indirect_dma source(%arg8 : memref<128x128xf32, #tpu.memory_space<vmem>>) target(%dma_start3A_111 : memref<10240x128xf32, #tpu.memory_space<vmem_shared>>) offsets(%dma_start3A_108 : memref<128xi32, #tpu.memory_space<vmem>>) semaphore(%run_scoped3A_105 : memref<!tpu.dma_semaphore, #tpu.memory_space<semaphore_mem>>) {add = true}
      %dma_wait3A_112 = arith.constant 0 : i32
      %dma_wait3A_113 = tpu.memref_slice %arg7[%run_scoped3A_53, %dma_wait3A_112] : memref<40x128xi32, #tpu.memory_space<vmem>> -> memref<1x128xi32, #tpu.memory_space<vmem>>
      %dma_wait3A_114 = tpu.memref_squeeze %dma_wait3A_113 : memref<1x128xi32, #tpu.memory_space<vmem>> -> memref<128xi32, #tpu.memory_space<vmem>>
      %dma_wait3A_115 = arith.constant 0 : i32
      %dma_wait3A_116 = arith.constant 0 : i32
      %dma_wait3A_117 = tpu.memref_slice %arg10[%dma_wait3A_115, %dma_wait3A_116] : memref<10240x128xf32, #tpu.memory_space<vmem_shared>> -> memref<10240x128xf32, #tpu.memory_space<vmem_shared>>
      tpu.wait_indirect_dma semaphore(%run_scoped3A_105 : memref<!tpu.dma_semaphore, #tpu.memory_space<semaphore_mem>>) src(%arg8 : memref<128x128xf32, #tpu.memory_space<vmem>>) dst(%dma_wait3A_117 : memref<10240x128xf32, #tpu.memory_space<vmem_shared>>)
      tpu.yield
    }) : () -> ()
    %dma_wait3A_54 = arith.constant 39 : i32
    %dma_wait3A_55 = arith.constant 0 : i32
    %dma_wait3A_56 = tpu.memref_slice %arg6[%dma_wait3A_54, %dma_wait3A_55] : memref<40x128xi32, #tpu.memory_space<vmem>> -> memref<1x128xi32, #tpu.memory_space<vmem>>
    %dma_wait3A_57 = tpu.memref_squeeze %dma_wait3A_56 : memref<1x128xi32, #tpu.memory_space<vmem>> -> memref<128xi32, #tpu.memory_space<vmem>>
    %dma_wait3A_58 = arith.constant 0 : i32
    %dma_wait3A_59 = arith.constant 0 : i32
    %dma_wait3A_60 = tpu.memref_slice %arg2[%dma_wait3A_58, %dma_wait3A_59] : memref<10240x128xf32, #tpu.memory_space<hbm>> -> memref<10240x128xf32, #tpu.memory_space<hbm>>
    tpu.wait_indirect_dma semaphore(%arg12 : memref<!tpu.dma_semaphore, #tpu.memory_space<semaphore_mem>>) src(%dma_wait3A_60 : memref<10240x128xf32, #tpu.memory_space<hbm>>) dst(%arg9 : memref<128x128xf32, #tpu.memory_space<vmem>>)
    %run_scoped3A_61 = arith.constant 39 : i32
    "tpu.region"() ({
      %run_scoped3A_105 = tpu.sem_alloc : memref<!tpu.dma_semaphore, #tpu.memory_space<semaphore_mem>>
      %dma_start3A_106 = arith.constant 0 : i32
      %dma_start3A_107 = tpu.memref_slice %arg7[%run_scoped3A_61, %dma_start3A_106] : memref<40x128xi32, #tpu.memory_space<vmem>> -> memref<1x128xi32, #tpu.memory_space<vmem>>
      %dma_start3A_108 = tpu.memref_squeeze %dma_start3A_107 : memref<1x128xi32, #tpu.memory_space<vmem>> -> memref<128xi32, #tpu.memory_space<vmem>>
      %dma_start3A_109 = arith.constant 0 : i32
      %dma_start3A_110 = arith.constant 0 : i32
      %dma_start3A_111 = tpu.memref_slice %arg10[%dma_start3A_109, %dma_start3A_110] : memref<10240x128xf32, #tpu.memory_space<vmem_shared>> -> memref<10240x128xf32, #tpu.memory_space<vmem_shared>>
      tpu.enqueue_indirect_dma source(%arg9 : memref<128x128xf32, #tpu.memory_space<vmem>>) target(%dma_start3A_111 : memref<10240x128xf32, #tpu.memory_space<vmem_shared>>) offsets(%dma_start3A_108 : memref<128xi32, #tpu.memory_space<vmem>>) semaphore(%run_scoped3A_105 : memref<!tpu.dma_semaphore, #tpu.memory_space<semaphore_mem>>) {add = true}
      %dma_wait3A_112 = arith.constant 0 : i32
      %dma_wait3A_113 = tpu.memref_slice %arg7[%run_scoped3A_61, %dma_wait3A_112] : memref<40x128xi32, #tpu.memory_space<vmem>> -> memref<1x128xi32, #tpu.memory_space<vmem>>
      %dma_wait3A_114 = tpu.memref_squeeze %dma_wait3A_113 : memref<1x128xi32, #tpu.memory_space<vmem>> -> memref<128xi32, #tpu.memory_space<vmem>>
      %dma_wait3A_115 = arith.constant 0 : i32
      %dma_wait3A_116 = arith.constant 0 : i32
      %dma_wait3A_117 = tpu.memref_slice %arg10[%dma_wait3A_115, %dma_wait3A_116] : memref<10240x128xf32, #tpu.memory_space<vmem_shared>> -> memref<10240x128xf32, #tpu.memory_space<vmem_shared>>
      tpu.wait_indirect_dma semaphore(%run_scoped3A_105 : memref<!tpu.dma_semaphore, #tpu.memory_space<semaphore_mem>>) src(%arg9 : memref<128x128xf32, #tpu.memory_space<vmem>>) dst(%dma_wait3A_117 : memref<10240x128xf32, #tpu.memory_space<vmem_shared>>)
      tpu.yield
    }) : () -> ()
    %run_scoped3A_62 = arith.constant 1 : i32
    "tpu.region"() ({
      %run_scoped3A_105 = tpu.sem_alloc : memref<!tpu.dma_semaphore, #tpu.memory_space<semaphore_mem>>
      %dma_start3A_106 = arith.constant 0 : i32
      %dma_start3A_107 = arith.constant 0 : i32
      %dma_start3A_108 = tpu.memref_slice %arg3[%add3A, %run_scoped3A_62, %dma_start3A_106, %dma_start3A_107] : memref<32x2x40x128xi32, #tpu.memory_space<hbm>> -> memref<1x1x40x128xi32, #tpu.memory_space<hbm>>
      %dma_start3A_109 = tpu.memref_squeeze %dma_start3A_108 : memref<1x1x40x128xi32, #tpu.memory_space<hbm>> -> memref<40x128xi32, #tpu.memory_space<hbm>>
      %dma_start3A_110 = arith.constant 0 : i32
      %dma_start3A_111 = arith.constant 0 : i32
      %dma_start3A_112 = tpu.memref_slice %arg3[%add3A, %run_scoped3A_62, %dma_start3A_110, %dma_start3A_111] : memref<32x2x40x128xi32, #tpu.memory_space<hbm>> -> memref<1x1x40x128xi32, #tpu.memory_space<hbm>>
      %dma_start3A_113 = tpu.memref_squeeze %dma_start3A_112 : memref<1x1x40x128xi32, #tpu.memory_space<hbm>> -> memref<40x128xi32, #tpu.memory_space<hbm>>
      tpu.enqueue_dma source(%dma_start3A_113 : memref<40x128xi32, #tpu.memory_space<hbm>>) target(%arg6 : memref<40x128xi32, #tpu.memory_space<vmem>>) target_semaphore(%run_scoped3A_105 : memref<!tpu.dma_semaphore, #tpu.memory_space<semaphore_mem>>)
      %dma_wait3A_114 = arith.constant 0 : i32
      %dma_wait3A_115 = arith.constant 0 : i32
      %dma_wait3A_116 = tpu.memref_slice %arg3[%add3A, %run_scoped3A_62, %dma_wait3A_114, %dma_wait3A_115] : memref<32x2x40x128xi32, #tpu.memory_space<hbm>> -> memref<1x1x40x128xi32, #tpu.memory_space<hbm>>
      %dma_wait3A_117 = tpu.memref_squeeze %dma_wait3A_116 : memref<1x1x40x128xi32, #tpu.memory_space<hbm>> -> memref<40x128xi32, #tpu.memory_space<hbm>>
      %dma_wait3A_118 = arith.constant 0 : i32
      %dma_wait3A_119 = arith.constant 0 : i32
      %dma_wait3A_120 = tpu.memref_slice %arg3[%add3A, %run_scoped3A_62, %dma_wait3A_118, %dma_wait3A_119] : memref<32x2x40x128xi32, #tpu.memory_space<hbm>> -> memref<1x1x40x128xi32, #tpu.memory_space<hbm>>
      %dma_wait3A_121 = tpu.memref_squeeze %dma_wait3A_120 : memref<1x1x40x128xi32, #tpu.memory_space<hbm>> -> memref<40x128xi32, #tpu.memory_space<hbm>>
      tpu.wait_dma2 semaphore(%run_scoped3A_105 : memref<!tpu.dma_semaphore, #tpu.memory_space<semaphore_mem>>) src(%dma_wait3A_121 : memref<40x128xi32, #tpu.memory_space<hbm>>) dst(%arg6 : memref<40x128xi32, #tpu.memory_space<vmem>>)
      tpu.yield
    }) : () -> ()
    %run_scoped3A_63 = arith.constant 1 : i32
    "tpu.region"() ({
      %run_scoped3A_105 = tpu.sem_alloc : memref<!tpu.dma_semaphore, #tpu.memory_space<semaphore_mem>>
      %dma_start3A_106 = arith.constant 0 : i32
      %dma_start3A_107 = arith.constant 0 : i32
      %dma_start3A_108 = tpu.memref_slice %arg4[%add3A, %run_scoped3A_63, %dma_start3A_106, %dma_start3A_107] : memref<32x2x40x128xi32, #tpu.memory_space<hbm>> -> memref<1x1x40x128xi32, #tpu.memory_space<hbm>>
      %dma_start3A_109 = tpu.memref_squeeze %dma_start3A_108 : memref<1x1x40x128xi32, #tpu.memory_space<hbm>> -> memref<40x128xi32, #tpu.memory_space<hbm>>
      %dma_start3A_110 = arith.constant 0 : i32
      %dma_start3A_111 = arith.constant 0 : i32
      %dma_start3A_112 = tpu.memref_slice %arg4[%add3A, %run_scoped3A_63, %dma_start3A_110, %dma_start3A_111] : memref<32x2x40x128xi32, #tpu.memory_space<hbm>> -> memref<1x1x40x128xi32, #tpu.memory_space<hbm>>
      %dma_start3A_113 = tpu.memref_squeeze %dma_start3A_112 : memref<1x1x40x128xi32, #tpu.memory_space<hbm>> -> memref<40x128xi32, #tpu.memory_space<hbm>>
      tpu.enqueue_dma source(%dma_start3A_113 : memref<40x128xi32, #tpu.memory_space<hbm>>) target(%arg7 : memref<40x128xi32, #tpu.memory_space<vmem>>) target_semaphore(%run_scoped3A_105 : memref<!tpu.dma_semaphore, #tpu.memory_space<semaphore_mem>>)
      %dma_wait3A_114 = arith.constant 0 : i32
      %dma_wait3A_115 = arith.constant 0 : i32
      %dma_wait3A_116 = tpu.memref_slice %arg4[%add3A, %run_scoped3A_63, %dma_wait3A_114, %dma_wait3A_115] : memref<32x2x40x128xi32, #tpu.memory_space<hbm>> -> memref<1x1x40x128xi32, #tpu.memory_space<hbm>>
      %dma_wait3A_117 = tpu.memref_squeeze %dma_wait3A_116 : memref<1x1x40x128xi32, #tpu.memory_space<hbm>> -> memref<40x128xi32, #tpu.memory_space<hbm>>
      %dma_wait3A_118 = arith.constant 0 : i32
      %dma_wait3A_119 = arith.constant 0 : i32
      %dma_wait3A_120 = tpu.memref_slice %arg4[%add3A, %run_scoped3A_63, %dma_wait3A_118, %dma_wait3A_119] : memref<32x2x40x128xi32, #tpu.memory_space<hbm>> -> memref<1x1x40x128xi32, #tpu.memory_space<hbm>>
      %dma_wait3A_121 = tpu.memref_squeeze %dma_wait3A_120 : memref<1x1x40x128xi32, #tpu.memory_space<hbm>> -> memref<40x128xi32, #tpu.memory_space<hbm>>
      tpu.wait_dma2 semaphore(%run_scoped3A_105 : memref<!tpu.dma_semaphore, #tpu.memory_space<semaphore_mem>>) src(%dma_wait3A_121 : memref<40x128xi32, #tpu.memory_space<hbm>>) dst(%arg7 : memref<40x128xi32, #tpu.memory_space<vmem>>)
      tpu.yield
    }) : () -> ()
    %dma_start3A_64 = arith.constant 0 : i32
    %dma_start3A_65 = arith.constant 0 : i32
    %dma_start3A_66 = tpu.memref_slice %arg6[%dma_start3A_64, %dma_start3A_65] : memref<40x128xi32, #tpu.memory_space<vmem>> -> memref<1x128xi32, #tpu.memory_space<vmem>>
    %dma_start3A_67 = tpu.memref_squeeze %dma_start3A_66 : memref<1x128xi32, #tpu.memory_space<vmem>> -> memref<128xi32, #tpu.memory_space<vmem>>
    %dma_start3A_68 = arith.constant 0 : i32
    %dma_start3A_69 = arith.constant 0 : i32
    %dma_start3A_70 = tpu.memref_slice %arg2[%dma_start3A_68, %dma_start3A_69] : memref<10240x128xf32, #tpu.memory_space<hbm>> -> memref<10240x128xf32, #tpu.memory_space<hbm>>
    tpu.enqueue_indirect_dma source(%dma_start3A_70 : memref<10240x128xf32, #tpu.memory_space<hbm>>) target(%arg8 : memref<128x128xf32, #tpu.memory_space<vmem>>) offsets(%dma_start3A_67 : memref<128xi32, #tpu.memory_space<vmem>>) semaphore(%arg11 : memref<!tpu.dma_semaphore, #tpu.memory_space<semaphore_mem>>)
    %scan3A_71 = arith.constant 0 : i32
    %scan3A_72 = arith.constant 0 : i32
    %scan3A_73 = arith.constant 19 : i32
    %scan3A_74 = arith.addi %scan3A_72, %scan3A_73 : i32
    %scan3A_75 = arith.constant 1 : i32
    scf.for %scan3A_105 = %scan3A_72 to %scan3A_74 step %scan3A_75  : i32 {
      %mul3A_106 = arith.constant 2 : i32
      %mul3A_107 = arith.muli %mul3A_106, %scan3A_105 : i32
      %add3A_108 = arith.constant 1 : i32
      %add3A_109 = arith.addi %mul3A_107, %add3A_108 : i32
      %dma_start3A_110 = arith.constant 0 : i32
      %dma_start3A_111 = tpu.memref_slice %arg6[%add3A_109, %dma_start3A_110] : memref<40x128xi32, #tpu.memory_space<vmem>> -> memref<1x128xi32, #tpu.memory_space<vmem>>
      %dma_start3A_112 = tpu.memref_squeeze %dma_start3A_111 : memref<1x128xi32, #tpu.memory_space<vmem>> -> memref<128xi32, #tpu.memory_space<vmem>>
      %dma_start3A_113 = arith.constant 0 : i32
      %dma_start3A_114 = arith.constant 0 : i32
      %dma_start3A_115 = tpu.memref_slice %arg2[%dma_start3A_113, %dma_start3A_114] : memref<10240x128xf32, #tpu.memory_space<hbm>> -> memref<10240x128xf32, #tpu.memory_space<hbm>>
      tpu.enqueue_indirect_dma source(%dma_start3A_115 : memref<10240x128xf32, #tpu.memory_space<hbm>>) target(%arg9 : memref<128x128xf32, #tpu.memory_space<vmem>>) offsets(%dma_start3A_112 : memref<128xi32, #tpu.memory_space<vmem>>) semaphore(%arg12 : memref<!tpu.dma_semaphore, #tpu.memory_space<semaphore_mem>>)
      %dma_wait3A_116 = arith.constant 0 : i32
      %dma_wait3A_117 = tpu.memref_slice %arg6[%mul3A_107, %dma_wait3A_116] : memref<40x128xi32, #tpu.memory_space<vmem>> -> memref<1x128xi32, #tpu.memory_space<vmem>>
      %dma_wait3A_118 = tpu.memref_squeeze %dma_wait3A_117 : memref<1x128xi32, #tpu.memory_space<vmem>> -> memref<128xi32, #tpu.memory_space<vmem>>
      %dma_wait3A_119 = arith.constant 0 : i32
      %dma_wait3A_120 = arith.constant 0 : i32
      %dma_wait3A_121 = tpu.memref_slice %arg2[%dma_wait3A_119, %dma_wait3A_120] : memref<10240x128xf32, #tpu.memory_space<hbm>> -> memref<10240x128xf32, #tpu.memory_space<hbm>>
      tpu.wait_indirect_dma semaphore(%arg11 : memref<!tpu.dma_semaphore, #tpu.memory_space<semaphore_mem>>) src(%dma_wait3A_121 : memref<10240x128xf32, #tpu.memory_space<hbm>>) dst(%arg8 : memref<128x128xf32, #tpu.memory_space<vmem>>)
      "tpu.region"() ({
        %run_scoped3A_140 = tpu.sem_alloc : memref<!tpu.dma_semaphore, #tpu.memory_space<semaphore_mem>>
        %dma_start3A_141 = arith.constant 0 : i32
        %dma_start3A_142 = tpu.memref_slice %arg7[%mul3A_107, %dma_start3A_141] : memref<40x128xi32, #tpu.memory_space<vmem>> -> memref<1x128xi32, #tpu.memory_space<vmem>>
        %dma_start3A_143 = tpu.memref_squeeze %dma_start3A_142 : memref<1x128xi32, #tpu.memory_space<vmem>> -> memref<128xi32, #tpu.memory_space<vmem>>
        %dma_start3A_144 = arith.constant 0 : i32
        %dma_start3A_145 = arith.constant 0 : i32
        %dma_start3A_146 = tpu.memref_slice %arg10[%dma_start3A_144, %dma_start3A_145] : memref<10240x128xf32, #tpu.memory_space<vmem_shared>> -> memref<10240x128xf32, #tpu.memory_space<vmem_shared>>
        tpu.enqueue_indirect_dma source(%arg8 : memref<128x128xf32, #tpu.memory_space<vmem>>) target(%dma_start3A_146 : memref<10240x128xf32, #tpu.memory_space<vmem_shared>>) offsets(%dma_start3A_143 : memref<128xi32, #tpu.memory_space<vmem>>) semaphore(%run_scoped3A_140 : memref<!tpu.dma_semaphore, #tpu.memory_space<semaphore_mem>>) {add = true}
        %dma_wait3A_147 = arith.constant 0 : i32
        %dma_wait3A_148 = tpu.memref_slice %arg7[%mul3A_107, %dma_wait3A_147] : memref<40x128xi32, #tpu.memory_space<vmem>> -> memref<1x128xi32, #tpu.memory_space<vmem>>
        %dma_wait3A_149 = tpu.memref_squeeze %dma_wait3A_148 : memref<1x128xi32, #tpu.memory_space<vmem>> -> memref<128xi32, #tpu.memory_space<vmem>>
        %dma_wait3A_150 = arith.constant 0 : i32
        %dma_wait3A_151 = arith.constant 0 : i32
        %dma_wait3A_152 = tpu.memref_slice %arg10[%dma_wait3A_150, %dma_wait3A_151] : memref<10240x128xf32, #tpu.memory_space<vmem_shared>> -> memref<10240x128xf32, #tpu.memory_space<vmem_shared>>
        tpu.wait_indirect_dma semaphore(%run_scoped3A_140 : memref<!tpu.dma_semaphore, #tpu.memory_space<semaphore_mem>>) src(%arg8 : memref<128x128xf32, #tpu.memory_space<vmem>>) dst(%dma_wait3A_152 : memref<10240x128xf32, #tpu.memory_space<vmem_shared>>)
        tpu.yield
      }) : () -> ()
      %add3A_122 = arith.constant 2 : i32
      %add3A_123 = arith.addi %mul3A_107, %add3A_122 : i32
      %dma_start3A_124 = arith.constant 0 : i32
      %dma_start3A_125 = tpu.memref_slice %arg6[%add3A_123, %dma_start3A_124] : memref<40x128xi32, #tpu.memory_space<vmem>> -> memref<1x128xi32, #tpu.memory_space<vmem>>
      %dma_start3A_126 = tpu.memref_squeeze %dma_start3A_125 : memref<1x128xi32, #tpu.memory_space<vmem>> -> memref<128xi32, #tpu.memory_space<vmem>>
      %dma_start3A_127 = arith.constant 0 : i32
      %dma_start3A_128 = arith.constant 0 : i32
      %dma_start3A_129 = tpu.memref_slice %arg2[%dma_start3A_127, %dma_start3A_128] : memref<10240x128xf32, #tpu.memory_space<hbm>> -> memref<10240x128xf32, #tpu.memory_space<hbm>>
      tpu.enqueue_indirect_dma source(%dma_start3A_129 : memref<10240x128xf32, #tpu.memory_space<hbm>>) target(%arg8 : memref<128x128xf32, #tpu.memory_space<vmem>>) offsets(%dma_start3A_126 : memref<128xi32, #tpu.memory_space<vmem>>) semaphore(%arg11 : memref<!tpu.dma_semaphore, #tpu.memory_space<semaphore_mem>>)
      %add3A_130 = arith.constant 1 : i32
      %add3A_131 = arith.addi %mul3A_107, %add3A_130 : i32
      %dma_wait3A_132 = arith.constant 0 : i32
      %dma_wait3A_133 = tpu.memref_slice %arg6[%add3A_131, %dma_wait3A_132] : memref<40x128xi32, #tpu.memory_space<vmem>> -> memref<1x128xi32, #tpu.memory_space<vmem>>
      %dma_wait3A_134 = tpu.memref_squeeze %dma_wait3A_133 : memref<1x128xi32, #tpu.memory_space<vmem>> -> memref<128xi32, #tpu.memory_space<vmem>>
      %dma_wait3A_135 = arith.constant 0 : i32
      %dma_wait3A_136 = arith.constant 0 : i32
      %dma_wait3A_137 = tpu.memref_slice %arg2[%dma_wait3A_135, %dma_wait3A_136] : memref<10240x128xf32, #tpu.memory_space<hbm>> -> memref<10240x128xf32, #tpu.memory_space<hbm>>
      tpu.wait_indirect_dma semaphore(%arg12 : memref<!tpu.dma_semaphore, #tpu.memory_space<semaphore_mem>>) src(%dma_wait3A_137 : memref<10240x128xf32, #tpu.memory_space<hbm>>) dst(%arg9 : memref<128x128xf32, #tpu.memory_space<vmem>>)
      %add3A_138 = arith.constant 1 : i32
      %add3A_139 = arith.addi %mul3A_107, %add3A_138 : i32
      "tpu.region"() ({
        %run_scoped3A_140 = tpu.sem_alloc : memref<!tpu.dma_semaphore, #tpu.memory_space<semaphore_mem>>
        %dma_start3A_141 = arith.constant 0 : i32
        %dma_start3A_142 = tpu.memref_slice %arg7[%add3A_139, %dma_start3A_141] : memref<40x128xi32, #tpu.memory_space<vmem>> -> memref<1x128xi32, #tpu.memory_space<vmem>>
        %dma_start3A_143 = tpu.memref_squeeze %dma_start3A_142 : memref<1x128xi32, #tpu.memory_space<vmem>> -> memref<128xi32, #tpu.memory_space<vmem>>
        %dma_start3A_144 = arith.constant 0 : i32
        %dma_start3A_145 = arith.constant 0 : i32
        %dma_start3A_146 = tpu.memref_slice %arg10[%dma_start3A_144, %dma_start3A_145] : memref<10240x128xf32, #tpu.memory_space<vmem_shared>> -> memref<10240x128xf32, #tpu.memory_space<vmem_shared>>
        tpu.enqueue_indirect_dma source(%arg9 : memref<128x128xf32, #tpu.memory_space<vmem>>) target(%dma_start3A_146 : memref<10240x128xf32, #tpu.memory_space<vmem_shared>>) offsets(%dma_start3A_143 : memref<128xi32, #tpu.memory_space<vmem>>) semaphore(%run_scoped3A_140 : memref<!tpu.dma_semaphore, #tpu.memory_space<semaphore_mem>>) {add = true}
        %dma_wait3A_147 = arith.constant 0 : i32
        %dma_wait3A_148 = tpu.memref_slice %arg7[%add3A_139, %dma_wait3A_147] : memref<40x128xi32, #tpu.memory_space<vmem>> -> memref<1x128xi32, #tpu.memory_space<vmem>>
        %dma_wait3A_149 = tpu.memref_squeeze %dma_wait3A_148 : memref<1x128xi32, #tpu.memory_space<vmem>> -> memref<128xi32, #tpu.memory_space<vmem>>
        %dma_wait3A_150 = arith.constant 0 : i32
        %dma_wait3A_151 = arith.constant 0 : i32
        %dma_wait3A_152 = tpu.memref_slice %arg10[%dma_wait3A_150, %dma_wait3A_151] : memref<10240x128xf32, #tpu.memory_space<vmem_shared>> -> memref<10240x128xf32, #tpu.memory_space<vmem_shared>>
        tpu.wait_indirect_dma semaphore(%run_scoped3A_140 : memref<!tpu.dma_semaphore, #tpu.memory_space<semaphore_mem>>) src(%arg9 : memref<128x128xf32, #tpu.memory_space<vmem>>) dst(%dma_wait3A_152 : memref<10240x128xf32, #tpu.memory_space<vmem_shared>>)
        tpu.yield
      }) : () -> ()
    }
    %scan3A_76 = arith.constant 19 : i32
    %dma_wait3A_77 = arith.constant 38 : i32
    %dma_wait3A_78 = arith.constant 0 : i32
    %dma_wait3A_79 = tpu.memref_slice %arg6[%dma_wait3A_77, %dma_wait3A_78] : memref<40x128xi32, #tpu.memory_space<vmem>> -> memref<1x128xi32, #tpu.memory_space<vmem>>
    %dma_wait3A_80 = tpu.memref_squeeze %dma_wait3A_79 : memref<1x128xi32, #tpu.memory_space<vmem>> -> memref<128xi32, #tpu.memory_space<vmem>>
    %dma_wait3A_81 = arith.constant 0 : i32
    %dma_wait3A_82 = arith.constant 0 : i32
    %dma_wait3A_83 = tpu.memref_slice %arg2[%dma_wait3A_81, %dma_wait3A_82] : memref<10240x128xf32, #tpu.memory_space<hbm>> -> memref<10240x128xf32, #tpu.memory_space<hbm>>
    tpu.wait_indirect_dma semaphore(%arg11 : memref<!tpu.dma_semaphore, #tpu.memory_space<semaphore_mem>>) src(%dma_wait3A_83 : memref<10240x128xf32, #tpu.memory_space<hbm>>) dst(%arg8 : memref<128x128xf32, #tpu.memory_space<vmem>>)
    %dma_start3A_84 = arith.constant 39 : i32
    %dma_start3A_85 = arith.constant 0 : i32
    %dma_start3A_86 = tpu.memref_slice %arg6[%dma_start3A_84, %dma_start3A_85] : memref<40x128xi32, #tpu.memory_space<vmem>> -> memref<1x128xi32, #tpu.memory_space<vmem>>
    %dma_start3A_87 = tpu.memref_squeeze %dma_start3A_86 : memref<1x128xi32, #tpu.memory_space<vmem>> -> memref<128xi32, #tpu.memory_space<vmem>>
    %dma_start3A_88 = arith.constant 0 : i32
    %dma_start3A_89 = arith.constant 0 : i32
    %dma_start3A_90 = tpu.memref_slice %arg2[%dma_start3A_88, %dma_start3A_89] : memref<10240x128xf32, #tpu.memory_space<hbm>> -> memref<10240x128xf32, #tpu.memory_space<hbm>>
    tpu.enqueue_indirect_dma source(%dma_start3A_90 : memref<10240x128xf32, #tpu.memory_space<hbm>>) target(%arg9 : memref<128x128xf32, #tpu.memory_space<vmem>>) offsets(%dma_start3A_87 : memref<128xi32, #tpu.memory_space<vmem>>) semaphore(%arg12 : memref<!tpu.dma_semaphore, #tpu.memory_space<semaphore_mem>>)
    %run_scoped3A_91 = arith.constant 38 : i32
    "tpu.region"() ({
      %run_scoped3A_105 = tpu.sem_alloc : memref<!tpu.dma_semaphore, #tpu.memory_space<semaphore_mem>>
      %dma_start3A_106 = arith.constant 0 : i32
      %dma_start3A_107 = tpu.memref_slice %arg7[%run_scoped3A_91, %dma_start3A_106] : memref<40x128xi32, #tpu.memory_space<vmem>> -> memref<1x128xi32, #tpu.memory_space<vmem>>
      %dma_start3A_108 = tpu.memref_squeeze %dma_start3A_107 : memref<1x128xi32, #tpu.memory_space<vmem>> -> memref<128xi32, #tpu.memory_space<vmem>>
      %dma_start3A_109 = arith.constant 0 : i32
      %dma_start3A_110 = arith.constant 0 : i32
      %dma_start3A_111 = tpu.memref_slice %arg10[%dma_start3A_109, %dma_start3A_110] : memref<10240x128xf32, #tpu.memory_space<vmem_shared>> -> memref<10240x128xf32, #tpu.memory_space<vmem_shared>>
      tpu.enqueue_indirect_dma source(%arg8 : memref<128x128xf32, #tpu.memory_space<vmem>>) target(%dma_start3A_111 : memref<10240x128xf32, #tpu.memory_space<vmem_shared>>) offsets(%dma_start3A_108 : memref<128xi32, #tpu.memory_space<vmem>>) semaphore(%run_scoped3A_105 : memref<!tpu.dma_semaphore, #tpu.memory_space<semaphore_mem>>) {add = true}
      %dma_wait3A_112 = arith.constant 0 : i32
      %dma_wait3A_113 = tpu.memref_slice %arg7[%run_scoped3A_91, %dma_wait3A_112] : memref<40x128xi32, #tpu.memory_space<vmem>> -> memref<1x128xi32, #tpu.memory_space<vmem>>
      %dma_wait3A_114 = tpu.memref_squeeze %dma_wait3A_113 : memref<1x128xi32, #tpu.memory_space<vmem>> -> memref<128xi32, #tpu.memory_space<vmem>>
      %dma_wait3A_115 = arith.constant 0 : i32
      %dma_wait3A_116 = arith.constant 0 : i32
      %dma_wait3A_117 = tpu.memref_slice %arg10[%dma_wait3A_115, %dma_wait3A_116] : memref<10240x128xf32, #tpu.memory_space<vmem_shared>> -> memref<10240x128xf32, #tpu.memory_space<vmem_shared>>
      tpu.wait_indirect_dma semaphore(%run_scoped3A_105 : memref<!tpu.dma_semaphore, #tpu.memory_space<semaphore_mem>>) src(%arg8 : memref<128x128xf32, #tpu.memory_space<vmem>>) dst(%dma_wait3A_117 : memref<10240x128xf32, #tpu.memory_space<vmem_shared>>)
      tpu.yield
    }) : () -> ()
    %dma_wait3A_92 = arith.constant 39 : i32
    %dma_wait3A_93 = arith.constant 0 : i32
    %dma_wait3A_94 = tpu.memref_slice %arg6[%dma_wait3A_92, %dma_wait3A_93] : memref<40x128xi32, #tpu.memory_space<vmem>> -> memref<1x128xi32, #tpu.memory_space<vmem>>
    %dma_wait3A_95 = tpu.memref_squeeze %dma_wait3A_94 : memref<1x128xi32, #tpu.memory_space<vmem>> -> memref<128xi32, #tpu.memory_space<vmem>>
    %dma_wait3A_96 = arith.constant 0 : i32
    %dma_wait3A_97 = arith.constant 0 : i32
    %dma_wait3A_98 = tpu.memref_slice %arg2[%dma_wait3A_96, %dma_wait3A_97] : memref<10240x128xf32, #tpu.memory_space<hbm>> -> memref<10240x128xf32, #tpu.memory_space<hbm>>
    tpu.wait_indirect_dma semaphore(%arg12 : memref<!tpu.dma_semaphore, #tpu.memory_space<semaphore_mem>>) src(%dma_wait3A_98 : memref<10240x128xf32, #tpu.memory_space<hbm>>) dst(%arg9 : memref<128x128xf32, #tpu.memory_space<vmem>>)
    %run_scoped3A_99 = arith.constant 39 : i32
    "tpu.region"() ({
      %run_scoped3A_105 = tpu.sem_alloc : memref<!tpu.dma_semaphore, #tpu.memory_space<semaphore_mem>>
      %dma_start3A_106 = arith.constant 0 : i32
      %dma_start3A_107 = tpu.memref_slice %arg7[%run_scoped3A_99, %dma_start3A_106] : memref<40x128xi32, #tpu.memory_space<vmem>> -> memref<1x128xi32, #tpu.memory_space<vmem>>
      %dma_start3A_108 = tpu.memref_squeeze %dma_start3A_107 : memref<1x128xi32, #tpu.memory_space<vmem>> -> memref<128xi32, #tpu.memory_space<vmem>>
      %dma_start3A_109 = arith.constant 0 : i32
      %dma_start3A_110 = arith.constant 0 : i32
      %dma_start3A_111 = tpu.memref_slice %arg10[%dma_start3A_109, %dma_start3A_110] : memref<10240x128xf32, #tpu.memory_space<vmem_shared>> -> memref<10240x128xf32, #tpu.memory_space<vmem_shared>>
      tpu.enqueue_indirect_dma source(%arg9 : memref<128x128xf32, #tpu.memory_space<vmem>>) target(%dma_start3A_111 : memref<10240x128xf32, #tpu.memory_space<vmem_shared>>) offsets(%dma_start3A_108 : memref<128xi32, #tpu.memory_space<vmem>>) semaphore(%run_scoped3A_105 : memref<!tpu.dma_semaphore, #tpu.memory_space<semaphore_mem>>) {add = true}
      %dma_wait3A_112 = arith.constant 0 : i32
      %dma_wait3A_113 = tpu.memref_slice %arg7[%run_scoped3A_99, %dma_wait3A_112] : memref<40x128xi32, #tpu.memory_space<vmem>> -> memref<1x128xi32, #tpu.memory_space<vmem>>
      %dma_wait3A_114 = tpu.memref_squeeze %dma_wait3A_113 : memref<1x128xi32, #tpu.memory_space<vmem>> -> memref<128xi32, #tpu.memory_space<vmem>>
      %dma_wait3A_115 = arith.constant 0 : i32
      %dma_wait3A_116 = arith.constant 0 : i32
      %dma_wait3A_117 = tpu.memref_slice %arg10[%dma_wait3A_115, %dma_wait3A_116] : memref<10240x128xf32, #tpu.memory_space<vmem_shared>> -> memref<10240x128xf32, #tpu.memory_space<vmem_shared>>
      tpu.wait_indirect_dma semaphore(%run_scoped3A_105 : memref<!tpu.dma_semaphore, #tpu.memory_space<semaphore_mem>>) src(%arg9 : memref<128x128xf32, #tpu.memory_space<vmem>>) dst(%dma_wait3A_117 : memref<10240x128xf32, #tpu.memory_space<vmem_shared>>)
      tpu.yield
    }) : () -> ()
    %barrier3A_100 = arith.constant 0 : index
    tpu.barrier barrier_id(%barrier3A_100)
    %mul3A_101 = arith.constant 640 : i32
    %mul3A_102 = arith.muli %arg1, %mul3A_101 : i32
    %mul3A_103 = arith.constant 640 : i32
    %mul3A_104 = arith.muli %arg1, %mul3A_103 : i32
    "tpu.region"() ({
      %run_scoped3A_105 = tpu.sem_alloc : memref<!tpu.dma_semaphore, #tpu.memory_space<semaphore_mem>>
      %dma_start3A_106 = arith.constant 0 : i32
      %dma_start3A_107 = tpu.memref_slice %arg5[%arg0, %mul3A_104, %dma_start3A_106] : memref<2x10240x128xf32, #tpu.memory_space<hbm>> -> memref<1x640x128xf32, #tpu.memory_space<hbm>>
      %dma_start3A_108 = tpu.memref_squeeze %dma_start3A_107 : memref<1x640x128xf32, #tpu.memory_space<hbm>> -> memref<640x128xf32, #tpu.memory_space<hbm>>
      %dma_start3A_109 = arith.constant 0 : i32
      %dma_start3A_110 = tpu.memref_slice %arg10[%mul3A_102, %dma_start3A_109] : memref<10240x128xf32, #tpu.memory_space<vmem_shared>> -> memref<640x128xf32, #tpu.memory_space<vmem_shared>>
      tpu.enqueue_dma source(%dma_start3A_110 : memref<640x128xf32, #tpu.memory_space<vmem_shared>>) target(%dma_start3A_108 : memref<640x128xf32, #tpu.memory_space<hbm>>) target_semaphore(%run_scoped3A_105 : memref<!tpu.dma_semaphore, #tpu.memory_space<semaphore_mem>>)
      %dma_wait3A_111 = arith.constant 0 : i32
      %dma_wait3A_112 = tpu.memref_slice %arg5[%arg0, %mul3A_104, %dma_wait3A_111] : memref<2x10240x128xf32, #tpu.memory_space<hbm>> -> memref<1x640x128xf32, #tpu.memory_space<hbm>>
      %dma_wait3A_113 = tpu.memref_squeeze %dma_wait3A_112 : memref<1x640x128xf32, #tpu.memory_space<hbm>> -> memref<640x128xf32, #tpu.memory_space<hbm>>
      %dma_wait3A_114 = arith.constant 0 : i32
      %dma_wait3A_115 = tpu.memref_slice %arg10[%mul3A_102, %dma_wait3A_114] : memref<10240x128xf32, #tpu.memory_space<vmem_shared>> -> memref<640x128xf32, #tpu.memory_space<vmem_shared>>
      tpu.wait_dma2 semaphore(%run_scoped3A_105 : memref<!tpu.dma_semaphore, #tpu.memory_space<semaphore_mem>>) src(%dma_wait3A_115 : memref<640x128xf32, #tpu.memory_space<vmem_shared>>) dst(%dma_wait3A_113 : memref<640x128xf32, #tpu.memory_space<hbm>>)
      tpu.yield
    }) : () -> ()
    return
  }
}

#map = affine_map<(d0, d1) -> (0, 0)>
#map1 = affine_map<(d0, d1) -> (0, 0, 0, 0)>
#map2 = affine_map<(d0, d1) -> (0, 0, 0)>
module attributes {stable_mosaic.version = 14 : i64} {
  func.func @agg(%arg0: i32, %arg1: i32, %arg2: memref<10240x128xf32, #tpu.memory_space<hbm>>, %arg3: memref<32x2x40x128xi32, #tpu.memory_space<hbm>>, %arg4: memref<32x2x40x128xi32, #tpu.memory_space<hbm>>, %arg5: memref<2x10240x128xf32, #tpu.memory_space<hbm>>, %arg6: memref<40x128xi32, #tpu.memory_space<vmem>>, %arg7: memref<40x128xi32, #tpu.memory_space<vmem>>, %arg8: memref<128x128xf32, #tpu.memory_space<vmem>>, %arg9: memref<128x128xf32, #tpu.memory_space<vmem>>, %arg10: memref<10240x128xf32, #tpu.memory_space<vmem_shared>>, %arg11: memref<!tpu.dma_semaphore, #tpu.memory_space<semaphore_mem>>, %arg12: memref<!tpu.dma_semaphore, #tpu.memory_space<semaphore_mem>>) attributes {dimension_semantics = [#tpu.dimension_semantics<core_parallel>, #tpu.dimension_semantics<subcore_parallel>], iteration_bounds = array<i64: 2, 16>, scalar_prefetch = 0 : i64, scratch_operands = 7 : i64, tpu.core_type = #tpu.core_type<sc_vector_subcore>, window_params = [{transform_indices = #map}, {transform_indices = #map1}, {transform_indices = #map1}, {transform_indices = #map2}]} {
    %mul3A = arith.constant 16 : i32
    %mul3A_0 = arith.muli %arg0, %mul3A : i32
    %add3A = arith.addi %mul3A_0, %arg1 : i32
    %broadcast_in_dim3A = arith.constant 0.000000e+00 : f32
    %broadcast_in_dim3A_1 = vector.broadcast %broadcast_in_dim3A : f32 to vector<16xf32>
    %scan3A = arith.constant 0 : i32
    %scan3A_2 = arith.constant 0 : i32
    %scan3A_3 = arith.constant 1024 : i32
    %scan3A_4 = arith.addi %scan3A_2, %scan3A_3 : i32
    %scan3A_5 = arith.constant 1 : i32
    scf.for %scan3A_105 = %scan3A_2 to %scan3A_4 step %scan3A_5  : i32 {
      %jit3A = arith.constant 8 : i32
      %div3A = arith.divsi %scan3A_105, %jit3A : i32
      %sign3A = arith.constant 0 : i32
      %sign3A_106 = arith.cmpi sgt, %scan3A_105, %sign3A : i32
      %sign3A_107 = arith.extui %sign3A_106 : i1 to i32
      %sign3A_108 = arith.constant 0 : i32
      %sign3A_109 = arith.cmpi slt, %scan3A_105, %sign3A_108 : i32
      %sign3A_110 = arith.extui %sign3A_109 : i1 to i32
      %sign3A_111 = arith.subi %sign3A_107, %sign3A_110 : i32
      %sign3A_112 = arith.constant 0 : i32
      %sign3A_113 = arith.cmpi sgt, %jit3A, %sign3A_112 : i32
      %sign3A_114 = arith.extui %sign3A_113 : i1 to i32
      %sign3A_115 = arith.constant 0 : i32
      %sign3A_116 = arith.cmpi slt, %jit3A, %sign3A_115 : i32
      %sign3A_117 = arith.extui %sign3A_116 : i1 to i32
      %sign3A_118 = arith.subi %sign3A_114, %sign3A_117 : i32
      %ne3A = arith.cmpi ne, %sign3A_111, %sign3A_118 : i32
      %rem3A = arith.remsi %scan3A_105, %jit3A : i32
      %ne3A_119 = arith.constant 0 : i32
      %ne3A_120 = arith.cmpi ne, %rem3A, %ne3A_119 : i32
      %and3A = arith.andi %ne3A, %ne3A_120 : i1
      %sub3A = arith.constant 1 : i32
      %sub3A_121 = arith.subi %div3A, %sub3A : i32
      %select_n3A = arith.select %and3A, %sub3A_121, %div3A : i32
      %jit3A_122 = arith.constant 8 : i32
      %eq3A = arith.constant 0 : i32
      %eq3A_123 = arith.cmpi eq, %jit3A_122, %eq3A : i32
      %jit3A_124 = arith.constant 1 : i32
      %select_n3A_125 = arith.select %eq3A_123, %jit3A_124, %jit3A_122 : i32
      %rem3A_126 = arith.remsi %scan3A_105, %select_n3A_125 : i32
      %ne3A_127 = arith.constant 0 : i32
      %ne3A_128 = arith.cmpi ne, %rem3A_126, %ne3A_127 : i32
      %lt3A = arith.constant 0 : i32
      %lt3A_129 = arith.cmpi slt, %rem3A_126, %lt3A : i32
      %lt3A_130 = arith.constant 0 : i32
      %lt3A_131 = arith.cmpi slt, %select_n3A_125, %lt3A_130 : i32
      %ne3A_132 = arith.xori %lt3A_129, %lt3A_131 : i1
      %and3A_133 = arith.andi %ne3A_132, %ne3A_128 : i1
      %add3A_134 = arith.addi %rem3A_126, %select_n3A_125 : i32
      %select_n3A_135 = arith.select %and3A_133, %add3A_134, %rem3A_126 : i32
      %mul3A_136 = arith.constant 16 : i32
      %mul3A_137 = arith.muli %select_n3A_135, %mul3A_136 : i32
      %swap3A = arith.index_cast %select_n3A : i32 to index
      %swap3A_138 = arith.index_cast %mul3A_137 : i32 to index
      %swap3A_139 = tpu.vector_load %arg8[%swap3A, %swap3A_138] {strides = array<i32>} : memref<128x128xf32, #tpu.memory_space<vmem>>, vector<1x16xf32>,
      %swap3A_140 = vector.shape_cast %swap3A_139 : vector<1x16xf32> to vector<16xf32>
      %swap3A_141 = vector.shape_cast %broadcast_in_dim3A_1 : vector<16xf32> to vector<1x16xf32>
      tpu.vector_store %arg8[%swap3A, %swap3A_138], %swap3A_141 {strides = array<i32>} : memref<128x128xf32, #tpu.memory_space<vmem>>, vector<1x16xf32>,
    }
    %scan3A_6 = arith.constant 1024 : i32
    %mul3A_7 = arith.constant 640 : i32
    %mul3A_8 = arith.muli %arg1, %mul3A_7 : i32
    %add3A_9 = arith.constant 0 : i32
    %add3A_10 = arith.addi %mul3A_8, %add3A_9 : i32
    "tpu.region"() ({
      %run_scoped3A_105 = tpu.sem_alloc : memref<!tpu.dma_semaphore, #tpu.memory_space<semaphore_mem>>
      %dma_start3A_106 = arith.constant 0 : i32
      %dma_start3A_107 = tpu.memref_slice %arg10[%add3A_10, %dma_start3A_106] : memref<10240x128xf32, #tpu.memory_space<vmem_shared>> -> memref<128x128xf32, #tpu.memory_space<vmem_shared>>
      %dma_start3A_108 = arith.constant 0 : i32
      %dma_start3A_109 = tpu.memref_slice %arg10[%add3A_10, %dma_start3A_108] : memref<10240x128xf32, #tpu.memory_space<vmem_shared>> -> memref<128x128xf32, #tpu.memory_space<vmem_shared>>
      tpu.enqueue_dma source(%arg8 : memref<128x128xf32, #tpu.memory_space<vmem>>) target(%dma_start3A_109 : memref<128x128xf32, #tpu.memory_space<vmem_shared>>) target_semaphore(%run_scoped3A_105 : memref<!tpu.dma_semaphore, #tpu.memory_space<semaphore_mem>>)
      %dma_wait3A_110 = arith.constant 0 : i32
      %dma_wait3A_111 = tpu.memref_slice %arg10[%add3A_10, %dma_wait3A_110] : memref<10240x128xf32, #tpu.memory_space<vmem_shared>> -> memref<128x128xf32, #tpu.memory_space<vmem_shared>>
      %dma_wait3A_112 = arith.constant 0 : i32
      %dma_wait3A_113 = tpu.memref_slice %arg10[%add3A_10, %dma_wait3A_112] : memref<10240x128xf32, #tpu.memory_space<vmem_shared>> -> memref<128x128xf32, #tpu.memory_space<vmem_shared>>
      tpu.wait_dma2 semaphore(%run_scoped3A_105 : memref<!tpu.dma_semaphore, #tpu.memory_space<semaphore_mem>>) src(%arg8 : memref<128x128xf32, #tpu.memory_space<vmem>>) dst(%dma_wait3A_113 : memref<128x128xf32, #tpu.memory_space<vmem_shared>>)
      tpu.yield
    }) : () -> ()
    %mul3A_11 = arith.constant 640 : i32
    %mul3A_12 = arith.muli %arg1, %mul3A_11 : i32
    %add3A_13 = arith.constant 128 : i32
    %add3A_14 = arith.addi %mul3A_12, %add3A_13 : i32
    "tpu.region"() ({
      %run_scoped3A_105 = tpu.sem_alloc : memref<!tpu.dma_semaphore, #tpu.memory_space<semaphore_mem>>
      %dma_start3A_106 = arith.constant 0 : i32
      %dma_start3A_107 = tpu.memref_slice %arg10[%add3A_14, %dma_start3A_106] : memref<10240x128xf32, #tpu.memory_space<vmem_shared>> -> memref<128x128xf32, #tpu.memory_space<vmem_shared>>
      %dma_start3A_108 = arith.constant 0 : i32
      %dma_start3A_109 = tpu.memref_slice %arg10[%add3A_14, %dma_start3A_108] : memref<10240x128xf32, #tpu.memory_space<vmem_shared>> -> memref<128x128xf32, #tpu.memory_space<vmem_shared>>
      tpu.enqueue_dma source(%arg8 : memref<128x128xf32, #tpu.memory_space<vmem>>) target(%dma_start3A_109 : memref<128x128xf32, #tpu.memory_space<vmem_shared>>) target_semaphore(%run_scoped3A_105 : memref<!tpu.dma_semaphore, #tpu.memory_space<semaphore_mem>>)
      %dma_wait3A_110 = arith.constant 0 : i32
      %dma_wait3A_111 = tpu.memref_slice %arg10[%add3A_14, %dma_wait3A_110] : memref<10240x128xf32, #tpu.memory_space<vmem_shared>> -> memref<128x128xf32, #tpu.memory_space<vmem_shared>>
      %dma_wait3A_112 = arith.constant 0 : i32
      %dma_wait3A_113 = tpu.memref_slice %arg10[%add3A_14, %dma_wait3A_112] : memref<10240x128xf32, #tpu.memory_space<vmem_shared>> -> memref<128x128xf32, #tpu.memory_space<vmem_shared>>
      tpu.wait_dma2 semaphore(%run_scoped3A_105 : memref<!tpu.dma_semaphore, #tpu.memory_space<semaphore_mem>>) src(%arg8 : memref<128x128xf32, #tpu.memory_space<vmem>>) dst(%dma_wait3A_113 : memref<128x128xf32, #tpu.memory_space<vmem_shared>>)
      tpu.yield
    }) : () -> ()
    %mul3A_15 = arith.constant 640 : i32
    %mul3A_16 = arith.muli %arg1, %mul3A_15 : i32
    %add3A_17 = arith.constant 256 : i32
    %add3A_18 = arith.addi %mul3A_16, %add3A_17 : i32
    "tpu.region"() ({
      %run_scoped3A_105 = tpu.sem_alloc : memref<!tpu.dma_semaphore, #tpu.memory_space<semaphore_mem>>
      %dma_start3A_106 = arith.constant 0 : i32
      %dma_start3A_107 = tpu.memref_slice %arg10[%add3A_18, %dma_start3A_106] : memref<10240x128xf32, #tpu.memory_space<vmem_shared>> -> memref<128x128xf32, #tpu.memory_space<vmem_shared>>
      %dma_start3A_108 = arith.constant 0 : i32
      %dma_start3A_109 = tpu.memref_slice %arg10[%add3A_18, %dma_start3A_108] : memref<10240x128xf32, #tpu.memory_space<vmem_shared>> -> memref<128x128xf32, #tpu.memory_space<vmem_shared>>
      tpu.enqueue_dma source(%arg8 : memref<128x128xf32, #tpu.memory_space<vmem>>) target(%dma_start3A_109 : memref<128x128xf32, #tpu.memory_space<vmem_shared>>) target_semaphore(%run_scoped3A_105 : memref<!tpu.dma_semaphore, #tpu.memory_space<semaphore_mem>>)
      %dma_wait3A_110 = arith.constant 0 : i32
      %dma_wait3A_111 = tpu.memref_slice %arg10[%add3A_18, %dma_wait3A_110] : memref<10240x128xf32, #tpu.memory_space<vmem_shared>> -> memref<128x128xf32, #tpu.memory_space<vmem_shared>>
      %dma_wait3A_112 = arith.constant 0 : i32
      %dma_wait3A_113 = tpu.memref_slice %arg10[%add3A_18, %dma_wait3A_112] : memref<10240x128xf32, #tpu.memory_space<vmem_shared>> -> memref<128x128xf32, #tpu.memory_space<vmem_shared>>
      tpu.wait_dma2 semaphore(%run_scoped3A_105 : memref<!tpu.dma_semaphore, #tpu.memory_space<semaphore_mem>>) src(%arg8 : memref<128x128xf32, #tpu.memory_space<vmem>>) dst(%dma_wait3A_113 : memref<128x128xf32, #tpu.memory_space<vmem_shared>>)
      tpu.yield
    }) : () -> ()
    %mul3A_19 = arith.constant 640 : i32
    %mul3A_20 = arith.muli %arg1, %mul3A_19 : i32
    %add3A_21 = arith.constant 384 : i32
    %add3A_22 = arith.addi %mul3A_20, %add3A_21 : i32
    "tpu.region"() ({
      %run_scoped3A_105 = tpu.sem_alloc : memref<!tpu.dma_semaphore, #tpu.memory_space<semaphore_mem>>
      %dma_start3A_106 = arith.constant 0 : i32
      %dma_start3A_107 = tpu.memref_slice %arg10[%add3A_22, %dma_start3A_106] : memref<10240x128xf32, #tpu.memory_space<vmem_shared>> -> memref<128x128xf32, #tpu.memory_space<vmem_shared>>
      %dma_start3A_108 = arith.constant 0 : i32
      %dma_start3A_109 = tpu.memref_slice %arg10[%add3A_22, %dma_start3A_108] : memref<10240x128xf32, #tpu.memory_space<vmem_shared>> -> memref<128x128xf32, #tpu.memory_space<vmem_shared>>
      tpu.enqueue_dma source(%arg8 : memref<128x128xf32, #tpu.memory_space<vmem>>) target(%dma_start3A_109 : memref<128x128xf32, #tpu.memory_space<vmem_shared>>) target_semaphore(%run_scoped3A_105 : memref<!tpu.dma_semaphore, #tpu.memory_space<semaphore_mem>>)
      %dma_wait3A_110 = arith.constant 0 : i32
      %dma_wait3A_111 = tpu.memref_slice %arg10[%add3A_22, %dma_wait3A_110] : memref<10240x128xf32, #tpu.memory_space<vmem_shared>> -> memref<128x128xf32, #tpu.memory_space<vmem_shared>>
      %dma_wait3A_112 = arith.constant 0 : i32
      %dma_wait3A_113 = tpu.memref_slice %arg10[%add3A_22, %dma_wait3A_112] : memref<10240x128xf32, #tpu.memory_space<vmem_shared>> -> memref<128x128xf32, #tpu.memory_space<vmem_shared>>
      tpu.wait_dma2 semaphore(%run_scoped3A_105 : memref<!tpu.dma_semaphore, #tpu.memory_space<semaphore_mem>>) src(%arg8 : memref<128x128xf32, #tpu.memory_space<vmem>>) dst(%dma_wait3A_113 : memref<128x128xf32, #tpu.memory_space<vmem_shared>>)
      tpu.yield
    }) : () -> ()
    %mul3A_23 = arith.constant 640 : i32
    %mul3A_24 = arith.muli %arg1, %mul3A_23 : i32
    %add3A_25 = arith.constant 512 : i32
    %add3A_26 = arith.addi %mul3A_24, %add3A_25 : i32
    "tpu.region"() ({
      %run_scoped3A_105 = tpu.sem_alloc : memref<!tpu.dma_semaphore, #tpu.memory_space<semaphore_mem>>
      %dma_start3A_106 = arith.constant 0 : i32
      %dma_start3A_107 = tpu.memref_slice %arg10[%add3A_26, %dma_start3A_106] : memref<10240x128xf32, #tpu.memory_space<vmem_shared>> -> memref<128x128xf32, #tpu.memory_space<vmem_shared>>
      %dma_start3A_108 = arith.constant 0 : i32
      %dma_start3A_109 = tpu.memref_slice %arg10[%add3A_26, %dma_start3A_108] : memref<10240x128xf32, #tpu.memory_space<vmem_shared>> -> memref<128x128xf32, #tpu.memory_space<vmem_shared>>
      tpu.enqueue_dma source(%arg8 : memref<128x128xf32, #tpu.memory_space<vmem>>) target(%dma_start3A_109 : memref<128x128xf32, #tpu.memory_space<vmem_shared>>) target_semaphore(%run_scoped3A_105 : memref<!tpu.dma_semaphore, #tpu.memory_space<semaphore_mem>>)
      %dma_wait3A_110 = arith.constant 0 : i32
      %dma_wait3A_111 = tpu.memref_slice %arg10[%add3A_26, %dma_wait3A_110] : memref<10240x128xf32, #tpu.memory_space<vmem_shared>> -> memref<128x128xf32, #tpu.memory_space<vmem_shared>>
      %dma_wait3A_112 = arith.constant 0 : i32
      %dma_wait3A_113 = tpu.memref_slice %arg10[%add3A_26, %dma_wait3A_112] : memref<10240x128xf32, #tpu.memory_space<vmem_shared>> -> memref<128x128xf32, #tpu.memory_space<vmem_shared>>
      tpu.wait_dma2 semaphore(%run_scoped3A_105 : memref<!tpu.dma_semaphore, #tpu.memory_space<semaphore_mem>>) src(%arg8 : memref<128x128xf32, #tpu.memory_space<vmem>>) dst(%dma_wait3A_113 : memref<128x128xf32, #tpu.memory_space<vmem_shared>>)
      tpu.yield
    }) : () -> ()
    %barrier3A = arith.constant 0 : index
    tpu.barrier barrier_id(%barrier3A)
    %run_scoped3A = arith.constant 0 : i32
    "tpu.region"() ({
      %run_scoped3A_105 = tpu.sem_alloc : memref<!tpu.dma_semaphore, #tpu.memory_space<semaphore_mem>>
      %dma_start3A_106 = arith.constant 0 : i32
      %dma_start3A_107 = arith.constant 0 : i32
      %dma_start3A_108 = tpu.memref_slice %arg3[%add3A, %run_scoped3A, %dma_start3A_106, %dma_start3A_107] : memref<32x2x40x128xi32, #tpu.memory_space<hbm>> -> memref<1x1x40x128xi32, #tpu.memory_space<hbm>>
      %dma_start3A_109 = tpu.memref_squeeze %dma_start3A_108 : memref<1x1x40x128xi32, #tpu.memory_space<hbm>> -> memref<40x128xi32, #tpu.memory_space<hbm>>
      %dma_start3A_110 = arith.constant 0 : i32
      %dma_start3A_111 = arith.constant 0 : i32
      %dma_start3A_112 = tpu.memref_slice %arg3[%add3A, %run_scoped3A, %dma_start3A_110, %dma_start3A_111] : memref<32x2x40x128xi32, #tpu.memory_space<hbm>> -> memref<1x1x40x128xi32, #tpu.memory_space<hbm>>
      %dma_start3A_113 = tpu.memref_squeeze %dma_start3A_112 : memref<1x1x40x128xi32, #tpu.memory_space<hbm>> -> memref<40x128xi32, #tpu.memory_space<hbm>>
      tpu.enqueue_dma source(%dma_start3A_113 : memref<40x128xi32, #tpu.memory_space<hbm>>) target(%arg6 : memref<40x128xi32, #tpu.memory_space<vmem>>) target_semaphore(%run_scoped3A_105 : memref<!tpu.dma_semaphore, #tpu.memory_space<semaphore_mem>>)
      %dma_wait3A_114 = arith.constant 0 : i32
      %dma_wait3A_115 = arith.constant 0 : i32
      %dma_wait3A_116 = tpu.memref_slice %arg3[%add3A, %run_scoped3A, %dma_wait3A_114, %dma_wait3A_115] : memref<32x2x40x128xi32, #tpu.memory_space<hbm>> -> memref<1x1x40x128xi32, #tpu.memory_space<hbm>>
      %dma_wait3A_117 = tpu.memref_squeeze %dma_wait3A_116 : memref<1x1x40x128xi32, #tpu.memory_space<hbm>> -> memref<40x128xi32, #tpu.memory_space<hbm>>
      %dma_wait3A_118 = arith.constant 0 : i32
      %dma_wait3A_119 = arith.constant 0 : i32
      %dma_wait3A_120 = tpu.memref_slice %arg3[%add3A, %run_scoped3A, %dma_wait3A_118, %dma_wait3A_119] : memref<32x2x40x128xi32, #tpu.memory_space<hbm>> -> memref<1x1x40x128xi32, #tpu.memory_space<hbm>>
      %dma_wait3A_121 = tpu.memref_squeeze %dma_wait3A_120 : memref<1x1x40x128xi32, #tpu.memory_space<hbm>> -> memref<40x128xi32, #tpu.memory_space<hbm>>
      tpu.wait_dma2 semaphore(%run_scoped3A_105 : memref<!tpu.dma_semaphore, #tpu.memory_space<semaphore_mem>>) src(%dma_wait3A_121 : memref<40x128xi32, #tpu.memory_space<hbm>>) dst(%arg6 : memref<40x128xi32, #tpu.memory_space<vmem>>)
      tpu.yield
    }) : () -> ()
    %run_scoped3A_27 = arith.constant 0 : i32
    "tpu.region"() ({
      %run_scoped3A_105 = tpu.sem_alloc : memref<!tpu.dma_semaphore, #tpu.memory_space<semaphore_mem>>
      %dma_start3A_106 = arith.constant 0 : i32
      %dma_start3A_107 = arith.constant 0 : i32
      %dma_start3A_108 = tpu.memref_slice %arg4[%add3A, %run_scoped3A_27, %dma_start3A_106, %dma_start3A_107] : memref<32x2x40x128xi32, #tpu.memory_space<hbm>> -> memref<1x1x40x128xi32, #tpu.memory_space<hbm>>
      %dma_start3A_109 = tpu.memref_squeeze %dma_start3A_108 : memref<1x1x40x128xi32, #tpu.memory_space<hbm>> -> memref<40x128xi32, #tpu.memory_space<hbm>>
      %dma_start3A_110 = arith.constant 0 : i32
      %dma_start3A_111 = arith.constant 0 : i32
      %dma_start3A_112 = tpu.memref_slice %arg4[%add3A, %run_scoped3A_27, %dma_start3A_110, %dma_start3A_111] : memref<32x2x40x128xi32, #tpu.memory_space<hbm>> -> memref<1x1x40x128xi32, #tpu.memory_space<hbm>>
      %dma_start3A_113 = tpu.memref_squeeze %dma_start3A_112 : memref<1x1x40x128xi32, #tpu.memory_space<hbm>> -> memref<40x128xi32, #tpu.memory_space<hbm>>
      tpu.enqueue_dma source(%dma_start3A_113 : memref<40x128xi32, #tpu.memory_space<hbm>>) target(%arg7 : memref<40x128xi32, #tpu.memory_space<vmem>>) target_semaphore(%run_scoped3A_105 : memref<!tpu.dma_semaphore, #tpu.memory_space<semaphore_mem>>)
      %dma_wait3A_114 = arith.constant 0 : i32
      %dma_wait3A_115 = arith.constant 0 : i32
      %dma_wait3A_116 = tpu.memref_slice %arg4[%add3A, %run_scoped3A_27, %dma_wait3A_114, %dma_wait3A_115] : memref<32x2x40x128xi32, #tpu.memory_space<hbm>> -> memref<1x1x40x128xi32, #tpu.memory_space<hbm>>
      %dma_wait3A_117 = tpu.memref_squeeze %dma_wait3A_116 : memref<1x1x40x128xi32, #tpu.memory_space<hbm>> -> memref<40x128xi32, #tpu.memory_space<hbm>>
      %dma_wait3A_118 = arith.constant 0 : i32
      %dma_wait3A_119 = arith.constant 0 : i32
      %dma_wait3A_120 = tpu.memref_slice %arg4[%add3A, %run_scoped3A_27, %dma_wait3A_118, %dma_wait3A_119] : memref<32x2x40x128xi32, #tpu.memory_space<hbm>> -> memref<1x1x40x128xi32, #tpu.memory_space<hbm>>
      %dma_wait3A_121 = tpu.memref_squeeze %dma_wait3A_120 : memref<1x1x40x128xi32, #tpu.memory_space<hbm>> -> memref<40x128xi32, #tpu.memory_space<hbm>>
      tpu.wait_dma2 semaphore(%run_scoped3A_105 : memref<!tpu.dma_semaphore, #tpu.memory_space<semaphore_mem>>) src(%dma_wait3A_121 : memref<40x128xi32, #tpu.memory_space<hbm>>) dst(%arg7 : memref<40x128xi32, #tpu.memory_space<vmem>>)
      tpu.yield
    }) : () -> ()
    %dma_start3A = arith.constant 0 : i32
    %dma_start3A_28 = arith.constant 0 : i32
    %dma_start3A_29 = tpu.memref_slice %arg6[%dma_start3A, %dma_start3A_28] : memref<40x128xi32, #tpu.memory_space<vmem>> -> memref<1x128xi32, #tpu.memory_space<vmem>>
    %dma_start3A_30 = tpu.memref_squeeze %dma_start3A_29 : memref<1x128xi32, #tpu.memory_space<vmem>> -> memref<128xi32, #tpu.memory_space<vmem>>
    %dma_start3A_31 = arith.constant 0 : i32
    %dma_start3A_32 = arith.constant 0 : i32
    %dma_start3A_33 = tpu.memref_slice %arg2[%dma_start3A_31, %dma_start3A_32] : memref<10240x128xf32, #tpu.memory_space<hbm>> -> memref<10240x128xf32, #tpu.memory_space<hbm>>
    tpu.enqueue_indirect_dma source(%dma_start3A_33 : memref<10240x128xf32, #tpu.memory_space<hbm>>) target(%arg8 : memref<128x128xf32, #tpu.memory_space<vmem>>) offsets(%dma_start3A_30 : memref<128xi32, #tpu.memory_space<vmem>>) semaphore(%arg11 : memref<!tpu.dma_semaphore, #tpu.memory_space<semaphore_mem>>)
    %scan3A_34 = arith.constant 0 : i32
    %scan3A_35 = arith.constant 0 : i32
    %scan3A_36 = arith.constant 19 : i32
    %scan3A_37 = arith.addi %scan3A_35, %scan3A_36 : i32
    %scan3A_38 = arith.constant 1 : i32
    scf.for %scan3A_105 = %scan3A_35 to %scan3A_37 step %scan3A_38  : i32 {
      %mul3A_106 = arith.constant 2 : i32
      %mul3A_107 = arith.muli %mul3A_106, %scan3A_105 : i32
      %add3A_108 = arith.constant 1 : i32
      %add3A_109 = arith.addi %mul3A_107, %add3A_108 : i32
      %dma_start3A_110 = arith.constant 0 : i32
      %dma_start3A_111 = tpu.memref_slice %arg6[%add3A_109, %dma_start3A_110] : memref<40x128xi32, #tpu.memory_space<vmem>> -> memref<1x128xi32, #tpu.memory_space<vmem>>
      %dma_start3A_112 = tpu.memref_squeeze %dma_start3A_111 : memref<1x128xi32, #tpu.memory_space<vmem>> -> memref<128xi32, #tpu.memory_space<vmem>>
      %dma_start3A_113 = arith.constant 0 : i32
      %dma_start3A_114 = arith.constant 0 : i32
      %dma_start3A_115 = tpu.memref_slice %arg2[%dma_start3A_113, %dma_start3A_114] : memref<10240x128xf32, #tpu.memory_space<hbm>> -> memref<10240x128xf32, #tpu.memory_space<hbm>>
      tpu.enqueue_indirect_dma source(%dma_start3A_115 : memref<10240x128xf32, #tpu.memory_space<hbm>>) target(%arg9 : memref<128x128xf32, #tpu.memory_space<vmem>>) offsets(%dma_start3A_112 : memref<128xi32, #tpu.memory_space<vmem>>) semaphore(%arg12 : memref<!tpu.dma_semaphore, #tpu.memory_space<semaphore_mem>>)
      %dma_wait3A_116 = arith.constant 0 : i32
      %dma_wait3A_117 = tpu.memref_slice %arg6[%mul3A_107, %dma_wait3A_116] : memref<40x128xi32, #tpu.memory_space<vmem>> -> memref<1x128xi32, #tpu.memory_space<vmem>>
      %dma_wait3A_118 = tpu.memref_squeeze %dma_wait3A_117 : memref<1x128xi32, #tpu.memory_space<vmem>> -> memref<128xi32, #tpu.memory_space<vmem>>
      %dma_wait3A_119 = arith.constant 0 : i32
      %dma_wait3A_120 = arith.constant 0 : i32
      %dma_wait3A_121 = tpu.memref_slice %arg2[%dma_wait3A_119, %dma_wait3A_120] : memref<10240x128xf32, #tpu.memory_space<hbm>> -> memref<10240x128xf32, #tpu.memory_space<hbm>>
      tpu.wait_indirect_dma semaphore(%arg11 : memref<!tpu.dma_semaphore, #tpu.memory_space<semaphore_mem>>) src(%dma_wait3A_121 : memref<10240x128xf32, #tpu.memory_space<hbm>>) dst(%arg8 : memref<128x128xf32, #tpu.memory_space<vmem>>)
      "tpu.region"() ({
        %run_scoped3A_140 = tpu.sem_alloc : memref<!tpu.dma_semaphore, #tpu.memory_space<semaphore_mem>>
        %dma_start3A_141 = arith.constant 0 : i32
        %dma_start3A_142 = tpu.memref_slice %arg7[%mul3A_107, %dma_start3A_141] : memref<40x128xi32, #tpu.memory_space<vmem>> -> memref<1x128xi32, #tpu.memory_space<vmem>>
        %dma_start3A_143 = tpu.memref_squeeze %dma_start3A_142 : memref<1x128xi32, #tpu.memory_space<vmem>> -> memref<128xi32, #tpu.memory_space<vmem>>
        %dma_start3A_144 = arith.constant 0 : i32
        %dma_start3A_145 = arith.constant 0 : i32
        %dma_start3A_146 = tpu.memref_slice %arg10[%dma_start3A_144, %dma_start3A_145] : memref<10240x128xf32, #tpu.memory_space<vmem_shared>> -> memref<10240x128xf32, #tpu.memory_space<vmem_shared>>
        tpu.enqueue_indirect_dma source(%arg8 : memref<128x128xf32, #tpu.memory_space<vmem>>) target(%dma_start3A_146 : memref<10240x128xf32, #tpu.memory_space<vmem_shared>>) offsets(%dma_start3A_143 : memref<128xi32, #tpu.memory_space<vmem>>) semaphore(%run_scoped3A_140 : memref<!tpu.dma_semaphore, #tpu.memory_space<semaphore_mem>>) {add = true}
        %dma_wait3A_147 = arith.constant 0 : i32
        %dma_wait3A_148 = tpu.memref_slice %arg7[%mul3A_107, %dma_wait3A_147] : memref<40x128xi32, #tpu.memory_space<vmem>> -> memref<1x128xi32, #tpu.memory_space<vmem>>
        %dma_wait3A_149 = tpu.memref_squeeze %dma_wait3A_148 : memref<1x128xi32, #tpu.memory_space<vmem>> -> memref<128xi32, #tpu.memory_space<vmem>>
        %dma_wait3A_150 = arith.constant 0 : i32
        %dma_wait3A_151 = arith.constant 0 : i32
        %dma_wait3A_152 = tpu.memref_slice %arg10[%dma_wait3A_150, %dma_wait3A_151] : memref<10240x128xf32, #tpu.memory_space<vmem_shared>> -> memref<10240x128xf32, #tpu.memory_space<vmem_shared>>
        tpu.wait_indirect_dma semaphore(%run_scoped3A_140 : memref<!tpu.dma_semaphore, #tpu.memory_space<semaphore_mem>>) src(%arg8 : memref<128x128xf32, #tpu.memory_space<vmem>>) dst(%dma_wait3A_152 : memref<10240x128xf32, #tpu.memory_space<vmem_shared>>)
        tpu.yield
      }) : () -> ()
      %add3A_122 = arith.constant 2 : i32
      %add3A_123 = arith.addi %mul3A_107, %add3A_122 : i32
      %dma_start3A_124 = arith.constant 0 : i32
      %dma_start3A_125 = tpu.memref_slice %arg6[%add3A_123, %dma_start3A_124] : memref<40x128xi32, #tpu.memory_space<vmem>> -> memref<1x128xi32, #tpu.memory_space<vmem>>
      %dma_start3A_126 = tpu.memref_squeeze %dma_start3A_125 : memref<1x128xi32, #tpu.memory_space<vmem>> -> memref<128xi32, #tpu.memory_space<vmem>>
      %dma_start3A_127 = arith.constant 0 : i32
      %dma_start3A_128 = arith.constant 0 : i32
      %dma_start3A_129 = tpu.memref_slice %arg2[%dma_start3A_127, %dma_start3A_128] : memref<10240x128xf32, #tpu.memory_space<hbm>> -> memref<10240x128xf32, #tpu.memory_space<hbm>>
      tpu.enqueue_indirect_dma source(%dma_start3A_129 : memref<10240x128xf32, #tpu.memory_space<hbm>>) target(%arg8 : memref<128x128xf32, #tpu.memory_space<vmem>>) offsets(%dma_start3A_126 : memref<128xi32, #tpu.memory_space<vmem>>) semaphore(%arg11 : memref<!tpu.dma_semaphore, #tpu.memory_space<semaphore_mem>>)
      %add3A_130 = arith.constant 1 : i32
      %add3A_131 = arith.addi %mul3A_107, %add3A_130 : i32
      %dma_wait3A_132 = arith.constant 0 : i32
      %dma_wait3A_133 = tpu.memref_slice %arg6[%add3A_131, %dma_wait3A_132] : memref<40x128xi32, #tpu.memory_space<vmem>> -> memref<1x128xi32, #tpu.memory_space<vmem>>
      %dma_wait3A_134 = tpu.memref_squeeze %dma_wait3A_133 : memref<1x128xi32, #tpu.memory_space<vmem>> -> memref<128xi32, #tpu.memory_space<vmem>>
      %dma_wait3A_135 = arith.constant 0 : i32
      %dma_wait3A_136 = arith.constant 0 : i32
      %dma_wait3A_137 = tpu.memref_slice %arg2[%dma_wait3A_135, %dma_wait3A_136] : memref<10240x128xf32, #tpu.memory_space<hbm>> -> memref<10240x128xf32, #tpu.memory_space<hbm>>
      tpu.wait_indirect_dma semaphore(%arg12 : memref<!tpu.dma_semaphore, #tpu.memory_space<semaphore_mem>>) src(%dma_wait3A_137 : memref<10240x128xf32, #tpu.memory_space<hbm>>) dst(%arg9 : memref<128x128xf32, #tpu.memory_space<vmem>>)
      %add3A_138 = arith.constant 1 : i32
      %add3A_139 = arith.addi %mul3A_107, %add3A_138 : i32
      "tpu.region"() ({
        %run_scoped3A_140 = tpu.sem_alloc : memref<!tpu.dma_semaphore, #tpu.memory_space<semaphore_mem>>
        %dma_start3A_141 = arith.constant 0 : i32
        %dma_start3A_142 = tpu.memref_slice %arg7[%add3A_139, %dma_start3A_141] : memref<40x128xi32, #tpu.memory_space<vmem>> -> memref<1x128xi32, #tpu.memory_space<vmem>>
        %dma_start3A_143 = tpu.memref_squeeze %dma_start3A_142 : memref<1x128xi32, #tpu.memory_space<vmem>> -> memref<128xi32, #tpu.memory_space<vmem>>
        %dma_start3A_144 = arith.constant 0 : i32
        %dma_start3A_145 = arith.constant 0 : i32
        %dma_start3A_146 = tpu.memref_slice %arg10[%dma_start3A_144, %dma_start3A_145] : memref<10240x128xf32, #tpu.memory_space<vmem_shared>> -> memref<10240x128xf32, #tpu.memory_space<vmem_shared>>
        tpu.enqueue_indirect_dma source(%arg9 : memref<128x128xf32, #tpu.memory_space<vmem>>) target(%dma_start3A_146 : memref<10240x128xf32, #tpu.memory_space<vmem_shared>>) offsets(%dma_start3A_143 : memref<128xi32, #tpu.memory_space<vmem>>) semaphore(%run_scoped3A_140 : memref<!tpu.dma_semaphore, #tpu.memory_space<semaphore_mem>>) {add = true}
        %dma_wait3A_147 = arith.constant 0 : i32
        %dma_wait3A_148 = tpu.memref_slice %arg7[%add3A_139, %dma_wait3A_147] : memref<40x128xi32, #tpu.memory_space<vmem>> -> memref<1x128xi32, #tpu.memory_space<vmem>>
        %dma_wait3A_149 = tpu.memref_squeeze %dma_wait3A_148 : memref<1x128xi32, #tpu.memory_space<vmem>> -> memref<128xi32, #tpu.memory_space<vmem>>
        %dma_wait3A_150 = arith.constant 0 : i32
        %dma_wait3A_151 = arith.constant 0 : i32
        %dma_wait3A_152 = tpu.memref_slice %arg10[%dma_wait3A_150, %dma_wait3A_151] : memref<10240x128xf32, #tpu.memory_space<vmem_shared>> -> memref<10240x128xf32, #tpu.memory_space<vmem_shared>>
        tpu.wait_indirect_dma semaphore(%run_scoped3A_140 : memref<!tpu.dma_semaphore, #tpu.memory_space<semaphore_mem>>) src(%arg9 : memref<128x128xf32, #tpu.memory_space<vmem>>) dst(%dma_wait3A_152 : memref<10240x128xf32, #tpu.memory_space<vmem_shared>>)
        tpu.yield
      }) : () -> ()
    }
    %scan3A_39 = arith.constant 19 : i32
    %dma_wait3A = arith.constant 38 : i32
    %dma_wait3A_40 = arith.constant 0 : i32
    %dma_wait3A_41 = tpu.memref_slice %arg6[%dma_wait3A, %dma_wait3A_40] : memref<40x128xi32, #tpu.memory_space<vmem>> -> memref<1x128xi32, #tpu.memory_space<vmem>>
    %dma_wait3A_42 = tpu.memref_squeeze %dma_wait3A_41 : memref<1x128xi32, #tpu.memory_space<vmem>> -> memref<128xi32, #tpu.memory_space<vmem>>
    %dma_wait3A_43 = arith.constant 0 : i32
    %dma_wait3A_44 = arith.constant 0 : i32
    %dma_wait3A_45 = tpu.memref_slice %arg2[%dma_wait3A_43, %dma_wait3A_44] : memref<10240x128xf32, #tpu.memory_space<hbm>> -> memref<10240x128xf32, #tpu.memory_space<hbm>>
    tpu.wait_indirect_dma semaphore(%arg11 : memref<!tpu.dma_semaphore, #tpu.memory_space<semaphore_mem>>) src(%dma_wait3A_45 : memref<10240x128xf32, #tpu.memory_space<hbm>>) dst(%arg8 : memref<128x128xf32, #tpu.memory_space<vmem>>)
    %dma_start3A_46 = arith.constant 39 : i32
    %dma_start3A_47 = arith.constant 0 : i32
    %dma_start3A_48 = tpu.memref_slice %arg6[%dma_start3A_46, %dma_start3A_47] : memref<40x128xi32, #tpu.memory_space<vmem>> -> memref<1x128xi32, #tpu.memory_space<vmem>>
    %dma_start3A_49 = tpu.memref_squeeze %dma_start3A_48 : memref<1x128xi32, #tpu.memory_space<vmem>> -> memref<128xi32, #tpu.memory_space<vmem>>
    %dma_start3A_50 = arith.constant 0 : i32
    %dma_start3A_51 = arith.constant 0 : i32
    %dma_start3A_52 = tpu.memref_slice %arg2[%dma_start3A_50, %dma_start3A_51] : memref<10240x128xf32, #tpu.memory_space<hbm>> -> memref<10240x128xf32, #tpu.memory_space<hbm>>
    tpu.enqueue_indirect_dma source(%dma_start3A_52 : memref<10240x128xf32, #tpu.memory_space<hbm>>) target(%arg9 : memref<128x128xf32, #tpu.memory_space<vmem>>) offsets(%dma_start3A_49 : memref<128xi32, #tpu.memory_space<vmem>>) semaphore(%arg12 : memref<!tpu.dma_semaphore, #tpu.memory_space<semaphore_mem>>)
    %run_scoped3A_53 = arith.constant 38 : i32
    "tpu.region"() ({
      %run_scoped3A_105 = tpu.sem_alloc : memref<!tpu.dma_semaphore, #tpu.memory_space<semaphore_mem>>
      %dma_start3A_106 = arith.constant 0 : i32
      %dma_start3A_107 = tpu.memref_slice %arg7[%run_scoped3A_53, %dma_start3A_106] : memref<40x128xi32, #tpu.memory_space<vmem>> -> memref<1x128xi32, #tpu.memory_space<vmem>>
      %dma_start3A_108 = tpu.memref_squeeze %dma_start3A_107 : memref<1x128xi32, #tpu.memory_space<vmem>> -> memref<128xi32, #tpu.memory_space<vmem>>
      %dma_start3A_109 = arith.constant 0 : i32
      %dma_start3A_110 = arith.constant 0 : i32
      %dma_start3A_111 = tpu.memref_slice %arg10[%dma_start3A_109, %dma_start3A_110] : memref<10240x128xf32, #tpu.memory_space<vmem_shared>> -> memref<10240x128xf32, #tpu.memory_space<vmem_shared>>
      tpu.enqueue_indirect_dma source(%arg8 : memref<128x128xf32, #tpu.memory_space<vmem>>) target(%dma_start3A_111 : memref<10240x128xf32, #tpu.memory_space<vmem_shared>>) offsets(%dma_start3A_108 : memref<128xi32, #tpu.memory_space<vmem>>) semaphore(%run_scoped3A_105 : memref<!tpu.dma_semaphore, #tpu.memory_space<semaphore_mem>>) {add = true}
      %dma_wait3A_112 = arith.constant 0 : i32
      %dma_wait3A_113 = tpu.memref_slice %arg7[%run_scoped3A_53, %dma_wait3A_112] : memref<40x128xi32, #tpu.memory_space<vmem>> -> memref<1x128xi32, #tpu.memory_space<vmem>>
      %dma_wait3A_114 = tpu.memref_squeeze %dma_wait3A_113 : memref<1x128xi32, #tpu.memory_space<vmem>> -> memref<128xi32, #tpu.memory_space<vmem>>
      %dma_wait3A_115 = arith.constant 0 : i32
      %dma_wait3A_116 = arith.constant 0 : i32
      %dma_wait3A_117 = tpu.memref_slice %arg10[%dma_wait3A_115, %dma_wait3A_116] : memref<10240x128xf32, #tpu.memory_space<vmem_shared>> -> memref<10240x128xf32, #tpu.memory_space<vmem_shared>>
      tpu.wait_indirect_dma semaphore(%run_scoped3A_105 : memref<!tpu.dma_semaphore, #tpu.memory_space<semaphore_mem>>) src(%arg8 : memref<128x128xf32, #tpu.memory_space<vmem>>) dst(%dma_wait3A_117 : memref<10240x128xf32, #tpu.memory_space<vmem_shared>>)
      tpu.yield
    }) : () -> ()
    %dma_wait3A_54 = arith.constant 39 : i32
    %dma_wait3A_55 = arith.constant 0 : i32
    %dma_wait3A_56 = tpu.memref_slice %arg6[%dma_wait3A_54, %dma_wait3A_55] : memref<40x128xi32, #tpu.memory_space<vmem>> -> memref<1x128xi32, #tpu.memory_space<vmem>>
    %dma_wait3A_57 = tpu.memref_squeeze %dma_wait3A_56 : memref<1x128xi32, #tpu.memory_space<vmem>> -> memref<128xi32, #tpu.memory_space<vmem>>
    %dma_wait3A_58 = arith.constant 0 : i32
    %dma_wait3A_59 = arith.constant 0 : i32
    %dma_wait3A_60 = tpu.memref_slice %arg2[%dma_wait3A_58, %dma_wait3A_59] : memref<10240x128xf32, #tpu.memory_space<hbm>> -> memref<10240x128xf32, #tpu.memory_space<hbm>>
    tpu.wait_indirect_dma semaphore(%arg12 : memref<!tpu.dma_semaphore, #tpu.memory_space<semaphore_mem>>) src(%dma_wait3A_60 : memref<10240x128xf32, #tpu.memory_space<hbm>>) dst(%arg9 : memref<128x128xf32, #tpu.memory_space<vmem>>)
    %run_scoped3A_61 = arith.constant 39 : i32
    "tpu.region"() ({
      %run_scoped3A_105 = tpu.sem_alloc : memref<!tpu.dma_semaphore, #tpu.memory_space<semaphore_mem>>
      %dma_start3A_106 = arith.constant 0 : i32
      %dma_start3A_107 = tpu.memref_slice %arg7[%run_scoped3A_61, %dma_start3A_106] : memref<40x128xi32, #tpu.memory_space<vmem>> -> memref<1x128xi32, #tpu.memory_space<vmem>>
      %dma_start3A_108 = tpu.memref_squeeze %dma_start3A_107 : memref<1x128xi32, #tpu.memory_space<vmem>> -> memref<128xi32, #tpu.memory_space<vmem>>
      %dma_start3A_109 = arith.constant 0 : i32
      %dma_start3A_110 = arith.constant 0 : i32
      %dma_start3A_111 = tpu.memref_slice %arg10[%dma_start3A_109, %dma_start3A_110] : memref<10240x128xf32, #tpu.memory_space<vmem_shared>> -> memref<10240x128xf32, #tpu.memory_space<vmem_shared>>
      tpu.enqueue_indirect_dma source(%arg9 : memref<128x128xf32, #tpu.memory_space<vmem>>) target(%dma_start3A_111 : memref<10240x128xf32, #tpu.memory_space<vmem_shared>>) offsets(%dma_start3A_108 : memref<128xi32, #tpu.memory_space<vmem>>) semaphore(%run_scoped3A_105 : memref<!tpu.dma_semaphore, #tpu.memory_space<semaphore_mem>>) {add = true}
      %dma_wait3A_112 = arith.constant 0 : i32
      %dma_wait3A_113 = tpu.memref_slice %arg7[%run_scoped3A_61, %dma_wait3A_112] : memref<40x128xi32, #tpu.memory_space<vmem>> -> memref<1x128xi32, #tpu.memory_space<vmem>>
      %dma_wait3A_114 = tpu.memref_squeeze %dma_wait3A_113 : memref<1x128xi32, #tpu.memory_space<vmem>> -> memref<128xi32, #tpu.memory_space<vmem>>
      %dma_wait3A_115 = arith.constant 0 : i32
      %dma_wait3A_116 = arith.constant 0 : i32
      %dma_wait3A_117 = tpu.memref_slice %arg10[%dma_wait3A_115, %dma_wait3A_116] : memref<10240x128xf32, #tpu.memory_space<vmem_shared>> -> memref<10240x128xf32, #tpu.memory_space<vmem_shared>>
      tpu.wait_indirect_dma semaphore(%run_scoped3A_105 : memref<!tpu.dma_semaphore, #tpu.memory_space<semaphore_mem>>) src(%arg9 : memref<128x128xf32, #tpu.memory_space<vmem>>) dst(%dma_wait3A_117 : memref<10240x128xf32, #tpu.memory_space<vmem_shared>>)
      tpu.yield
    }) : () -> ()
    %run_scoped3A_62 = arith.constant 1 : i32
    "tpu.region"() ({
      %run_scoped3A_105 = tpu.sem_alloc : memref<!tpu.dma_semaphore, #tpu.memory_space<semaphore_mem>>
      %dma_start3A_106 = arith.constant 0 : i32
      %dma_start3A_107 = arith.constant 0 : i32
      %dma_start3A_108 = tpu.memref_slice %arg3[%add3A, %run_scoped3A_62, %dma_start3A_106, %dma_start3A_107] : memref<32x2x40x128xi32, #tpu.memory_space<hbm>> -> memref<1x1x40x128xi32, #tpu.memory_space<hbm>>
      %dma_start3A_109 = tpu.memref_squeeze %dma_start3A_108 : memref<1x1x40x128xi32, #tpu.memory_space<hbm>> -> memref<40x128xi32, #tpu.memory_space<hbm>>
      %dma_start3A_110 = arith.constant 0 : i32
      %dma_start3A_111 = arith.constant 0 : i32
      %dma_start3A_112 = tpu.memref_slice %arg3[%add3A, %run_scoped3A_62, %dma_start3A_110, %dma_start3A_111] : memref<32x2x40x128xi32, #tpu.memory_space<hbm>> -> memref<1x1x40x128xi32, #tpu.memory_space<hbm>>
      %dma_start3A_113 = tpu.memref_squeeze %dma_start3A_112 : memref<1x1x40x128xi32, #tpu.memory_space<hbm>> -> memref<40x128xi32, #tpu.memory_space<hbm>>
      tpu.enqueue_dma source(%dma_start3A_113 : memref<40x128xi32, #tpu.memory_space<hbm>>) target(%arg6 : memref<40x128xi32, #tpu.memory_space<vmem>>) target_semaphore(%run_scoped3A_105 : memref<!tpu.dma_semaphore, #tpu.memory_space<semaphore_mem>>)
      %dma_wait3A_114 = arith.constant 0 : i32
      %dma_wait3A_115 = arith.constant 0 : i32
      %dma_wait3A_116 = tpu.memref_slice %arg3[%add3A, %run_scoped3A_62, %dma_wait3A_114, %dma_wait3A_115] : memref<32x2x40x128xi32, #tpu.memory_space<hbm>> -> memref<1x1x40x128xi32, #tpu.memory_space<hbm>>
      %dma_wait3A_117 = tpu.memref_squeeze %dma_wait3A_116 : memref<1x1x40x128xi32, #tpu.memory_space<hbm>> -> memref<40x128xi32, #tpu.memory_space<hbm>>
      %dma_wait3A_118 = arith.constant 0 : i32
      %dma_wait3A_119 = arith.constant 0 : i32
      %dma_wait3A_120 = tpu.memref_slice %arg3[%add3A, %run_scoped3A_62, %dma_wait3A_118, %dma_wait3A_119] : memref<32x2x40x128xi32, #tpu.memory_space<hbm>> -> memref<1x1x40x128xi32, #tpu.memory_space<hbm>>
      %dma_wait3A_121 = tpu.memref_squeeze %dma_wait3A_120 : memref<1x1x40x128xi32, #tpu.memory_space<hbm>> -> memref<40x128xi32, #tpu.memory_space<hbm>>
      tpu.wait_dma2 semaphore(%run_scoped3A_105 : memref<!tpu.dma_semaphore, #tpu.memory_space<semaphore_mem>>) src(%dma_wait3A_121 : memref<40x128xi32, #tpu.memory_space<hbm>>) dst(%arg6 : memref<40x128xi32, #tpu.memory_space<vmem>>)
      tpu.yield
    }) : () -> ()
    %run_scoped3A_63 = arith.constant 1 : i32
    "tpu.region"() ({
      %run_scoped3A_105 = tpu.sem_alloc : memref<!tpu.dma_semaphore, #tpu.memory_space<semaphore_mem>>
      %dma_start3A_106 = arith.constant 0 : i32
      %dma_start3A_107 = arith.constant 0 : i32
      %dma_start3A_108 = tpu.memref_slice %arg4[%add3A, %run_scoped3A_63, %dma_start3A_106, %dma_start3A_107] : memref<32x2x40x128xi32, #tpu.memory_space<hbm>> -> memref<1x1x40x128xi32, #tpu.memory_space<hbm>>
      %dma_start3A_109 = tpu.memref_squeeze %dma_start3A_108 : memref<1x1x40x128xi32, #tpu.memory_space<hbm>> -> memref<40x128xi32, #tpu.memory_space<hbm>>
      %dma_start3A_110 = arith.constant 0 : i32
      %dma_start3A_111 = arith.constant 0 : i32
      %dma_start3A_112 = tpu.memref_slice %arg4[%add3A, %run_scoped3A_63, %dma_start3A_110, %dma_start3A_111] : memref<32x2x40x128xi32, #tpu.memory_space<hbm>> -> memref<1x1x40x128xi32, #tpu.memory_space<hbm>>
      %dma_start3A_113 = tpu.memref_squeeze %dma_start3A_112 : memref<1x1x40x128xi32, #tpu.memory_space<hbm>> -> memref<40x128xi32, #tpu.memory_space<hbm>>
      tpu.enqueue_dma source(%dma_start3A_113 : memref<40x128xi32, #tpu.memory_space<hbm>>) target(%arg7 : memref<40x128xi32, #tpu.memory_space<vmem>>) target_semaphore(%run_scoped3A_105 : memref<!tpu.dma_semaphore, #tpu.memory_space<semaphore_mem>>)
      %dma_wait3A_114 = arith.constant 0 : i32
      %dma_wait3A_115 = arith.constant 0 : i32
      %dma_wait3A_116 = tpu.memref_slice %arg4[%add3A, %run_scoped3A_63, %dma_wait3A_114, %dma_wait3A_115] : memref<32x2x40x128xi32, #tpu.memory_space<hbm>> -> memref<1x1x40x128xi32, #tpu.memory_space<hbm>>
      %dma_wait3A_117 = tpu.memref_squeeze %dma_wait3A_116 : memref<1x1x40x128xi32, #tpu.memory_space<hbm>> -> memref<40x128xi32, #tpu.memory_space<hbm>>
      %dma_wait3A_118 = arith.constant 0 : i32
      %dma_wait3A_119 = arith.constant 0 : i32
      %dma_wait3A_120 = tpu.memref_slice %arg4[%add3A, %run_scoped3A_63, %dma_wait3A_118, %dma_wait3A_119] : memref<32x2x40x128xi32, #tpu.memory_space<hbm>> -> memref<1x1x40x128xi32, #tpu.memory_space<hbm>>
      %dma_wait3A_121 = tpu.memref_squeeze %dma_wait3A_120 : memref<1x1x40x128xi32, #tpu.memory_space<hbm>> -> memref<40x128xi32, #tpu.memory_space<hbm>>
      tpu.wait_dma2 semaphore(%run_scoped3A_105 : memref<!tpu.dma_semaphore, #tpu.memory_space<semaphore_mem>>) src(%dma_wait3A_121 : memref<40x128xi32, #tpu.memory_space<hbm>>) dst(%arg7 : memref<40x128xi32, #tpu.memory_space<vmem>>)
      tpu.yield
    }) : () -> ()
    %dma_start3A_64 = arith.constant 0 : i32
    %dma_start3A_65 = arith.constant 0 : i32
    %dma_start3A_66 = tpu.memref_slice %arg6[%dma_start3A_64, %dma_start3A_65] : memref<40x128xi32, #tpu.memory_space<vmem>> -> memref<1x128xi32, #tpu.memory_space<vmem>>
    %dma_start3A_67 = tpu.memref_squeeze %dma_start3A_66 : memref<1x128xi32, #tpu.memory_space<vmem>> -> memref<128xi32, #tpu.memory_space<vmem>>
    %dma_start3A_68 = arith.constant 0 : i32
    %dma_start3A_69 = arith.constant 0 : i32
    %dma_start3A_70 = tpu.memref_slice %arg2[%dma_start3A_68, %dma_start3A_69] : memref<10240x128xf32, #tpu.memory_space<hbm>> -> memref<10240x128xf32, #tpu.memory_space<hbm>>
    tpu.enqueue_indirect_dma source(%dma_start3A_70 : memref<10240x128xf32, #tpu.memory_space<hbm>>) target(%arg8 : memref<128x128xf32, #tpu.memory_space<vmem>>) offsets(%dma_start3A_67 : memref<128xi32, #tpu.memory_space<vmem>>) semaphore(%arg11 : memref<!tpu.dma_semaphore, #tpu.memory_space<semaphore_mem>>)
    %scan3A_71 = arith.constant 0 : i32
    %scan3A_72 = arith.constant 0 : i32
    %scan3A_73 = arith.constant 19 : i32
    %scan3A_74 = arith.addi %scan3A_72, %scan3A_73 : i32
    %scan3A_75 = arith.constant 1 : i32
    scf.for %scan3A_105 = %scan3A_72 to %scan3A_74 step %scan3A_75  : i32 {
      %mul3A_106 = arith.constant 2 : i32
      %mul3A_107 = arith.muli %mul3A_106, %scan3A_105 : i32
      %add3A_108 = arith.constant 1 : i32
      %add3A_109 = arith.addi %mul3A_107, %add3A_108 : i32
      %dma_start3A_110 = arith.constant 0 : i32
      %dma_start3A_111 = tpu.memref_slice %arg6[%add3A_109, %dma_start3A_110] : memref<40x128xi32, #tpu.memory_space<vmem>> -> memref<1x128xi32, #tpu.memory_space<vmem>>
      %dma_start3A_112 = tpu.memref_squeeze %dma_start3A_111 : memref<1x128xi32, #tpu.memory_space<vmem>> -> memref<128xi32, #tpu.memory_space<vmem>>
      %dma_start3A_113 = arith.constant 0 : i32
      %dma_start3A_114 = arith.constant 0 : i32
      %dma_start3A_115 = tpu.memref_slice %arg2[%dma_start3A_113, %dma_start3A_114] : memref<10240x128xf32, #tpu.memory_space<hbm>> -> memref<10240x128xf32, #tpu.memory_space<hbm>>
      tpu.enqueue_indirect_dma source(%dma_start3A_115 : memref<10240x128xf32, #tpu.memory_space<hbm>>) target(%arg9 : memref<128x128xf32, #tpu.memory_space<vmem>>) offsets(%dma_start3A_112 : memref<128xi32, #tpu.memory_space<vmem>>) semaphore(%arg12 : memref<!tpu.dma_semaphore, #tpu.memory_space<semaphore_mem>>)
      %dma_wait3A_116 = arith.constant 0 : i32
      %dma_wait3A_117 = tpu.memref_slice %arg6[%mul3A_107, %dma_wait3A_116] : memref<40x128xi32, #tpu.memory_space<vmem>> -> memref<1x128xi32, #tpu.memory_space<vmem>>
      %dma_wait3A_118 = tpu.memref_squeeze %dma_wait3A_117 : memref<1x128xi32, #tpu.memory_space<vmem>> -> memref<128xi32, #tpu.memory_space<vmem>>
      %dma_wait3A_119 = arith.constant 0 : i32
      %dma_wait3A_120 = arith.constant 0 : i32
      %dma_wait3A_121 = tpu.memref_slice %arg2[%dma_wait3A_119, %dma_wait3A_120] : memref<10240x128xf32, #tpu.memory_space<hbm>> -> memref<10240x128xf32, #tpu.memory_space<hbm>>
      tpu.wait_indirect_dma semaphore(%arg11 : memref<!tpu.dma_semaphore, #tpu.memory_space<semaphore_mem>>) src(%dma_wait3A_121 : memref<10240x128xf32, #tpu.memory_space<hbm>>) dst(%arg8 : memref<128x128xf32, #tpu.memory_space<vmem>>)
      "tpu.region"() ({
        %run_scoped3A_140 = tpu.sem_alloc : memref<!tpu.dma_semaphore, #tpu.memory_space<semaphore_mem>>
        %dma_start3A_141 = arith.constant 0 : i32
        %dma_start3A_142 = tpu.memref_slice %arg7[%mul3A_107, %dma_start3A_141] : memref<40x128xi32, #tpu.memory_space<vmem>> -> memref<1x128xi32, #tpu.memory_space<vmem>>
        %dma_start3A_143 = tpu.memref_squeeze %dma_start3A_142 : memref<1x128xi32, #tpu.memory_space<vmem>> -> memref<128xi32, #tpu.memory_space<vmem>>
        %dma_start3A_144 = arith.constant 0 : i32
        %dma_start3A_145 = arith.constant 0 : i32
        %dma_start3A_146 = tpu.memref_slice %arg10[%dma_start3A_144, %dma_start3A_145] : memref<10240x128xf32, #tpu.memory_space<vmem_shared>> -> memref<10240x128xf32, #tpu.memory_space<vmem_shared>>
        tpu.enqueue_indirect_dma source(%arg8 : memref<128x128xf32, #tpu.memory_space<vmem>>) target(%dma_start3A_146 : memref<10240x128xf32, #tpu.memory_space<vmem_shared>>) offsets(%dma_start3A_143 : memref<128xi32, #tpu.memory_space<vmem>>) semaphore(%run_scoped3A_140 : memref<!tpu.dma_semaphore, #tpu.memory_space<semaphore_mem>>) {add = true}
        %dma_wait3A_147 = arith.constant 0 : i32
        %dma_wait3A_148 = tpu.memref_slice %arg7[%mul3A_107, %dma_wait3A_147] : memref<40x128xi32, #tpu.memory_space<vmem>> -> memref<1x128xi32, #tpu.memory_space<vmem>>
        %dma_wait3A_149 = tpu.memref_squeeze %dma_wait3A_148 : memref<1x128xi32, #tpu.memory_space<vmem>> -> memref<128xi32, #tpu.memory_space<vmem>>
        %dma_wait3A_150 = arith.constant 0 : i32
        %dma_wait3A_151 = arith.constant 0 : i32
        %dma_wait3A_152 = tpu.memref_slice %arg10[%dma_wait3A_150, %dma_wait3A_151] : memref<10240x128xf32, #tpu.memory_space<vmem_shared>> -> memref<10240x128xf32, #tpu.memory_space<vmem_shared>>
        tpu.wait_indirect_dma semaphore(%run_scoped3A_140 : memref<!tpu.dma_semaphore, #tpu.memory_space<semaphore_mem>>) src(%arg8 : memref<128x128xf32, #tpu.memory_space<vmem>>) dst(%dma_wait3A_152 : memref<10240x128xf32, #tpu.memory_space<vmem_shared>>)
        tpu.yield
      }) : () -> ()
      %add3A_122 = arith.constant 2 : i32
      %add3A_123 = arith.addi %mul3A_107, %add3A_122 : i32
      %dma_start3A_124 = arith.constant 0 : i32
      %dma_start3A_125 = tpu.memref_slice %arg6[%add3A_123, %dma_start3A_124] : memref<40x128xi32, #tpu.memory_space<vmem>> -> memref<1x128xi32, #tpu.memory_space<vmem>>
      %dma_start3A_126 = tpu.memref_squeeze %dma_start3A_125 : memref<1x128xi32, #tpu.memory_space<vmem>> -> memref<128xi32, #tpu.memory_space<vmem>>
      %dma_start3A_127 = arith.constant 0 : i32
      %dma_start3A_128 = arith.constant 0 : i32
      %dma_start3A_129 = tpu.memref_slice %arg2[%dma_start3A_127, %dma_start3A_128] : memref<10240x128xf32, #tpu.memory_space<hbm>> -> memref<10240x128xf32, #tpu.memory_space<hbm>>
      tpu.enqueue_indirect_dma source(%dma_start3A_129 : memref<10240x128xf32, #tpu.memory_space<hbm>>) target(%arg8 : memref<128x128xf32, #tpu.memory_space<vmem>>) offsets(%dma_start3A_126 : memref<128xi32, #tpu.memory_space<vmem>>) semaphore(%arg11 : memref<!tpu.dma_semaphore, #tpu.memory_space<semaphore_mem>>)
      %add3A_130 = arith.constant 1 : i32
      %add3A_131 = arith.addi %mul3A_107, %add3A_130 : i32
      %dma_wait3A_132 = arith.constant 0 : i32
      %dma_wait3A_133 = tpu.memref_slice %arg6[%add3A_131, %dma_wait3A_132] : memref<40x128xi32, #tpu.memory_space<vmem>> -> memref<1x128xi32, #tpu.memory_space<vmem>>
      %dma_wait3A_134 = tpu.memref_squeeze %dma_wait3A_133 : memref<1x128xi32, #tpu.memory_space<vmem>> -> memref<128xi32, #tpu.memory_space<vmem>>
      %dma_wait3A_135 = arith.constant 0 : i32
      %dma_wait3A_136 = arith.constant 0 : i32
      %dma_wait3A_137 = tpu.memref_slice %arg2[%dma_wait3A_135, %dma_wait3A_136] : memref<10240x128xf32, #tpu.memory_space<hbm>> -> memref<10240x128xf32, #tpu.memory_space<hbm>>
      tpu.wait_indirect_dma semaphore(%arg12 : memref<!tpu.dma_semaphore, #tpu.memory_space<semaphore_mem>>) src(%dma_wait3A_137 : memref<10240x128xf32, #tpu.memory_space<hbm>>) dst(%arg9 : memref<128x128xf32, #tpu.memory_space<vmem>>)
      %add3A_138 = arith.constant 1 : i32
      %add3A_139 = arith.addi %mul3A_107, %add3A_138 : i32
      "tpu.region"() ({
        %run_scoped3A_140 = tpu.sem_alloc : memref<!tpu.dma_semaphore, #tpu.memory_space<semaphore_mem>>
        %dma_start3A_141 = arith.constant 0 : i32
        %dma_start3A_142 = tpu.memref_slice %arg7[%add3A_139, %dma_start3A_141] : memref<40x128xi32, #tpu.memory_space<vmem>> -> memref<1x128xi32, #tpu.memory_space<vmem>>
        %dma_start3A_143 = tpu.memref_squeeze %dma_start3A_142 : memref<1x128xi32, #tpu.memory_space<vmem>> -> memref<128xi32, #tpu.memory_space<vmem>>
        %dma_start3A_144 = arith.constant 0 : i32
        %dma_start3A_145 = arith.constant 0 : i32
        %dma_start3A_146 = tpu.memref_slice %arg10[%dma_start3A_144, %dma_start3A_145] : memref<10240x128xf32, #tpu.memory_space<vmem_shared>> -> memref<10240x128xf32, #tpu.memory_space<vmem_shared>>
        tpu.enqueue_indirect_dma source(%arg9 : memref<128x128xf32, #tpu.memory_space<vmem>>) target(%dma_start3A_146 : memref<10240x128xf32, #tpu.memory_space<vmem_shared>>) offsets(%dma_start3A_143 : memref<128xi32, #tpu.memory_space<vmem>>) semaphore(%run_scoped3A_140 : memref<!tpu.dma_semaphore, #tpu.memory_space<semaphore_mem>>) {add = true}
        %dma_wait3A_147 = arith.constant 0 : i32
        %dma_wait3A_148 = tpu.memref_slice %arg7[%add3A_139, %dma_wait3A_147] : memref<40x128xi32, #tpu.memory_space<vmem>> -> memref<1x128xi32, #tpu.memory_space<vmem>>
        %dma_wait3A_149 = tpu.memref_squeeze %dma_wait3A_148 : memref<1x128xi32, #tpu.memory_space<vmem>> -> memref<128xi32, #tpu.memory_space<vmem>>
        %dma_wait3A_150 = arith.constant 0 : i32
        %dma_wait3A_151 = arith.constant 0 : i32
        %dma_wait3A_152 = tpu.memref_slice %arg10[%dma_wait3A_150, %dma_wait3A_151] : memref<10240x128xf32, #tpu.memory_space<vmem_shared>> -> memref<10240x128xf32, #tpu.memory_space<vmem_shared>>
        tpu.wait_indirect_dma semaphore(%run_scoped3A_140 : memref<!tpu.dma_semaphore, #tpu.memory_space<semaphore_mem>>) src(%arg9 : memref<128x128xf32, #tpu.memory_space<vmem>>) dst(%dma_wait3A_152 : memref<10240x128xf32, #tpu.memory_space<vmem_shared>>)
        tpu.yield
      }) : () -> ()
    }
    %scan3A_76 = arith.constant 19 : i32
    %dma_wait3A_77 = arith.constant 38 : i32
    %dma_wait3A_78 = arith.constant 0 : i32
    %dma_wait3A_79 = tpu.memref_slice %arg6[%dma_wait3A_77, %dma_wait3A_78] : memref<40x128xi32, #tpu.memory_space<vmem>> -> memref<1x128xi32, #tpu.memory_space<vmem>>
    %dma_wait3A_80 = tpu.memref_squeeze %dma_wait3A_79 : memref<1x128xi32, #tpu.memory_space<vmem>> -> memref<128xi32, #tpu.memory_space<vmem>>
    %dma_wait3A_81 = arith.constant 0 : i32
    %dma_wait3A_82 = arith.constant 0 : i32
    %dma_wait3A_83 = tpu.memref_slice %arg2[%dma_wait3A_81, %dma_wait3A_82] : memref<10240x128xf32, #tpu.memory_space<hbm>> -> memref<10240x128xf32, #tpu.memory_space<hbm>>
    tpu.wait_indirect_dma semaphore(%arg11 : memref<!tpu.dma_semaphore, #tpu.memory_space<semaphore_mem>>) src(%dma_wait3A_83 : memref<10240x128xf32, #tpu.memory_space<hbm>>) dst(%arg8 : memref<128x128xf32, #tpu.memory_space<vmem>>)
    %dma_start3A_84 = arith.constant 39 : i32
    %dma_start3A_85 = arith.constant 0 : i32
    %dma_start3A_86 = tpu.memref_slice %arg6[%dma_start3A_84, %dma_start3A_85] : memref<40x128xi32, #tpu.memory_space<vmem>> -> memref<1x128xi32, #tpu.memory_space<vmem>>
    %dma_start3A_87 = tpu.memref_squeeze %dma_start3A_86 : memref<1x128xi32, #tpu.memory_space<vmem>> -> memref<128xi32, #tpu.memory_space<vmem>>
    %dma_start3A_88 = arith.constant 0 : i32
    %dma_start3A_89 = arith.constant 0 : i32
    %dma_start3A_90 = tpu.memref_slice %arg2[%dma_start3A_88, %dma_start3A_89] : memref<10240x128xf32, #tpu.memory_space<hbm>> -> memref<10240x128xf32, #tpu.memory_space<hbm>>
    tpu.enqueue_indirect_dma source(%dma_start3A_90 : memref<10240x128xf32, #tpu.memory_space<hbm>>) target(%arg9 : memref<128x128xf32, #tpu.memory_space<vmem>>) offsets(%dma_start3A_87 : memref<128xi32, #tpu.memory_space<vmem>>) semaphore(%arg12 : memref<!tpu.dma_semaphore, #tpu.memory_space<semaphore_mem>>)
    %run_scoped3A_91 = arith.constant 38 : i32
    "tpu.region"() ({
      %run_scoped3A_105 = tpu.sem_alloc : memref<!tpu.dma_semaphore, #tpu.memory_space<semaphore_mem>>
      %dma_start3A_106 = arith.constant 0 : i32
      %dma_start3A_107 = tpu.memref_slice %arg7[%run_scoped3A_91, %dma_start3A_106] : memref<40x128xi32, #tpu.memory_space<vmem>> -> memref<1x128xi32, #tpu.memory_space<vmem>>
      %dma_start3A_108 = tpu.memref_squeeze %dma_start3A_107 : memref<1x128xi32, #tpu.memory_space<vmem>> -> memref<128xi32, #tpu.memory_space<vmem>>
      %dma_start3A_109 = arith.constant 0 : i32
      %dma_start3A_110 = arith.constant 0 : i32
      %dma_start3A_111 = tpu.memref_slice %arg10[%dma_start3A_109, %dma_start3A_110] : memref<10240x128xf32, #tpu.memory_space<vmem_shared>> -> memref<10240x128xf32, #tpu.memory_space<vmem_shared>>
      tpu.enqueue_indirect_dma source(%arg8 : memref<128x128xf32, #tpu.memory_space<vmem>>) target(%dma_start3A_111 : memref<10240x128xf32, #tpu.memory_space<vmem_shared>>) offsets(%dma_start3A_108 : memref<128xi32, #tpu.memory_space<vmem>>) semaphore(%run_scoped3A_105 : memref<!tpu.dma_semaphore, #tpu.memory_space<semaphore_mem>>) {add = true}
      %dma_wait3A_112 = arith.constant 0 : i32
      %dma_wait3A_113 = tpu.memref_slice %arg7[%run_scoped3A_91, %dma_wait3A_112] : memref<40x128xi32, #tpu.memory_space<vmem>> -> memref<1x128xi32, #tpu.memory_space<vmem>>
      %dma_wait3A_114 = tpu.memref_squeeze %dma_wait3A_113 : memref<1x128xi32, #tpu.memory_space<vmem>> -> memref<128xi32, #tpu.memory_space<vmem>>
      %dma_wait3A_115 = arith.constant 0 : i32
      %dma_wait3A_116 = arith.constant 0 : i32
      %dma_wait3A_117 = tpu.memref_slice %arg10[%dma_wait3A_115, %dma_wait3A_116] : memref<10240x128xf32, #tpu.memory_space<vmem_shared>> -> memref<10240x128xf32, #tpu.memory_space<vmem_shared>>
      tpu.wait_indirect_dma semaphore(%run_scoped3A_105 : memref<!tpu.dma_semaphore, #tpu.memory_space<semaphore_mem>>) src(%arg8 : memref<128x128xf32, #tpu.memory_space<vmem>>) dst(%dma_wait3A_117 : memref<10240x128xf32, #tpu.memory_space<vmem_shared>>)
      tpu.yield
    }) : () -> ()
    %dma_wait3A_92 = arith.constant 39 : i32
    %dma_wait3A_93 = arith.constant 0 : i32
    %dma_wait3A_94 = tpu.memref_slice %arg6[%dma_wait3A_92, %dma_wait3A_93] : memref<40x128xi32, #tpu.memory_space<vmem>> -> memref<1x128xi32, #tpu.memory_space<vmem>>
    %dma_wait3A_95 = tpu.memref_squeeze %dma_wait3A_94 : memref<1x128xi32, #tpu.memory_space<vmem>> -> memref<128xi32, #tpu.memory_space<vmem>>
    %dma_wait3A_96 = arith.constant 0 : i32
    %dma_wait3A_97 = arith.constant 0 : i32
    %dma_wait3A_98 = tpu.memref_slice %arg2[%dma_wait3A_96, %dma_wait3A_97] : memref<10240x128xf32, #tpu.memory_space<hbm>> -> memref<10240x128xf32, #tpu.memory_space<hbm>>
    tpu.wait_indirect_dma semaphore(%arg12 : memref<!tpu.dma_semaphore, #tpu.memory_space<semaphore_mem>>) src(%dma_wait3A_98 : memref<10240x128xf32, #tpu.memory_space<hbm>>) dst(%arg9 : memref<128x128xf32, #tpu.memory_space<vmem>>)
    %run_scoped3A_99 = arith.constant 39 : i32
    "tpu.region"() ({
      %run_scoped3A_105 = tpu.sem_alloc : memref<!tpu.dma_semaphore, #tpu.memory_space<semaphore_mem>>
      %dma_start3A_106 = arith.constant 0 : i32
      %dma_start3A_107 = tpu.memref_slice %arg7[%run_scoped3A_99, %dma_start3A_106] : memref<40x128xi32, #tpu.memory_space<vmem>> -> memref<1x128xi32, #tpu.memory_space<vmem>>
      %dma_start3A_108 = tpu.memref_squeeze %dma_start3A_107 : memref<1x128xi32, #tpu.memory_space<vmem>> -> memref<128xi32, #tpu.memory_space<vmem>>
      %dma_start3A_109 = arith.constant 0 : i32
      %dma_start3A_110 = arith.constant 0 : i32
      %dma_start3A_111 = tpu.memref_slice %arg10[%dma_start3A_109, %dma_start3A_110] : memref<10240x128xf32, #tpu.memory_space<vmem_shared>> -> memref<10240x128xf32, #tpu.memory_space<vmem_shared>>
      tpu.enqueue_indirect_dma source(%arg9 : memref<128x128xf32, #tpu.memory_space<vmem>>) target(%dma_start3A_111 : memref<10240x128xf32, #tpu.memory_space<vmem_shared>>) offsets(%dma_start3A_108 : memref<128xi32, #tpu.memory_space<vmem>>) semaphore(%run_scoped3A_105 : memref<!tpu.dma_semaphore, #tpu.memory_space<semaphore_mem>>) {add = true}
      %dma_wait3A_112 = arith.constant 0 : i32
      %dma_wait3A_113 = tpu.memref_slice %arg7[%run_scoped3A_99, %dma_wait3A_112] : memref<40x128xi32, #tpu.memory_space<vmem>> -> memref<1x128xi32, #tpu.memory_space<vmem>>
      %dma_wait3A_114 = tpu.memref_squeeze %dma_wait3A_113 : memref<1x128xi32, #tpu.memory_space<vmem>> -> memref<128xi32, #tpu.memory_space<vmem>>
      %dma_wait3A_115 = arith.constant 0 : i32
      %dma_wait3A_116 = arith.constant 0 : i32
      %dma_wait3A_117 = tpu.memref_slice %arg10[%dma_wait3A_115, %dma_wait3A_116] : memref<10240x128xf32, #tpu.memory_space<vmem_shared>> -> memref<10240x128xf32, #tpu.memory_space<vmem_shared>>
      tpu.wait_indirect_dma semaphore(%run_scoped3A_105 : memref<!tpu.dma_semaphore, #tpu.memory_space<semaphore_mem>>) src(%arg9 : memref<128x128xf32, #tpu.memory_space<vmem>>) dst(%dma_wait3A_117 : memref<10240x128xf32, #tpu.memory_space<vmem_shared>>)
      tpu.yield
    }) : () -> ()
    %barrier3A_100 = arith.constant 0 : index
    tpu.barrier barrier_id(%barrier3A_100)
    %mul3A_101 = arith.constant 640 : i32
    %mul3A_102 = arith.muli %arg1, %mul3A_101 : i32
    %mul3A_103 = arith.constant 640 : i32
    %mul3A_104 = arith.muli %arg1, %mul3A_103 : i32
    "tpu.region"() ({
      %run_scoped3A_105 = tpu.sem_alloc : memref<!tpu.dma_semaphore, #tpu.memory_space<semaphore_mem>>
      %dma_start3A_106 = arith.constant 0 : i32
      %dma_start3A_107 = tpu.memref_slice %arg5[%arg0, %mul3A_104, %dma_start3A_106] : memref<2x10240x128xf32, #tpu.memory_space<hbm>> -> memref<1x640x128xf32, #tpu.memory_space<hbm>>
      %dma_start3A_108 = tpu.memref_squeeze %dma_start3A_107 : memref<1x640x128xf32, #tpu.memory_space<hbm>> -> memref<640x128xf32, #tpu.memory_space<hbm>>
      %dma_start3A_109 = arith.constant 0 : i32
      %dma_start3A_110 = tpu.memref_slice %arg10[%mul3A_102, %dma_start3A_109] : memref<10240x128xf32, #tpu.memory_space<vmem_shared>> -> memref<640x128xf32, #tpu.memory_space<vmem_shared>>
      tpu.enqueue_dma source(%dma_start3A_110 : memref<640x128xf32, #tpu.memory_space<vmem_shared>>) target(%dma_start3A_108 : memref<640x128xf32, #tpu.memory_space<hbm>>) target_semaphore(%run_scoped3A_105 : memref<!tpu.dma_semaphore, #tpu.memory_space<semaphore_mem>>)
      %dma_wait3A_111 = arith.constant 0 : i32
      %dma_wait3A_112 = tpu.memref_slice %arg5[%arg0, %mul3A_104, %dma_wait3A_111] : memref<2x10240x128xf32, #tpu.memory_space<hbm>> -> memref<1x640x128xf32, #tpu.memory_space<hbm>>
      %dma_wait3A_113 = tpu.memref_squeeze %dma_wait3A_112 : memref<1x640x128xf32, #tpu.memory_space<hbm>> -> memref<640x128xf32, #tpu.memory_space<hbm>>
      %dma_wait3A_114 = arith.constant 0 : i32
      %dma_wait3A_115 = tpu.memref_slice %arg10[%mul3A_102, %dma_wait3A_114] : memref<10240x128xf32, #tpu.memory_space<vmem_shared>> -> memref<640x128xf32, #tpu.memory_space<vmem_shared>>
      tpu.wait_dma2 semaphore(%run_scoped3A_105 : memref<!tpu.dma_semaphore, #tpu.memory_space<semaphore_mem>>) src(%dma_wait3A_115 : memref<640x128xf32, #tpu.memory_space<vmem_shared>>) dst(%dma_wait3A_113 : memref<640x128xf32, #tpu.memory_space<hbm>>)
      tpu.yield
    }) : () -> ()
    return
  }
}

module attributes {stable_mosaic.version = 14 : i64} {
  func.func @_k1_body(%arg0: i32, %arg1: memref<1000x128xf32, #tpu.memory_space<vmem>>, %arg2: memref<128x128xf32, #tpu.memory_space<vmem>>, %arg3: memref<1000x1xf32, #tpu.memory_space<vmem>>, %arg4: memref<1000x128xf32, #tpu.memory_space<vmem>>) attributes {dimension_semantics = [#tpu.dimension_semantics<arbitrary>], iteration_bounds = array<i64: 10>, scalar_prefetch = 0 : i64, scratch_operands = 0 : i64, tpu.core_type = #tpu.core_type<tc>, window_params = [{transform_indices = @transform_0, window_bounds = array<i64: 1000, 128>}, {pipeline_mode = #tpu.pipeline_mode<synchronous>, transform_indices = @transform_1, window_bounds = array<i64: 128, 128>}, {transform_indices = @transform_2, window_bounds = array<i64: 1000, 1>}, {transform_indices = @transform_3, window_bounds = array<i64: 1000, 128>}]} {
    %get3A = arith.constant 0 : index
    %get3A_0 = arith.constant 0 : index
    %get3A_1 = vector.load %arg1[%get3A, %get3A_0] : memref<1000x128xf32, #tpu.memory_space<vmem>>, vector<1000x128xf32>
    %get3A_2 = arith.constant 0 : index
    %get3A_3 = arith.constant 0 : index
    %get3A_4 = vector.load %arg2[%get3A_2, %get3A_3] : memref<128x128xf32, #tpu.memory_space<vmem>>, vector<128x128xf32>
    %dot_general3A = arith.constant dense<0.000000e+00> : vector<1000x128xf32>
    %dot_general3A_5 = tpu.matmul %get3A_1, %get3A_4, %dot_general3A {dimension_numbers = #tpu.dot_dimension_numbers<[1], [0], [0], [1], [0, 0, 1, 1], [], []>, transpose_lhs_hint = false} : vector<1000x128xf32>, vector<128x128xf32>, vector<1000x128xf32> -> vector<1000x128xf32>
    %get3A_6 = arith.constant 0 : index
    %get3A_7 = arith.constant 0 : index
    %get3A_8 = vector.load %arg3[%get3A_6, %get3A_7] : memref<1000x1xf32, #tpu.memory_space<vmem>>, vector<1000x1xf32>
    %mul3A = vector.broadcast %get3A_8 : vector<1000x1xf32> to vector<1000x128xf32>
    %mul3A_9 = arith.mulf %dot_general3A_5, %mul3A : vector<1000x128xf32>
    %swap3A = arith.constant 0 : index
    %swap3A_10 = arith.constant 0 : index
    %swap3A_11 = vector.load %arg4[%swap3A, %swap3A_10] : memref<1000x128xf32, #tpu.memory_space<vmem>>, vector<1000x128xf32>
    tpu.vector_store %arg4[%swap3A, %swap3A_10], %mul3A_9 {strides = array<i32>} : memref<1000x128xf32, #tpu.memory_space<vmem>>, vector<1000x128xf32>,
    return
  }
  func.func @transform_0(%arg0: i32) -> (i32, i32) {
    %c0_i32 = arith.constant 0 : i32
    %c0_i32_0 = arith.constant 0 : i32
    return %arg0, %c0_i32 : i32, i32
  }
  func.func @transform_1(%arg0: i32) -> (i32, i32) {
    %c0_i32 = arith.constant 0 : i32
    %c0_i32_0 = arith.constant 0 : i32
    %c0_i32_1 = arith.constant 0 : i32
    return %c0_i32, %c0_i32_0 : i32, i32
  }
  func.func @transform_2(%arg0: i32) -> (i32, i32) {
    %c0_i32 = arith.constant 0 : i32
    %c0_i32_0 = arith.constant 0 : i32
    return %arg0, %c0_i32 : i32, i32
  }
  func.func @transform_3(%arg0: i32) -> (i32, i32) {
    %c0_i32 = arith.constant 0 : i32
    %c0_i32_0 = arith.constant 0 : i32
    return %arg0, %c0_i32 : i32, i32
  }
}

module attributes {stable_mosaic.version = 14 : i64} {
  func.func @_k2_body(%arg0: i32, %arg1: memref<2x1024x128xf32, #tpu.memory_space<vmem>>, %arg2: memref<1024x128xf32, #tpu.memory_space<vmem>>, %arg3: memref<1024x1xf32, #tpu.memory_space<vmem>>, %arg4: memref<1x128xf32, #tpu.memory_space<vmem>>, %arg5: memref<1024x128xf32, #tpu.memory_space<vmem>>) attributes {dimension_semantics = [#tpu.dimension_semantics<arbitrary>], iteration_bounds = array<i64: 10>, scalar_prefetch = 0 : i64, scratch_operands = 0 : i64, tpu.core_type = #tpu.core_type<tc>, window_params = [{transform_indices = @transform_0, window_bounds = array<i64: 2, 1024, 128>}, {transform_indices = @transform_1, window_bounds = array<i64: 1024, 128>}, {transform_indices = @transform_2, window_bounds = array<i64: 1024, 1>}, {pipeline_mode = #tpu.pipeline_mode<synchronous>, transform_indices = @transform_3, window_bounds = array<i64: 1, 128>}, {transform_indices = @transform_4, window_bounds = array<i64: 1024, 128>}]} {
    %get3A = arith.constant 0 : index
    %get3A_0 = arith.constant 0 : index
    %get3A_1 = vector.load %arg3[%get3A, %get3A_0] : memref<1024x1xf32, #tpu.memory_space<vmem>>, vector<1024x1xf32>
    %get3A_2 = arith.constant 0 : index
    %get3A_3 = arith.constant 0 : index
    %get3A_4 = arith.constant 0 : index
    %get3A_5 = vector.load %arg1[%get3A_2, %get3A_3, %get3A_4] : memref<2x1024x128xf32, #tpu.memory_space<vmem>>, vector<1x1024x128xf32>
    %get3A_6 = vector.shape_cast %get3A_5 : vector<1x1024x128xf32> to vector<1024x128xf32>
    %get3A_7 = arith.constant 1 : index
    %get3A_8 = arith.constant 0 : index
    %get3A_9 = arith.constant 0 : index
    %get3A_10 = vector.load %arg1[%get3A_7, %get3A_8, %get3A_9] : memref<2x1024x128xf32, #tpu.memory_space<vmem>>, vector<1x1024x128xf32>
    %get3A_11 = vector.shape_cast %get3A_10 : vector<1x1024x128xf32> to vector<1024x128xf32>
    %add3A = arith.addf %get3A_6, %get3A_11 : vector<1024x128xf32>
    %get3A_12 = arith.constant 0 : index
    %get3A_13 = arith.constant 0 : index
    %get3A_14 = vector.load %arg2[%get3A_12, %get3A_13] : memref<1024x128xf32, #tpu.memory_space<vmem>>, vector<1024x128xf32>
    %add3A_15 = arith.addf %add3A, %get3A_14 : vector<1024x128xf32>
    %mul3A = vector.broadcast %get3A_1 : vector<1024x1xf32> to vector<1024x128xf32>
    %mul3A_16 = arith.mulf %add3A_15, %mul3A : vector<1024x128xf32>
    %get3A_17 = arith.constant 0 : index
    %get3A_18 = arith.constant 0 : index
    %get3A_19 = vector.load %arg4[%get3A_17, %get3A_18] : memref<1x128xf32, #tpu.memory_space<vmem>>, vector<1x128xf32>
    %add3A_20 = vector.broadcast %get3A_19 : vector<1x128xf32> to vector<1024x128xf32>
    %add3A_21 = arith.addf %mul3A_16, %add3A_20 : vector<1024x128xf32>
    %max3A = arith.constant 0.000000e+00 : f32
    %max3A_22 = vector.broadcast %max3A : f32 to vector<1024x128xf32>
    %max3A_23 = arith.maximumf %add3A_21, %max3A_22 : vector<1024x128xf32>
    %mul3A_24 = vector.broadcast %get3A_1 : vector<1024x1xf32> to vector<1024x128xf32>
    %mul3A_25 = arith.mulf %max3A_23, %mul3A_24 : vector<1024x128xf32>
    %swap3A = arith.constant 0 : index
    %swap3A_26 = arith.constant 0 : index
    %swap3A_27 = vector.load %arg5[%swap3A, %swap3A_26] : memref<1024x128xf32, #tpu.memory_space<vmem>>, vector<1024x128xf32>
    tpu.vector_store %arg5[%swap3A, %swap3A_26], %mul3A_25 {strides = array<i32>} : memref<1024x128xf32, #tpu.memory_space<vmem>>, vector<1024x128xf32>,
    return
  }
  func.func @transform_0(%arg0: i32) -> (i32, i32, i32) {
    %c0_i32 = arith.constant 0 : i32
    %c0_i32_0 = arith.constant 0 : i32
    %c0_i32_1 = arith.constant 0 : i32
    return %c0_i32, %arg0, %c0_i32_0 : i32, i32, i32
  }
  func.func @transform_1(%arg0: i32) -> (i32, i32) {
    %c0_i32 = arith.constant 0 : i32
    %c0_i32_0 = arith.constant 0 : i32
    return %arg0, %c0_i32 : i32, i32
  }
  func.func @transform_2(%arg0: i32) -> (i32, i32) {
    %c0_i32 = arith.constant 0 : i32
    %c0_i32_0 = arith.constant 0 : i32
    return %arg0, %c0_i32 : i32, i32
  }
  func.func @transform_3(%arg0: i32) -> (i32, i32) {
    %c0_i32 = arith.constant 0 : i32
    %c0_i32_0 = arith.constant 0 : i32
    %c0_i32_1 = arith.constant 0 : i32
    return %c0_i32, %c0_i32_0 : i32, i32
  }
  func.func @transform_4(%arg0: i32) -> (i32, i32) {
    %c0_i32 = arith.constant 0 : i32
    %c0_i32_0 = arith.constant 0 : i32
    return %arg0, %c0_i32 : i32, i32
  }
}

module attributes {stable_mosaic.version = 14 : i64} {
  func.func @_k3_body(%arg0: i32, %arg1: memref<2x1024x128xf32, #tpu.memory_space<vmem>>, %arg2: memref<1024x128xf32, #tpu.memory_space<vmem>>, %arg3: memref<1024x1xf32, #tpu.memory_space<vmem>>, %arg4: memref<128x40xf32, #tpu.memory_space<vmem>>, %arg5: memref<1x40xf32, #tpu.memory_space<vmem>>, %arg6: memref<1024x40xf32, #tpu.memory_space<vmem>>, %arg7: memref<1024x40xf32, #tpu.memory_space<vmem>>) attributes {dimension_semantics = [#tpu.dimension_semantics<arbitrary>], iteration_bounds = array<i64: 10>, scalar_prefetch = 0 : i64, scratch_operands = 0 : i64, tpu.core_type = #tpu.core_type<tc>, window_params = [{transform_indices = @transform_0, window_bounds = array<i64: 2, 1024, 128>}, {transform_indices = @transform_1, window_bounds = array<i64: 1024, 128>}, {transform_indices = @transform_2, window_bounds = array<i64: 1024, 1>}, {pipeline_mode = #tpu.pipeline_mode<synchronous>, transform_indices = @transform_3, window_bounds = array<i64: 128, 40>}, {pipeline_mode = #tpu.pipeline_mode<synchronous>, transform_indices = @transform_4, window_bounds = array<i64: 1, 40>}, {transform_indices = @transform_5, window_bounds = array<i64: 1024, 40>}, {transform_indices = @transform_6, window_bounds = array<i64: 1024, 40>}]} {
    %get3A = arith.constant 0 : index
    %get3A_0 = arith.constant 0 : index
    %get3A_1 = arith.constant 0 : index
    %get3A_2 = vector.load %arg1[%get3A, %get3A_0, %get3A_1] : memref<2x1024x128xf32, #tpu.memory_space<vmem>>, vector<1x1024x128xf32>
    %get3A_3 = vector.shape_cast %get3A_2 : vector<1x1024x128xf32> to vector<1024x128xf32>
    %get3A_4 = arith.constant 1 : index
    %get3A_5 = arith.constant 0 : index
    %get3A_6 = arith.constant 0 : index
    %get3A_7 = vector.load %arg1[%get3A_4, %get3A_5, %get3A_6] : memref<2x1024x128xf32, #tpu.memory_space<vmem>>, vector<1x1024x128xf32>
    %get3A_8 = vector.shape_cast %get3A_7 : vector<1x1024x128xf32> to vector<1024x128xf32>
    %add3A = arith.addf %get3A_3, %get3A_8 : vector<1024x128xf32>
    %get3A_9 = arith.constant 0 : index
    %get3A_10 = arith.constant 0 : index
    %get3A_11 = vector.load %arg2[%get3A_9, %get3A_10] : memref<1024x128xf32, #tpu.memory_space<vmem>>, vector<1024x128xf32>
    %add3A_12 = arith.addf %add3A, %get3A_11 : vector<1024x128xf32>
    %get3A_13 = arith.constant 0 : index
    %get3A_14 = arith.constant 0 : index
    %get3A_15 = vector.load %arg3[%get3A_13, %get3A_14] : memref<1024x1xf32, #tpu.memory_space<vmem>>, vector<1024x1xf32>
    %mul3A = vector.broadcast %get3A_15 : vector<1024x1xf32> to vector<1024x128xf32>
    %mul3A_16 = arith.mulf %add3A_12, %mul3A : vector<1024x128xf32>
    %get3A_17 = arith.constant 0 : index
    %get3A_18 = arith.constant 0 : index
    %get3A_19 = vector.load %arg4[%get3A_17, %get3A_18] : memref<128x40xf32, #tpu.memory_space<vmem>>, vector<128x40xf32>
    %dot_general3A = arith.constant dense<0.000000e+00> : vector<1024x40xf32>
    %dot_general3A_20 = tpu.matmul %mul3A_16, %get3A_19, %dot_general3A {dimension_numbers = #tpu.dot_dimension_numbers<[1], [0], [0], [1], [0, 0, 1, 1], [], []>, transpose_lhs_hint = false} : vector<1024x128xf32>, vector<128x40xf32>, vector<1024x40xf32> -> vector<1024x40xf32>
    %get3A_21 = arith.constant 0 : index
    %get3A_22 = arith.constant 0 : index
    %get3A_23 = vector.load %arg5[%get3A_21, %get3A_22] : memref<1x40xf32, #tpu.memory_space<vmem>>, vector<1x40xf32>
    %add3A_24 = vector.broadcast %get3A_23 : vector<1x40xf32> to vector<1024x40xf32>
    %add3A_25 = arith.addf %dot_general3A_20, %add3A_24 : vector<1024x40xf32>
    %reduce_max3A = arith.constant dense<0xFF800000> : vector<1024xf32>
    %reduce_max3A_26 = vector.multi_reduction <maximumf>, %add3A_25, %reduce_max3A [1] : vector<1024x40xf32> to vector<1024xf32>
    %broadcast_in_dim3A = vector.shape_cast %reduce_max3A_26 : vector<1024xf32> to vector<1024x1xf32>
    %sub3A = vector.broadcast %broadcast_in_dim3A : vector<1024x1xf32> to vector<1024x40xf32>
    %sub3A_27 = arith.subf %add3A_25, %sub3A : vector<1024x40xf32>
    %exp3A = math.exp %sub3A_27 : vector<1024x40xf32>
    %reduce_sum3A = arith.constant dense<0.000000e+00> : vector<1024xf32>
    %reduce_sum3A_28 = vector.multi_reduction <add>, %exp3A, %reduce_sum3A [1] : vector<1024x40xf32> to vector<1024xf32>
    %broadcast_in_dim3A_29 = vector.shape_cast %reduce_sum3A_28 : vector<1024xf32> to vector<1024x1xf32>
    %log3A = math.log %broadcast_in_dim3A_29 : vector<1024x1xf32>
    %swap3A = arith.constant 0 : index
    %swap3A_30 = arith.constant 0 : index
    %swap3A_31 = vector.load %arg6[%swap3A, %swap3A_30] : memref<1024x40xf32, #tpu.memory_space<vmem>>, vector<1024x40xf32>
    tpu.vector_store %arg6[%swap3A, %swap3A_30], %add3A_25 {strides = array<i32>} : memref<1024x40xf32, #tpu.memory_space<vmem>>, vector<1024x40xf32>,
    %sub3A_32 = vector.broadcast %broadcast_in_dim3A : vector<1024x1xf32> to vector<1024x40xf32>
    %sub3A_33 = arith.subf %add3A_25, %sub3A_32 : vector<1024x40xf32>
    %sub3A_34 = vector.broadcast %log3A : vector<1024x1xf32> to vector<1024x40xf32>
    %sub3A_35 = arith.subf %sub3A_33, %sub3A_34 : vector<1024x40xf32>
    %swap3A_36 = arith.constant 0 : index
    %swap3A_37 = arith.constant 0 : index
    %swap3A_38 = vector.load %arg7[%swap3A_36, %swap3A_37] : memref<1024x40xf32, #tpu.memory_space<vmem>>, vector<1024x40xf32>
    tpu.vector_store %arg7[%swap3A_36, %swap3A_37], %sub3A_35 {strides = array<i32>} : memref<1024x40xf32, #tpu.memory_space<vmem>>, vector<1024x40xf32>,
    return
  }
  func.func @transform_0(%arg0: i32) -> (i32, i32, i32) {
    %c0_i32 = arith.constant 0 : i32
    %c0_i32_0 = arith.constant 0 : i32
    %c0_i32_1 = arith.constant 0 : i32
    return %c0_i32, %arg0, %c0_i32_0 : i32, i32, i32
  }
  func.func @transform_1(%arg0: i32) -> (i32, i32) {
    %c0_i32 = arith.constant 0 : i32
    %c0_i32_0 = arith.constant 0 : i32
    return %arg0, %c0_i32 : i32, i32
  }
  func.func @transform_2(%arg0: i32) -> (i32, i32) {
    %c0_i32 = arith.constant 0 : i32
    %c0_i32_0 = arith.constant 0 : i32
    return %arg0, %c0_i32 : i32, i32
  }
  func.func @transform_3(%arg0: i32) -> (i32, i32) {
    %c0_i32 = arith.constant 0 : i32
    %c0_i32_0 = arith.constant 0 : i32
    %c0_i32_1 = arith.constant 0 : i32
    return %c0_i32, %c0_i32_0 : i32, i32
  }
  func.func @transform_4(%arg0: i32) -> (i32, i32) {
    %c0_i32 = arith.constant 0 : i32
    %c0_i32_0 = arith.constant 0 : i32
    %c0_i32_1 = arith.constant 0 : i32
    return %c0_i32, %c0_i32_0 : i32, i32
  }
  func.func @transform_5(%arg0: i32) -> (i32, i32) {
    %c0_i32 = arith.constant 0 : i32
    %c0_i32_0 = arith.constant 0 : i32
    return %arg0, %c0_i32 : i32, i32
  }
  func.func @transform_6(%arg0: i32) -> (i32, i32) {
    %c0_i32 = arith.constant 0 : i32
    %c0_i32_0 = arith.constant 0 : i32
    return %arg0, %c0_i32 : i32, i32
  }
}

</mosaic_0001>

<sc_bundles>
// kernel: kernel.11.cloned.1.call-start
scs
__scs_entry_jumppad:
0x0: {  	(pc) =	sbr.rel $0x88, $3  }
0x1: {  	(tag) =	ssettag $0x0;
	lr =	simm.s32 $0x1  }
0x2: {  	[smem:$0x3F9B] =	sst lr;
	_ =	strace $0xD0000000  }
0x3: {  	_ = 	snop  }
0x4: {  	_ = 	snop  }
0x5: {  	_ = 	snop  }
0x6: {  	_ = 	snop  }
0x7: {  	_ = 	snop  }
__scs_overlays_trampoline_lowered:
0x8: {  	[smem:$0x3FAA] =	sst s0  }
0x9: {  	[smem:$0x3FAB] =	sst s1  }
0xa: {  	[smem:$0x3FAC] =	sst s2  }
0xb: {  	[smem:$0x3FAD] =	sst s3  }
0xc: {  	[smem:$0x3FAE] =	sst s4  }
0xd: {  	[smem:$0x3FAF] =	sst s5  }
0xe: {  	[smem:$0x3FB0] =	sst s6  }
0xf: {  	[smem:$0x3FB1] =	sst s7  }
0x10: {  	[smem:$0x3FB2] =	sst s8  }
0x11: {  	[smem:$0x3FB3] =	sst s9;
	s0 =	simm.s32 @!p0 $0x0  }
0x12: {  	s1 =	sld [smem:$0x3F99];
	s0 =	simm.s32 @p0 $0x1  }
0x13: {  	[smem:$0x3FB4] =	sst s0;
	s0 =	simm.s32 @!p1 $0x0  }
0x14: {  	s2 =	sld [smem:$0x3F98];
	s0 =	simm.s32 @p1 $0x1  }
0x15: {  	[smem:$0x3FB5] =	sst s0;
	s0 =	simm.s32 @!p2 $0x0  }
0x16: {  	s3 =	sld [smem:$0x3FDB];
	s0 =	simm.s32 @p2 $0x1  }
0x17: {  	s4 =	simm.s32 $0x1BF5;
	[smem:$0x3FB7] =	sst s0  }
0x18: {  	s0 =	sld [smem:$0x3F9A];
	_ =	swait.ge [sflag:s4], $0x0  }
0x19: {  	s7 =	sld [smem:$0x3F9B]  }
0x1a: {  	s8 =	sadd.s32 $0xFFFFE003, lr  }
0x1b: {  	s9 =	sadd.s32 $0xFFFFFEF7, lr;
	s5 =	simm.s32 $0xFFFFFFFF;
	p2 =	slt.u32 s8, $0xFFFFF086  }
0x1c: {  	p1 =	slt.u32 s9, $0xF7A;
	s5 =	simm.s32 @!p2 $0x0  }
0x1d: {  	s5 =	simm.s32 @p1 $0x1;
	p0 =	seq.s32 s7, s2  }
0x1e: {  	s7 =	smul.u32 @!p0 $0xF7A, s2;
	p2 =	seq.s32 @!p0 s5, $0x0  }
0x1f: {  	s9 =	smul.u32 $0xF7A, s1;
	s8 =	simm.s32 @!p0 $0x1BF5;
	p2 =	por !p2, p0  }
0x20: {  	[sflag:s8] =	ssyncset.s32 @!p0 $0xFFFFF086;
	s6 =	sadd.s32 @!p0 s3, s7;
	s7 =	simm.s32 @!p0 $0x108  }
0x21: {  	s3 =	sadd.s32 s3, s9;
	s6 =	sadd.s32 @!p0 $0x88, s6;
	s7 =	simm.s32 @p2 $0x1082  }
0x22: {  	[simem:s7], [sflag:s8] =	dma.local @!p0 [hbm:s6], $0xF7A  }
0x23: {  	s9 =	sor.u32 $0xD0000000, s2;
	s6 =	simm.s32 $0x108;
	_ =	swait.ge @!p0 [sflag:s8], $0x0  }
0x24: {  	s3 =	sadd.s32 $0x88, s3;
	s6 =	simm.s32 @!p1 $0x1082;
	[sflag:s4] =	ssyncset.s32 $0xFFFFF086  }
0x25: {  	[simem:s6], [sflag:s4] =	dma.local [hbm:s3], $0xF7A  }
0x26: {  	[smem:$0x3F9B] =	sst s1;
	(tag) =	ssettag s2;
	_ =	strace s9  }
0x27: {  	s1 =	sld [smem:$0x3FAB]  }
0x28: {  	s2 =	sld [smem:$0x3FAC]  }
0x29: {  	s4 =	sld [smem:$0x3FAE]  }
0x2a: {  	p0 =	seq.s32 s5, $0x0;
	s5 =	sld [smem:$0x3FAF]  }
0x2b: {  	s6 =	sld [smem:$0x3FB0]  }
0x2c: {  	s7 =	sld [smem:$0x3FB1]  }
0x2d: {  	s3 =	simm.s32 $0x108;
	s8 =	sld [smem:$0x3FB2]  }
0x2e: {  	s3 =	simm.s32 @!p0 $0x1082;
	s9 =	sld [smem:$0x3FB3]  }
0x2f: {  	lr =	sadd.s32 s0, s3;
	s0 =	sld [smem:$0x3FAA]  }
0x30: {  	s3 =	sld [smem:$0x3FAD]  }
0x31: {  	[smem:$0x3FB6] =	sst s10  }
0x32: {  	s10 =	sld [smem:$0x3FB4];
	_ =	sdelay $0x3  }
0x33: {  	p0 =	seq.s32 s10, $0x1;
	s10 =	sld [smem:$0x3FB6];
	_ =	sdelay $0x3  }
0x34: {  	[smem:$0x3FB6] =	sst s10  }
0x35: {  	s10 =	sld [smem:$0x3FB5];
	_ =	sdelay $0x3  }
0x36: {  	p1 =	seq.s32 s10, $0x1;
	s10 =	sld [smem:$0x3FB6];
	_ =	sdelay $0x3  }
0x37: {  	[smem:$0x3FB6] =	sst s10  }
0x38: {  	s10 =	sld [smem:$0x3FB7]  }
0x39: {  	_ = 	snop;
	(pc) =	sbr.ind lr, $3  }
0x3a: {  	_ = 	snop  }
0x3b: {  	_ = 	snop  }
0x3c: {  	p2 =	seq.s32 s10, $0x1;
	s10 =	sld [smem:$0x3FB6]  }
0x3d: {  	_ =	shalt  }
0x3e: {  	_ =	shalt  }
0x3f: {  	_ =	shalt  }
0x40: {  	_ =	shalt  }
0x41: {  	_ =	shalt  }
0x42: {  	_ =	shalt  }
0x43: {  	_ =	shalt  }
0x44: {  	_ =	shalt  }
0x45: {  	_ =	shalt  }
0x46: {  	_ =	shalt  }
0x47: {  	_ =	shalt  }
0x48: {  	_ =	shalt  }
0x49: {  	_ =	shalt  }
0x4a: {  	_ =	shalt  }
0x4b: {  	_ =	shalt  }
0x4c: {  	_ =	shalt  }
0x4d: {  	_ =	shalt  }
0x4e: {  	_ =	shalt  }
0x4f: {  	_ =	shalt  }
0x50: {  	_ =	shalt  }
0x51: {  	_ =	shalt  }
0x52: {  	_ =	shalt  }
0x53: {  	_ =	shalt  }
0x54: {  	_ =	shalt  }
0x55: {  	_ =	shalt  }
0x56: {  	_ =	shalt  }
0x57: {  	_ =	shalt  }
0x58: {  	_ =	shalt  }
0x59: {  	_ =	shalt  }
0x5a: {  	_ =	shalt  }
0x5b: {  	_ =	shalt  }
0x5c: {  	_ =	shalt  }
0x5d: {  	_ =	shalt  }
0x5e: {  	_ =	shalt  }
0x5f: {  	_ =	shalt  }
0x60: {  	_ =	shalt  }
0x61: {  	_ =	shalt  }
0x62: {  	_ =	shalt  }
0x63: {  	_ =	shalt  }
0x64: {  	_ =	shalt  }
0x65: {  	_ =	shalt  }
0x66: {  	_ =	shalt  }
0x67: {  	_ =	shalt  }
0x68: {  	_ =	shalt  }
0x69: {  	_ =	shalt  }
0x6a: {  	_ =	shalt  }
0x6b: {  	_ =	shalt  }
0x6c: {  	_ =	shalt  }
0x6d: {  	_ =	shalt  }
0x6e: {  	_ =	shalt  }
0x6f: {  	_ =	shalt  }
0x70: {  	_ =	shalt  }
0x71: {  	_ =	shalt  }
0x72: {  	_ =	shalt  }
0x73: {  	_ =	shalt  }
0x74: {  	_ =	shalt  }
0x75: {  	_ =	shalt  }
0x76: {  	_ =	shalt  }
0x77: {  	_ =	shalt  }
0x78: {  	_ =	shalt  }
0x79: {  	_ =	shalt  }
0x7a: {  	_ =	shalt  }
0x7b: {  	_ =	shalt  }
0x7c: {  	_ =	shalt  }
0x7d: {  	_ =	shalt  }
0x7e: {  	_ =	shalt  }
0x7f: {  	_ =	shalt  }
0x80: {  	_ =	shalt  }
0x81: {  	_ =	shalt  }
0x82: {  	_ =	shalt  }
0x83: {  	_ =	shalt  }
0x84: {  	_ =	shalt  }
0x85: {  	_ =	shalt  }
0x86: {  	_ =	shalt  }
0x87: {  	_ =	shalt  }
.Lfunc_end0:
.L_simem_size_0:
called_computation.1_lowered:
.L_overlay_start_0:
0x88: {  	s2 =	sld [smem:$0x3FD9]  }
0x89: {  	s3 =	sld [smem:$0x3FFE];
	_ =	sdelay $0x1  }
0x8a: {  	s1 =	srdreg.scid  }
0x8b: {  	s0 =	sand.u32 $0x1, s1  }
0x8c: {  	s14 =	sshll.u32 s0, $0xA;
	s2 =	sadd.s32 s3, s2  }
0x8d: {  	s2 =	sadd.s32 s2, s14  }
0x8e: {  	[smem:$0x3FC2] =	sst s2  }
0x8f: {  	_ = 	snop  }
0x90: {  	s2 =	sld [smem:$0x3FD0];
	_ =	sdelay $0x2  }
0x91: {  	s15 =	simm.s32 $0xA;
	s4 =	simm.s32 $0x10  }
0x92: {  	[smem:s4], [sflag:s15] =	dma.local [hbm:s2], $0x1  }
0x93: {  	_ =	swait.eq [sflag:s15], $0x1  }
0x94: {  	[sflag:s15] =	ssyncset.done $0x0  }
0x95: {  	s16 =	sld [smem:$0x10];
	[sflag:s15] =	ssyncadd.s32 $0xFFFFFFFF  }
0x96: {  	s17 =	sld [smem:$0x11];
	(tm) =	ssettm $0x1  }
0x97: {  	s18 =	sld [smem:$0x3FFB];
	_ =	sdelay $0x3  }
0x98: {  	_ =	strace s18  }
0x99: {  	s4 =	sld [smem:$0x3FFC];
	_ =	sdelay $0x3  }
0x9a: {  	_ =	strace s4  }
0x9b: {  	s4 =	sld [smem:$0x3FFD];
	_ =	sdelay $0x3  }
0x9c: {  	_ =	strace s4  }
0x9d: {  	_ =	strace $0x8FFFFFFF  }
0x9e: {  	s19 =	sld [smem:$0x3FDB];
	_ =	sdelay $0x1  }
0x9f: {  	s5 =	simm.s32 $_scs_section_size  }
0xa0: {  	s6 =	simm.s32 $_size__tile_overlayer_lowered;
	s7 =	simm.s32 $_tile_overlayer_lowered  }
0xa1: {  	s22 =	simm.s32 $0x1BFF;
	s21 =	sshll.u32 s7, $0x1;
	s4 =	sadd.s32 s5, s19  }
0xa2: {  	s8 =	simm.s32 $0x0;
	s20 =	sshll.u32 s6, $0x1;
	s6 =	sadd.s32 s21, s4  }
0xa3: {  	[timem:s8], [sflag:s22] =	dma.local [hbm:s6], s20  }
0xa4: {  	_ =	swait.ge [sflag:s22], s20  }
0xa5: {  	s5 =	ssub.s32 $0x0, s20;
	[sflag:s22] =	ssyncset.done $0x0  }
0xa6: {  	[sflag:s22] =	ssyncadd.s32 s5;
	_ =	sdelay $0x1  }
0xa7: {  	s23 =	simm.s32 $0x1B8B  }
0xa8: {  	_ =	swait.ge [sflag:s23], $0x1  }
0xa9: {  	[sflag:s23] =	ssyncset.done $0x0  }
0xaa: {  	s25 =	simm.s32 $0x1B8E;
	s24 =	sld [smem:$0x3FFE];
	[sflag:s23] =	ssyncadd.s32 $0xFFFFFFFF  }
0xab: {  	s26 =	simm.s32 $execute0_lowered;
	[smem:$0x3FD2] =	sst s25  }
0xac: {  	s6 =	sshll.u32 s26, $0x1;
	_ =	strace $0x80000049;
	[dreg:$0x1] =	wrdreg $0xFFFFFFFF  }
0xad: {  	s28 =	simm.s32 $_size_execute0_lowered;
	s4 =	sadd.s32 s4, s6;
	[dreg:$0x0] =	wrdreg $0x0  }
0xae: {  	s6 =	sshll.u32 s28, $0x1;
	[dreg:$0x2] =	wrdreg s4  }
0xaf: {  	[dreg:$0x3] =	wrdreg s6  }
0xb0: {  	[dreg:$0x4] =	wrdreg $0xC0  }
0xb1: {  	_ =	task [dreg:s8], $0x5FFFF  }
0xb2: {  	[dreg:$0x1] =	wrdreg $0xFFFFFFFF  }
0xb3: {  	[dreg:$0x0] =	wrdreg $0x60  }
0xb4: {  	[dreg:$0x2] =	wrdreg s24  }
0xb5: {  	[dreg:$0x3] =	wrdreg s17  }
0xb6: {  	[dreg:$0x4] =	wrdreg s16  }
0xb7: {  	[dreg:$0x5] =	wrdreg $0xA8000  }
0xb8: {  	[dreg:$0x6] =	wrdreg $0x9  }
0xb9: {  	_ =	task.clear_ibuf [dreg:s8], $0x7FFFF;
	_ =	strace $0x90000049  }
0xba: {  	s29 =	simm.s32 $0x9;
	_ =	strace $0x8000004B  }
0xbb: {  	_ =	swait.ge [sflag:s29], $0x1  }
0xbc: {  	[sflag:s29] =	ssyncadd.s32 $0xFFFFFFFF  }
0xbd: {  	_ =	strace $0x9000004B  }
0xbe: {  	_ =	sfence  }
0xbf: {  	s30 =	sld [smem:$0x0];
	_ =	sdelay $0x2  }
0xc0: {  	s31 =	sshll.u32 s1, $0xD;
	s1 =	sshrl.u32 s1, $0x2  }
0xc1: {  	s3 =	sand.u32 $0x4000, s31;
	s1 =	sadd.s32 s1, s30  }
0xc2: {  	s0 =	sor.u32 s3, s0;
	s1 =	sshll.u32 s1, $0x11  }
0xc3: {  	s0 =	sor.u32 s1, s0  }
0xc4: {  	s0 =	sadd.s32 $0x8F2B, s0  }
0xc5: {  	[sflag:s0] =	ssyncadd.remote.s32 $0x1  }
0xc6: {  	_ =	sfence.sel $0xFFFF  }
0xc7: {  	[dreg:$0x0] =	wrdreg $0xFFFFFFFF;
	(pc) =	sbr.abs _section_cstart, $3  }
0xc8: {  	[dreg:$0x1] =	wrdreg $0xFFFFFFFF  }
0xc9: {  	_ =	task.clear_ibuf [dreg:s8], $0x2FFFF;
	_ =	strace $0x9FFFFFFF  }
0xca: {  	(tm) =	ssettm $0x7FFFFFFF  }
0xcb: {  	_ =	shalt  }
tec
execute0_lowered:
.L_overlay_start_1:
0x0: {  	(tag) =	ssettag $0x1  }
0x1: {  	s5 =	rddreg [dreg:$0x0]  }
0x2: {  	s12 =	rddreg [dreg:$0x1]  }
0x3: {  	s13 =	rddreg [dreg:$0x2]  }
0x4: {  	s0 =	srdreg.scid;
	s2 =	rddreg [dreg:$0x3];
	s3 =	simm.s32 $0x0  }
0x5: {  	s17 =	simm.s32 $0x3;
	s18 =	simm.s32 $0x1400;
	s19 =	simm.s32 $0x80  }
0x6: {  	s20 =	simm.s32 $0x6800;
	s21 =	simm.s32 $0x1;
	s22 =	simm.s32 $0x2  }
0x7: {  	s23 =	simm.s32 $0x1380;
	s24 =	simm.s32 $0x2700;
	s6 =	sand.u32 $0x1, s0  }
0x8: {  	s25 =	simm.s32 $0x2780;
	s0 =	stileid.u32;
	s4 =	smul.u32 $0x140000, s6  }
0x9: {  	s26 =	simm.s32 $0x0;
	[smem:$0x7FF] =	sst s3;
	s7 =	smul.u32 $0x14000, s0  }
0xa: {  	s8 =	smul.u32 $0x50000, s0;
	s28 =	sshll.u32 s6, $0x4;
	s6 =	ssub.s32 $0x2, s6  }
0xb: {  	_ =	strace $0x8000004A;
	s29 =	sor.u32 s0, s28;
	s31 =	sshrl.u32 s6, $0x1  }
0xc: {  	s4 =	sadd.s32 s7, s4;
	s30 =	sshrl.u32 s8, $0x2;
	s10 =	smul.u32 $0x2800, s29  }
0xd: {  	s15 =	ssub.s32 s6, s31;
	s7 =	sshrl.u32 s4, $0x3;
	s4 =	sadd.s32 $0x2600, s5  }
0xe: {  	s15 =	smax.u32 s15, $0x1;
	s14 =	sadd.s32 s7, s5;
	s5 =	sadd.s32 s30, s2  }
0xf: {  	s16 =	sshrl.u32 s10, $0x3;
	s6 =	sadd.s32 $0x4000, s5;
	s7 =	sadd.s32 $0x8000, s5  }
0x10: {  	s8 =	sadd.s32 $0xC000, s5;
	s9 =	sadd.s32 $0x10000, s5;
	s10 =	sadd.s32 s12, s16  }
0x11: {  	s11 =	sadd.s32 s13, s16;
	s16 =	sadd.s32 $0x280, s16;
	s14 =	sadd.s32 $0x2A600, s14  }
0x12: {  	v0 =	vimm.f32 $0.0e+00;
	s12 =	sadd.s32 s12, s16;
	s13 =	sadd.s32 s13, s16;
	s16 =	simm.s32 $0x2800  }
.LBB2_1:
0x13: {  	s28 =	sand.u32 $0xFE00, s3  }
0x14: {  	s29 =	sand.u32 $0x70, s3;
	s30 =	sshrl.u32 s28, $0x2  }
0x15: {  	s28 =	simm.s32 $0x40;
	s30 =	sor.u32 s29, s30;
	s29 =	simm.s32 $0x0  }
.LBB2_2:
0x16: {  	p0 =	sne.s32 s28, $0xFFC0  }
0x17: {  	[tilespmem:s30+$0x2800] =	vst v0;
	s29 =	sadd.s32 $0x10, s29;
	s30 =	smov.u32 s28;
	s28 =	sadd.s32 $0x40, s28  }
.Ltmp0:
0x18: {  	(pc) =	sbr.rel @p0 .LBB2_2-.Ltmp0, $4  }
0x19: {  	_ = 	snop  }
0x1a: {  	s30 =	sand.u32 $0xFE00, s30  }
0x1b: {  	s31 =	sand.u32 $0x70, s29;
	s30 =	sshrl.u32 s30, $0x2  }
0x1c: {  	s30 =	sor.u32 s31, s30  }
0x1d: {  	[tilespmem:s30+$0x2800] =	vst v0  }
0x1e: {  	[spmem:s5] =	stream.linear.scatter [tilespmem:s16], [sflag:$0x3], $0x4000, $0x38;
	[tilespmem:$0x1E800] =	vst v63  }
0x1f: {  	_ =	swait.ge [sflag:s17], $0x4000  }
0x20: {  	[sflag:s17] =	ssyncset.done $0x0  }
0x21: {  	[sflag:s17] =	ssyncadd.s32 $0xFFFFC000  }
0x22: {  	[spmem:s6] =	stream.linear.scatter [tilespmem:s16], [sflag:$0x3], $0x4000, $0x38;
	[tilespmem:$0x1E800] =	vst v63  }
0x23: {  	_ =	swait.ge [sflag:s17], $0x4000  }
0x24: {  	[sflag:s17] =	ssyncset.done $0x0  }
0x25: {  	[sflag:s17] =	ssyncadd.s32 $0xFFFFC000  }
0x26: {  	[spmem:s7] =	stream.linear.scatter [tilespmem:s16], [sflag:$0x3], $0x4000, $0x38;
	[tilespmem:$0x1E800] =	vst v63  }
0x27: {  	_ =	swait.ge [sflag:s17], $0x4000  }
0x28: {  	[sflag:s17] =	ssyncset.done $0x0  }
0x29: {  	[sflag:s17] =	ssyncadd.s32 $0xFFFFC000  }
0x2a: {  	[spmem:s8] =	stream.linear.scatter [tilespmem:s16], [sflag:$0x3], $0x4000, $0x38;
	[tilespmem:$0x1E800] =	vst v63  }
0x2b: {  	_ =	swait.ge [sflag:s17], $0x4000  }
0x2c: {  	[sflag:s17] =	ssyncset.done $0x0  }
0x2d: {  	[sflag:s17] =	ssyncadd.s32 $0xFFFFC000  }
0x2e: {  	[spmem:s9] =	stream.linear.scatter [tilespmem:s16], [sflag:$0x3], $0x4000, $0x38;
	[tilespmem:$0x1E800] =	vst v63  }
0x2f: {  	_ =	swait.ge [sflag:s17], $0x4000  }
0x30: {  	[sflag:s17] =	ssyncset.done $0x0  }
0x31: {  	[sflag:s17] =	ssyncadd.s32 $0xFFFFC000  }
0x32: {  	s28 =	simm.s32 $0x0;
	[bflag:$0x0] =	sbarrier.arrive $0xFFFF  }
0x33: {  	[tilespmem:s28], [sflag:$0x3] =	stream.linear.gather [hbm4b:s10+s28], $0x1400, $0x38;
	[tilespmem:$0x1E800] =	vst v63  }
0x34: {  	_ =	swait.ge [sflag:s17], $0x1400  }
0x35: {  	[sflag:s17] =	ssyncset.done $0x0  }
0x36: {  	[sflag:s17] =	ssyncadd.s32 $0xFFFFEC00  }
0x37: {  	[tilespmem:s18], [sflag:$0x3] =	stream.linear.gather [hbm4b:s11+s28], $0x1400, $0x38;
	[tilespmem:$0x1E800] =	vst v63  }
0x38: {  	_ =	swait.ge [sflag:s17], $0x1400  }
0x39: {  	[sflag:s17] =	ssyncset.done $0x0  }
0x3a: {  	[sflag:s17] =	ssyncadd.s32 $0xFFFFEC00  }
0x3b: {  	[tilespmem:s16], [sflag:$0x1] =	stream.indirect.gather [hbm4b:s4+s19], $0x80, s28, s19, $0xb8;
	[tilespmem:$0x1E800] =	vst v63  }
0x3c: {  	s28 =	simm.s32 $0x80  }
0x3d: {  	[tilespmem:s20], [sflag:$0x2] =	stream.indirect.gather [hbm4b:s4+s19], $0x80, s28, s19, $0xb8;
	[tilespmem:$0x1E800] =	vst v63  }
0x3e: {  	_ =	swait.ge [sflag:s21], $0x4000  }
0x3f: {  	[sflag:s21] =	ssyncset.done $0x0  }
0x40: {  	s28 =	simm.s32 $0x1400;
	[sflag:s21] =	ssyncadd.s32 $0xFFFFC000  }
0x41: {  	[spmem:s2] =	stream.indirect.scatter.add.f32 [tilespmem:s16], [sflag:$0x3], $0x80, s28, s19, $0xb8;
	[tilespmem:$0x1E800] =	vst v63  }
0x42: {  	_ =	swait.ge [sflag:s17], $0x4000  }
0x43: {  	[sflag:s17] =	ssyncset.done $0x0  }
0x44: {  	s28 =	simm.s32 $0x100;
	[sflag:s17] =	ssyncadd.s32 $0xFFFFC000  }
0x45: {  	[tilespmem:s16], [sflag:$0x1] =	stream.indirect.gather [hbm4b:s4+s19], $0x80, s28, s19, $0xb8;
	[tilespmem:$0x1E800] =	vst v63  }
0x46: {  	_ =	swait.ge [sflag:s22], $0x4000  }
0x47: {  	[sflag:s22] =	ssyncset.done $0x0  }
0x48: {  	s28 =	simm.s32 $0x1480;
	[sflag:s22] =	ssyncadd.s32 $0xFFFFC000  }
0x49: {  	[spmem:s2] =	stream.indirect.scatter.add.f32 [tilespmem:s20], [sflag:$0x3], $0x80, s28, s19, $0xb8;
	[tilespmem:$0x1E800] =	vst v63  }
0x4a: {  	_ =	swait.ge [sflag:s17], $0x4000  }
0x4b: {  	s29 =	simm.s32 $0x800;
	s28 =	simm.s32 $0x100;
	[sflag:s17] =	ssyncset.done $0x0  }
.LBB2_4:
0x4c: {  	s30 =	sadd.s32 $0x80, s28  }
0x4d: {  	[sflag:s17] =	ssyncadd.s32 $0xFFFFC000;
	s31 =	smov.u32 s29;
	s1 =	sadd.s32 $0x400, s29  }
0x4e: {  	[tilespmem:s20], [sflag:$0x2] =	stream.indirect.gather [hbm4b:s4+s19], $0x80, s30, s19, $0xb8;
	[tilespmem:$0x1E800] =	vst v63  }
0x4f: {  	p0 =	sne.s32 s29, $0x4800;
	_ =	swait.ge [sflag:s21], $0x4000  }
0x50: {  	[sflag:s21] =	ssyncset.done $0x0  }
0x51: {  	s29 =	sadd.s32 $0x1400, s28;
	[sflag:s21] =	ssyncadd.s32 $0xFFFFC000  }
0x52: {  	[spmem:s2] =	stream.indirect.scatter.add.f32 [tilespmem:s16], [sflag:$0x3], $0x80, s29, s19, $0xb8;
	[tilespmem:$0x1E800] =	vst v63  }
0x53: {  	_ =	swait.ge [sflag:s17], $0x4000  }
0x54: {  	[sflag:s17] =	ssyncset.done $0x0  }
0x55: {  	s29 =	sadd.s32 $0x100, s28;
	[sflag:s17] =	ssyncadd.s32 $0xFFFFC000  }
0x56: {  	[tilespmem:s16], [sflag:$0x1] =	stream.indirect.gather [hbm4b:s4+s19], $0x80, s29, s19, $0xb8;
	[tilespmem:$0x1E800] =	vst v63  }
0x57: {  	_ =	swait.ge [sflag:s22], $0x4000  }
.Ltmp1:
0x58: {  	[sflag:s22] =	ssyncset.done $0x0;
	(pc) =	sbr.rel @p0 .LBB2_4-.Ltmp1, $4  }
0x59: {  	s28 =	sadd.s32 $0x1480, s28;
	[sflag:s22] =	ssyncadd.s32 $0xFFFFC000  }
0x5a: {  	[spmem:s2] =	stream.indirect.scatter.add.f32 [tilespmem:s20], [sflag:$0x3], $0x80, s28, s19, $0xb8;
	[tilespmem:$0x1E800] =	vst v63  }
0x5b: {  	_ =	swait.ge [sflag:s17], $0x4000  }
0x5c: {  	s29 =	smov.u32 s1;
	s28 =	sshra.s32 s31, $0x2;
	[sflag:s17] =	ssyncset.done $0x0  }
0x5d: {  	s1 =	sadd.s32 $0x80, s28;
	[sflag:s17] =	ssyncadd.s32 $0xFFFFC000  }
0x5e: {  	[tilespmem:s20], [sflag:$0x2] =	stream.indirect.gather [hbm4b:s4+s19], $0x80, s1, s19, $0xb8;
	[tilespmem:$0x1E800] =	vst v63  }
0x5f: {  	_ =	swait.ge [sflag:s21], $0x4000  }
0x60: {  	[sflag:s21] =	ssyncset.done $0x0  }
0x61: {  	s30 =	sadd.s32 $0x1400, s28;
	[sflag:s21] =	ssyncadd.s32 $0xFFFFC000  }
0x62: {  	[spmem:s2] =	stream.indirect.scatter.add.f32 [tilespmem:s16], [sflag:$0x3], $0x80, s30, s19, $0xb8;
	[tilespmem:$0x1E800] =	vst v63  }
0x63: {  	_ =	swait.ge [sflag:s17], $0x4000  }
0x64: {  	[sflag:s17] =	ssyncset.done $0x0  }
0x65: {  	s31 =	sadd.s32 $0x100, s28;
	[sflag:s17] =	ssyncadd.s32 $0xFFFFC000  }
0x66: {  	[tilespmem:s16], [sflag:$0x1] =	stream.indirect.gather [hbm4b:s4+s19], $0x80, s31, s19, $0xb8;
	[tilespmem:$0x1E800] =	vst v63  }
0x67: {  	_ =	swait.ge [sflag:s22], $0x4000  }
0x68: {  	[sflag:s22] =	ssyncset.done $0x0  }
0x69: {  	s30 =	sadd.s32 $0x1480, s28;
	[sflag:s22] =	ssyncadd.s32 $0xFFFFC000  }
0x6a: {  	[spmem:s2] =	stream.indirect.scatter.add.f32 [tilespmem:s20], [sflag:$0x3], $0x80, s30, s19, $0xb8;
	[tilespmem:$0x1E800] =	vst v63  }
0x6b: {  	_ =	swait.ge [sflag:s17], $0x4000  }
0x6c: {  	[sflag:s17] =	ssyncset.done $0x0  }
0x6d: {  	[sflag:s17] =	ssyncadd.s32 $0xFFFFC000  }
0x6e: {  	_ =	swait.ge [sflag:s21], $0x4000  }
0x6f: {  	[sflag:s21] =	ssyncset.done $0x0  }
0x70: {  	[sflag:s21] =	ssyncadd.s32 $0xFFFFC000  }
0x71: {  	[tilespmem:s20], [sflag:$0x2] =	stream.indirect.gather [hbm4b:s4+s19], $0x80, s23, s19, $0xb8;
	[tilespmem:$0x1E800] =	vst v63  }
0x72: {  	_ = 	snop  }
0x73: {  	[spmem:s2] =	stream.indirect.scatter.add.f32 [tilespmem:s16], [sflag:$0x3], $0x80, s24, s19, $0xb8;
	[tilespmem:$0x1E800] =	vst v63  }
0x74: {  	_ =	swait.ge [sflag:s17], $0x4000  }
0x75: {  	[sflag:s17] =	ssyncset.done $0x0  }
0x76: {  	[sflag:s17] =	ssyncadd.s32 $0xFFFFC000  }
0x77: {  	_ =	swait.ge [sflag:s22], $0x4000  }
0x78: {  	[sflag:s22] =	ssyncset.done $0x0  }
0x79: {  	[sflag:s22] =	ssyncadd.s32 $0xFFFFC000  }
0x7a: {  	[spmem:s2] =	stream.indirect.scatter.add.f32 [tilespmem:s20], [sflag:$0x3], $0x80, s25, s19, $0xb8;
	[tilespmem:$0x1E800] =	vst v63  }
0x7b: {  	_ =	swait.ge [sflag:s17], $0x4000  }
0x7c: {  	[sflag:s17] =	ssyncset.done $0x0  }
0x7d: {  	s31 =	simm.s32 $0x0;
	[sflag:s17] =	ssyncadd.s32 $0xFFFFC000  }
0x7e: {  	[tilespmem:s31], [sflag:$0x3] =	stream.linear.gather [hbm4b:s12+s31], $0x1400, $0x38;
	[tilespmem:$0x1E800] =	vst v63  }
0x7f: {  	_ =	swait.ge [sflag:s17], $0x1400  }
0x80: {  	[sflag:s17] =	ssyncset.done $0x0  }
0x81: {  	[sflag:s17] =	ssyncadd.s32 $0xFFFFEC00  }
0x82: {  	[tilespmem:s18], [sflag:$0x3] =	stream.linear.gather [hbm4b:s13+s31], $0x1400, $0x38;
	[tilespmem:$0x1E800] =	vst v63  }
0x83: {  	_ =	swait.ge [sflag:s17], $0x1400  }
0x84: {  	[sflag:s17] =	ssyncset.done $0x0  }
0x85: {  	[sflag:s17] =	ssyncadd.s32 $0xFFFFEC00  }
0x86: {  	[tilespmem:s16], [sflag:$0x1] =	stream.indirect.gather [hbm4b:s4+s19], $0x80, s31, s19, $0xb8;
	[tilespmem:$0x1E800] =	vst v63  }
0x87: {  	s30 =	simm.s32 $0x80  }
0x88: {  	[tilespmem:s20], [sflag:$0x2] =	stream.indirect.gather [hbm4b:s4+s19], $0x80, s30, s19, $0xb8;
	[tilespmem:$0x1E800] =	vst v63  }
0x89: {  	_ =	swait.ge [sflag:s21], $0x4000  }
0x8a: {  	[sflag:s21] =	ssyncset.done $0x0  }
0x8b: {  	s31 =	simm.s32 $0x1400;
	[sflag:s21] =	ssyncadd.s32 $0xFFFFC000  }
0x8c: {  	[spmem:s2] =	stream.indirect.scatter.add.f32 [tilespmem:s16], [sflag:$0x3], $0x80, s31, s19, $0xb8;
	[tilespmem:$0x1E800] =	vst v63  }
0x8d: {  	_ =	swait.ge [sflag:s17], $0x4000  }
0x8e: {  	[sflag:s17] =	ssyncset.done $0x0  }
0x8f: {  	s30 =	simm.s32 $0x100;
	[sflag:s17] =	ssyncadd.s32 $0xFFFFC000  }
0x90: {  	[tilespmem:s16], [sflag:$0x1] =	stream.indirect.gather [hbm4b:s4+s19], $0x80, s30, s19, $0xb8;
	[tilespmem:$0x1E800] =	vst v63  }
0x91: {  	_ =	swait.ge [sflag:s22], $0x4000  }
0x92: {  	[sflag:s22] =	ssyncset.done $0x0  }
0x93: {  	s31 =	simm.s32 $0x1480;
	[sflag:s22] =	ssyncadd.s32 $0xFFFFC000  }
0x94: {  	[spmem:s2] =	stream.indirect.scatter.add.f32 [tilespmem:s20], [sflag:$0x3], $0x80, s31, s19, $0xb8;
	[tilespmem:$0x1E800] =	vst v63  }
0x95: {  	_ =	swait.ge [sflag:s17], $0x4000  }
0x96: {  	s29 =	simm.s32 $0x800;
	s28 =	simm.s32 $0x100;
	[sflag:s17] =	ssyncset.done $0x0  }
.LBB2_6:
0x97: {  	s1 =	sadd.s32 $0x80, s28  }
0x98: {  	[sflag:s17] =	ssyncadd.s32 $0xFFFFC000;
	s30 =	smov.u32 s29;
	s31 =	sadd.s32 $0x400, s29  }
0x99: {  	[tilespmem:s20], [sflag:$0x2] =	stream.indirect.gather [hbm4b:s4+s19], $0x80, s1, s19, $0xb8;
	[tilespmem:$0x1E800] =	vst v63  }
0x9a: {  	p0 =	sne.s32 s29, $0x4800;
	_ =	swait.ge [sflag:s21], $0x4000  }
0x9b: {  	[sflag:s21] =	ssyncset.done $0x0  }
0x9c: {  	s1 =	sadd.s32 $0x1400, s28;
	[sflag:s21] =	ssyncadd.s32 $0xFFFFC000  }
0x9d: {  	[spmem:s2] =	stream.indirect.scatter.add.f32 [tilespmem:s16], [sflag:$0x3], $0x80, s1, s19, $0xb8;
	[tilespmem:$0x1E800] =	vst v63  }
0x9e: {  	_ =	swait.ge [sflag:s17], $0x4000  }
0x9f: {  	[sflag:s17] =	ssyncset.done $0x0  }
0xa0: {  	s1 =	sadd.s32 $0x100, s28;
	[sflag:s17] =	ssyncadd.s32 $0xFFFFC000  }
0xa1: {  	[tilespmem:s16], [sflag:$0x1] =	stream.indirect.gather [hbm4b:s4+s19], $0x80, s1, s19, $0xb8;
	[tilespmem:$0x1E800] =	vst v63  }
0xa2: {  	_ =	swait.ge [sflag:s22], $0x4000  }
.Ltmp2:
0xa3: {  	[sflag:s22] =	ssyncset.done $0x0;
	(pc) =	sbr.rel @p0 .LBB2_6-.Ltmp2, $4  }
0xa4: {  	s1 =	sadd.s32 $0x1480, s28;
	[sflag:s22] =	ssyncadd.s32 $0xFFFFC000  }
0xa5: {  	[spmem:s2] =	stream.indirect.scatter.add.f32 [tilespmem:s20], [sflag:$0x3], $0x80, s1, s19, $0xb8;
	[tilespmem:$0x1E800] =	vst v63  }
0xa6: {  	_ =	swait.ge [sflag:s17], $0x4000  }
0xa7: {  	s29 =	smov.u32 s31;
	s28 =	sshra.s32 s30, $0x2;
	[sflag:s17] =	ssyncset.done $0x0  }
0xa8: {  	s1 =	sadd.s32 $0x80, s28;
	[sflag:s17] =	ssyncadd.s32 $0xFFFFC000  }
0xa9: {  	[tilespmem:s20], [sflag:$0x2] =	stream.indirect.gather [hbm4b:s4+s19], $0x80, s1, s19, $0xb8;
	[tilespmem:$0x1E800] =	vst v63  }
0xaa: {  	_ =	swait.ge [sflag:s21], $0x4000  }
0xab: {  	[sflag:s21] =	ssyncset.done $0x0  }
0xac: {  	s30 =	sadd.s32 $0x1400, s28;
	[sflag:s21] =	ssyncadd.s32 $0xFFFFC000  }
0xad: {  	[spmem:s2] =	stream.indirect.scatter.add.f32 [tilespmem:s16], [sflag:$0x3], $0x80, s30, s19, $0xb8;
	[tilespmem:$0x1E800] =	vst v63  }
0xae: {  	_ =	swait.ge [sflag:s17], $0x4000  }
0xaf: {  	[sflag:s17] =	ssyncset.done $0x0  }
0xb0: {  	s31 =	sadd.s32 $0x100, s28;
	[sflag:s17] =	ssyncadd.s32 $0xFFFFC000  }
0xb1: {  	[tilespmem:s16], [sflag:$0x1] =	stream.indirect.gather [hbm4b:s4+s19], $0x80, s31, s19, $0xb8;
	[tilespmem:$0x1E800] =	vst v63  }
0xb2: {  	_ =	swait.ge [sflag:s22], $0x4000  }
0xb3: {  	[sflag:s22] =	ssyncset.done $0x0  }
0xb4: {  	s29 =	sadd.s32 $0x1480, s28;
	[sflag:s22] =	ssyncadd.s32 $0xFFFFC000  }
0xb5: {  	[spmem:s2] =	stream.indirect.scatter.add.f32 [tilespmem:s20], [sflag:$0x3], $0x80, s29, s19, $0xb8;
	[tilespmem:$0x1E800] =	vst v63  }
0xb6: {  	_ =	swait.ge [sflag:s17], $0x4000  }
0xb7: {  	[sflag:s17] =	ssyncset.done $0x0  }
0xb8: {  	[sflag:s17] =	ssyncadd.s32 $0xFFFFC000  }
0xb9: {  	_ =	swait.ge [sflag:s21], $0x4000  }
0xba: {  	[sflag:s21] =	ssyncset.done $0x0  }
0xbb: {  	[sflag:s21] =	ssyncadd.s32 $0xFFFFC000  }
0xbc: {  	[tilespmem:s20], [sflag:$0x2] =	stream.indirect.gather [hbm4b:s4+s19], $0x80, s23, s19, $0xb8;
	[tilespmem:$0x1E800] =	vst v63  }
0xbd: {  	_ = 	snop  }
0xbe: {  	[spmem:s2] =	stream.indirect.scatter.add.f32 [tilespmem:s16], [sflag:$0x3], $0x80, s24, s19, $0xb8;
	[tilespmem:$0x1E800] =	vst v63  }
0xbf: {  	_ =	swait.ge [sflag:s17], $0x4000  }
0xc0: {  	[sflag:s17] =	ssyncset.done $0x0  }
0xc1: {  	[sflag:s17] =	ssyncadd.s32 $0xFFFFC000  }
0xc2: {  	_ =	swait.ge [sflag:s22], $0x4000  }
0xc3: {  	[sflag:s22] =	ssyncset.done $0x0  }
0xc4: {  	[sflag:s22] =	ssyncadd.s32 $0xFFFFC000  }
0xc5: {  	[spmem:s2] =	stream.indirect.scatter.add.f32 [tilespmem:s20], [sflag:$0x3], $0x80, s25, s19, $0xb8;
	[tilespmem:$0x1E800] =	vst v63  }
0xc6: {  	_ =	swait.ge [sflag:s17], $0x4000  }
0xc7: {  	s26 =	sadd.s32 $0x1, s26;
	s30 =	sshll.u32 s0, $0x6;
	[sflag:s17] =	ssyncset.done $0x0  }
0xc8: {  	p0 =	sne.s32 s26, s15;
	s1 =	sor.u32 $0x1C03, s30;
	[sflag:s17] =	ssyncadd.s32 $0xFFFFC000  }
.Ltmp3:
0xc9: {  	s31 =	sshrl.u32 s5, $0x3;
	[bflag:$0x0] =	sbarrier.arrive $0xFFFF;
	(pc) =	sbr.rel @p0 .LBB2_1-.Ltmp3, $4  }
0xca: {  	[hbm:s14], [sflag:s1] =	dma.local [spmem:s31], $0x2800  }
0xcb: {  	_ =	swait.ge [sflag:s17], $0x2800  }
0xcc: {  	[sflag:s17] =	ssyncset.done $0x0  }
0xcd: {  	[sflag:s17] =	ssyncadd.s32 $0xFFFFD800  }
0xce: {  	_ =	sfence.sel $0x180000  }
0xcf: {  	[bflag:$0x0] =	sbarrier.arrive $0xFFFF  }
0xd0: {  	_ =	strace $0x9000004A  }
0xd1: {  	[bflag:$0x2] =	sbarrier.arrive $0xFFFF  }
0xd2: {  	p0 =	sne.s32 s0, $0x0;
	s0 =	rddreg [dreg:$0x4]  }
0xd3: {  	s0 =	sadd.s32 @!p0 $0x100000, s0  }
0xd4: {  	[sflag:s0] =	ssyncadd.tile.s32 @!p0 $0x1;
	_ =	shalt  }
.Lfunc_end2:
_tile_overlayer_lowered:
.L_overlay_start_2:
0xd5: {  	(tag) =	ssettag $0x2  }
0xd6: {  	s0 =	rddreg [dreg:$0x0];
	s2 =	stileid.u32  }
0xd7: {  	s1 =	rddreg [dreg:$0x1];
	p0 =	sne.s32 s2, $0x0  }
0xd8: {  	s3 =	rddreg [dreg:$0x2];
	[bflag:$0x3] =	sbarrier.arrive $0xFFFF;
	s2 =	simm.s32 @!p0 $0x1C03  }
0xd9: {  	[timem:s3], [sflag:s2] =	dma.local @!p0 [hbm:s0], s1  }
0xda: {  	s0 =	simm.s32 @!p0 $0x3  }
0xdb: {  	_ =	swait.ge @!p0 [sflag:s0], s1  }
0xdc: {  	s1 =	ssub.s32 @!p0 $0x0, s1;
	[sflag:s0] =	ssyncset.done @!p0 $0x0  }
0xdd: {  	[sflag:s0] =	ssyncadd.s32 @!p0 s1  }
0xde: {  	[bflag:$0x3] =	sbarrier.arrive $0xFFFF  }
0xdf: {  	_ =	shalt  }

// kernel: kernel.14.cloned.1.call-start
scs
__scs_entry_jumppad:
0x0: {  	(pc) =	sbr.rel $0x88, $3  }
0x1: {  	(tag) =	ssettag $0x0;
	lr =	simm.s32 $0x1  }
0x2: {  	[smem:$0x3F9B] =	sst lr;
	_ =	strace $0xD0000000  }
0x3: {  	_ = 	snop  }
0x4: {  	_ = 	snop  }
0x5: {  	_ = 	snop  }
0x6: {  	_ = 	snop  }
0x7: {  	_ = 	snop  }
__scs_overlays_trampoline_lowered:
0x8: {  	[smem:$0x3FAA] =	sst s0  }
0x9: {  	[smem:$0x3FAB] =	sst s1  }
0xa: {  	[smem:$0x3FAC] =	sst s2  }
0xb: {  	[smem:$0x3FAD] =	sst s3  }
0xc: {  	[smem:$0x3FAE] =	sst s4  }
0xd: {  	[smem:$0x3FAF] =	sst s5  }
0xe: {  	[smem:$0x3FB0] =	sst s6  }
0xf: {  	[smem:$0x3FB1] =	sst s7  }
0x10: {  	[smem:$0x3FB2] =	sst s8  }
0x11: {  	[smem:$0x3FB3] =	sst s9;
	s0 =	simm.s32 @!p0 $0x0  }
0x12: {  	s1 =	sld [smem:$0x3F99];
	s0 =	simm.s32 @p0 $0x1  }
0x13: {  	[smem:$0x3FB4] =	sst s0;
	s0 =	simm.s32 @!p1 $0x0  }
0x14: {  	s2 =	sld [smem:$0x3F98];
	s0 =	simm.s32 @p1 $0x1  }
0x15: {  	[smem:$0x3FB5] =	sst s0;
	s0 =	simm.s32 @!p2 $0x0  }
0x16: {  	s3 =	sld [smem:$0x3FDB];
	s0 =	simm.s32 @p2 $0x1  }
0x17: {  	s4 =	simm.s32 $0x1BF5;
	[smem:$0x3FB7] =	sst s0  }
0x18: {  	s0 =	sld [smem:$0x3F9A];
	_ =	swait.ge [sflag:s4], $0x0  }
0x19: {  	s7 =	sld [smem:$0x3F9B]  }
0x1a: {  	s8 =	sadd.s32 $0xFFFFE003, lr  }
0x1b: {  	s9 =	sadd.s32 $0xFFFFFEF7, lr;
	s5 =	simm.s32 $0xFFFFFFFF;
	p2 =	slt.u32 s8, $0xFFFFF086  }
0x1c: {  	p1 =	slt.u32 s9, $0xF7A;
	s5 =	simm.s32 @!p2 $0x0  }
0x1d: {  	s5 =	simm.s32 @p1 $0x1;
	p0 =	seq.s32 s7, s2  }
0x1e: {  	s7 =	smul.u32 @!p0 $0xF7A, s2;
	p2 =	seq.s32 @!p0 s5, $0x0  }
0x1f: {  	s9 =	smul.u32 $0xF7A, s1;
	s8 =	simm.s32 @!p0 $0x1BF5;
	p2 =	por !p2, p0  }
0x20: {  	[sflag:s8] =	ssyncset.s32 @!p0 $0xFFFFF086;
	s6 =	sadd.s32 @!p0 s3, s7;
	s7 =	simm.s32 @!p0 $0x108  }
0x21: {  	s3 =	sadd.s32 s3, s9;
	s6 =	sadd.s32 @!p0 $0x88, s6;
	s7 =	simm.s32 @p2 $0x1082  }
0x22: {  	[simem:s7], [sflag:s8] =	dma.local @!p0 [hbm:s6], $0xF7A  }
0x23: {  	s9 =	sor.u32 $0xD0000000, s2;
	s6 =	simm.s32 $0x108;
	_ =	swait.ge @!p0 [sflag:s8], $0x0  }
0x24: {  	s3 =	sadd.s32 $0x88, s3;
	s6 =	simm.s32 @!p1 $0x1082;
	[sflag:s4] =	ssyncset.s32 $0xFFFFF086  }
0x25: {  	[simem:s6], [sflag:s4] =	dma.local [hbm:s3], $0xF7A  }
0x26: {  	[smem:$0x3F9B] =	sst s1;
	(tag) =	ssettag s2;
	_ =	strace s9  }
0x27: {  	s1 =	sld [smem:$0x3FAB]  }
0x28: {  	s2 =	sld [smem:$0x3FAC]  }
0x29: {  	s4 =	sld [smem:$0x3FAE]  }
0x2a: {  	p0 =	seq.s32 s5, $0x0;
	s5 =	sld [smem:$0x3FAF]  }
0x2b: {  	s6 =	sld [smem:$0x3FB0]  }
0x2c: {  	s7 =	sld [smem:$0x3FB1]  }
0x2d: {  	s3 =	simm.s32 $0x108;
	s8 =	sld [smem:$0x3FB2]  }
0x2e: {  	s3 =	simm.s32 @!p0 $0x1082;
	s9 =	sld [smem:$0x3FB3]  }
0x2f: {  	lr =	sadd.s32 s0, s3;
	s0 =	sld [smem:$0x3FAA]  }
0x30: {  	s3 =	sld [smem:$0x3FAD]  }
0x31: {  	[smem:$0x3FB6] =	sst s10  }
0x32: {  	s10 =	sld [smem:$0x3FB4];
	_ =	sdelay $0x3  }
0x33: {  	p0 =	seq.s32 s10, $0x1;
	s10 =	sld [smem:$0x3FB6];
	_ =	sdelay $0x3  }
0x34: {  	[smem:$0x3FB6] =	sst s10  }
0x35: {  	s10 =	sld [smem:$0x3FB5];
	_ =	sdelay $0x3  }
0x36: {  	p1 =	seq.s32 s10, $0x1;
	s10 =	sld [smem:$0x3FB6];
	_ =	sdelay $0x3  }
0x37: {  	[smem:$0x3FB6] =	sst s10  }
0x38: {  	s10 =	sld [smem:$0x3FB7]  }
0x39: {  	_ = 	snop;
	(pc) =	sbr.ind lr, $3  }
0x3a: {  	_ = 	snop  }
0x3b: {  	_ = 	snop  }
0x3c: {  	p2 =	seq.s32 s10, $0x1;
	s10 =	sld [smem:$0x3FB6]  }
0x3d: {  	_ =	shalt  }
0x3e: {  	_ =	shalt  }
0x3f: {  	_ =	shalt  }
0x40: {  	_ =	shalt  }
0x41: {  	_ =	shalt  }
0x42: {  	_ =	shalt  }
0x43: {  	_ =	shalt  }
0x44: {  	_ =	shalt  }
0x45: {  	_ =	shalt  }
0x46: {  	_ =	shalt  }
0x47: {  	_ =	shalt  }
0x48: {  	_ =	shalt  }
0x49: {  	_ =	shalt  }
0x4a: {  	_ =	shalt  }
0x4b: {  	_ =	shalt  }
0x4c: {  	_ =	shalt  }
0x4d: {  	_ =	shalt  }
0x4e: {  	_ =	shalt  }
0x4f: {  	_ =	shalt  }
0x50: {  	_ =	shalt  }
0x51: {  	_ =	shalt  }
0x52: {  	_ =	shalt  }
0x53: {  	_ =	shalt  }
0x54: {  	_ =	shalt  }
0x55: {  	_ =	shalt  }
0x56: {  	_ =	shalt  }
0x57: {  	_ =	shalt  }
0x58: {  	_ =	shalt  }
0x59: {  	_ =	shalt  }
0x5a: {  	_ =	shalt  }
0x5b: {  	_ =	shalt  }
0x5c: {  	_ =	shalt  }
0x5d: {  	_ =	shalt  }
0x5e: {  	_ =	shalt  }
0x5f: {  	_ =	shalt  }
0x60: {  	_ =	shalt  }
0x61: {  	_ =	shalt  }
0x62: {  	_ =	shalt  }
0x63: {  	_ =	shalt  }
0x64: {  	_ =	shalt  }
0x65: {  	_ =	shalt  }
0x66: {  	_ =	shalt  }
0x67: {  	_ =	shalt  }
0x68: {  	_ =	shalt  }
0x69: {  	_ =	shalt  }
0x6a: {  	_ =	shalt  }
0x6b: {  	_ =	shalt  }
0x6c: {  	_ =	shalt  }
0x6d: {  	_ =	shalt  }
0x6e: {  	_ =	shalt  }
0x6f: {  	_ =	shalt  }
0x70: {  	_ =	shalt  }
0x71: {  	_ =	shalt  }
0x72: {  	_ =	shalt  }
0x73: {  	_ =	shalt  }
0x74: {  	_ =	shalt  }
0x75: {  	_ =	shalt  }
0x76: {  	_ =	shalt  }
0x77: {  	_ =	shalt  }
0x78: {  	_ =	shalt  }
0x79: {  	_ =	shalt  }
0x7a: {  	_ =	shalt  }
0x7b: {  	_ =	shalt  }
0x7c: {  	_ =	shalt  }
0x7d: {  	_ =	shalt  }
0x7e: {  	_ =	shalt  }
0x7f: {  	_ =	shalt  }
0x80: {  	_ =	shalt  }
0x81: {  	_ =	shalt  }
0x82: {  	_ =	shalt  }
0x83: {  	_ =	shalt  }
0x84: {  	_ =	shalt  }
0x85: {  	_ =	shalt  }
0x86: {  	_ =	shalt  }
0x87: {  	_ =	shalt  }
.Lfunc_end0:
.L_simem_size_0:
called_computation.2_lowered:
.L_overlay_start_0:
0x88: {  	s2 =	sld [smem:$0x3FD9]  }
0x89: {  	s3 =	sld [smem:$0x3FFE];
	_ =	sdelay $0x1  }
0x8a: {  	s1 =	srdreg.scid  }
0x8b: {  	s0 =	sand.u32 $0x1, s1  }
0x8c: {  	s14 =	sshll.u32 s0, $0xA;
	s2 =	sadd.s32 s3, s2  }
0x8d: {  	s2 =	sadd.s32 s2, s14  }
0x8e: {  	[smem:$0x3FC2] =	sst s2  }
0x8f: {  	_ = 	snop  }
0x90: {  	s2 =	sld [smem:$0x3FD0];
	_ =	sdelay $0x2  }
0x91: {  	s15 =	simm.s32 $0xA;
	s4 =	simm.s32 $0x10  }
0x92: {  	[smem:s4], [sflag:s15] =	dma.local [hbm:s2], $0x1  }
0x93: {  	_ =	swait.eq [sflag:s15], $0x1  }
0x94: {  	[sflag:s15] =	ssyncset.done $0x0  }
0x95: {  	s16 =	sld [smem:$0x10];
	[sflag:s15] =	ssyncadd.s32 $0xFFFFFFFF  }
0x96: {  	s17 =	sld [smem:$0x11];
	(tm) =	ssettm $0x1  }
0x97: {  	s18 =	sld [smem:$0x3FFB];
	_ =	sdelay $0x3  }
0x98: {  	_ =	strace s18  }
0x99: {  	s4 =	sld [smem:$0x3FFC];
	_ =	sdelay $0x3  }
0x9a: {  	_ =	strace s4  }
0x9b: {  	s4 =	sld [smem:$0x3FFD];
	_ =	sdelay $0x3  }
0x9c: {  	_ =	strace s4  }
0x9d: {  	_ =	strace $0x8FFFFFFF  }
0x9e: {  	s19 =	sld [smem:$0x3FDB];
	_ =	sdelay $0x1  }
0x9f: {  	s5 =	simm.s32 $_scs_section_size  }
0xa0: {  	s6 =	simm.s32 $_size__tile_overlayer_lowered;
	s7 =	simm.s32 $_tile_overlayer_lowered  }
0xa1: {  	s22 =	simm.s32 $0x1BFF;
	s21 =	sshll.u32 s7, $0x1;
	s4 =	sadd.s32 s5, s19  }
0xa2: {  	s8 =	simm.s32 $0x0;
	s20 =	sshll.u32 s6, $0x1;
	s6 =	sadd.s32 s21, s4  }
0xa3: {  	[timem:s8], [sflag:s22] =	dma.local [hbm:s6], s20  }
0xa4: {  	_ =	swait.ge [sflag:s22], s20  }
0xa5: {  	s5 =	ssub.s32 $0x0, s20;
	[sflag:s22] =	ssyncset.done $0x0  }
0xa6: {  	[sflag:s22] =	ssyncadd.s32 s5;
	_ =	sdelay $0x1  }
0xa7: {  	s23 =	simm.s32 $0x1B8B  }
0xa8: {  	_ =	swait.ge [sflag:s23], $0x1  }
0xa9: {  	[sflag:s23] =	ssyncset.done $0x0  }
0xaa: {  	s25 =	simm.s32 $0x1B8E;
	s24 =	sld [smem:$0x3FFE];
	[sflag:s23] =	ssyncadd.s32 $0xFFFFFFFF  }
0xab: {  	s26 =	simm.s32 $execute0_lowered;
	[smem:$0x3FD2] =	sst s25  }
0xac: {  	s6 =	sshll.u32 s26, $0x1;
	_ =	strace $0x8000004C;
	[dreg:$0x1] =	wrdreg $0xFFFFFFFF  }
0xad: {  	s28 =	simm.s32 $_size_execute0_lowered;
	s4 =	sadd.s32 s4, s6;
	[dreg:$0x0] =	wrdreg $0x0  }
0xae: {  	s6 =	sshll.u32 s28, $0x1;
	[dreg:$0x2] =	wrdreg s4  }
0xaf: {  	[dreg:$0x3] =	wrdreg s6  }
0xb0: {  	[dreg:$0x4] =	wrdreg $0xC0  }
0xb1: {  	_ =	task [dreg:s8], $0x5FFFF  }
0xb2: {  	[dreg:$0x1] =	wrdreg $0xFFFFFFFF  }
0xb3: {  	[dreg:$0x0] =	wrdreg $0x60  }
0xb4: {  	[dreg:$0x2] =	wrdreg s24  }
0xb5: {  	[dreg:$0x3] =	wrdreg s17  }
0xb6: {  	[dreg:$0x4] =	wrdreg s16  }
0xb7: {  	[dreg:$0x5] =	wrdreg $0xA8000  }
0xb8: {  	[dreg:$0x6] =	wrdreg $0x9  }
0xb9: {  	_ =	task.clear_ibuf [dreg:s8], $0x7FFFF;
	_ =	strace $0x9000004C  }
0xba: {  	s29 =	simm.s32 $0x9;
	_ =	strace $0x8000004E  }
0xbb: {  	_ =	swait.ge [sflag:s29], $0x1  }
0xbc: {  	[sflag:s29] =	ssyncadd.s32 $0xFFFFFFFF  }
0xbd: {  	_ =	strace $0x9000004E  }
0xbe: {  	_ =	sfence  }
0xbf: {  	s30 =	sld [smem:$0x0];
	_ =	sdelay $0x2  }
0xc0: {  	s31 =	sshll.u32 s1, $0xD;
	s1 =	sshrl.u32 s1, $0x2  }
0xc1: {  	s3 =	sand.u32 $0x4000, s31;
	s1 =	sadd.s32 s1, s30  }
0xc2: {  	s0 =	sor.u32 s3, s0;
	s1 =	sshll.u32 s1, $0x11  }
0xc3: {  	s0 =	sor.u32 s1, s0  }
0xc4: {  	s0 =	sadd.s32 $0x8F2B, s0  }
0xc5: {  	[sflag:s0] =	ssyncadd.remote.s32 $0x1  }
0xc6: {  	_ =	sfence.sel $0xFFFF  }
0xc7: {  	[dreg:$0x0] =	wrdreg $0xFFFFFFFF;
	(pc) =	sbr.abs _section_cstart, $3  }
0xc8: {  	[dreg:$0x1] =	wrdreg $0xFFFFFFFF  }
0xc9: {  	_ =	task.clear_ibuf [dreg:s8], $0x2FFFF;
	_ =	strace $0x9FFFFFFF  }
0xca: {  	(tm) =	ssettm $0x7FFFFFFF  }
0xcb: {  	_ =	shalt  }
tec
execute0_lowered:
.L_overlay_start_1:
0x0: {  	(tag) =	ssettag $0x1  }
0x1: {  	s5 =	rddreg [dreg:$0x0]  }
0x2: {  	s12 =	rddreg [dreg:$0x1]  }
0x3: {  	s13 =	rddreg [dreg:$0x2]  }
0x4: {  	s0 =	srdreg.scid;
	s2 =	rddreg [dreg:$0x3];
	s3 =	simm.s32 $0x0  }
0x5: {  	s17 =	simm.s32 $0x3;
	s18 =	simm.s32 $0x1400;
	s19 =	simm.s32 $0x80  }
0x6: {  	s20 =	simm.s32 $0x6800;
	s21 =	simm.s32 $0x1;
	s22 =	simm.s32 $0x2  }
0x7: {  	s23 =	simm.s32 $0x1380;
	s24 =	simm.s32 $0x2700;
	s6 =	sand.u32 $0x1, s0  }
0x8: {  	s25 =	simm.s32 $0x2780;
	s0 =	stileid.u32;
	s4 =	smul.u32 $0x140000, s6  }
0x9: {  	s26 =	simm.s32 $0x0;
	[smem:$0x7FF] =	sst s3;
	s7 =	smul.u32 $0x14000, s0  }
0xa: {  	s8 =	smul.u32 $0x50000, s0;
	s28 =	sshll.u32 s6, $0x4;
	s6 =	ssub.s32 $0x2, s6  }
0xb: {  	_ =	strace $0x8000004D;
	s29 =	sor.u32 s0, s28;
	s31 =	sshrl.u32 s6, $0x1  }
0xc: {  	s4 =	sadd.s32 s7, s4;
	s30 =	sshrl.u32 s8, $0x2;
	s10 =	smul.u32 $0x2800, s29  }
0xd: {  	s15 =	ssub.s32 s6, s31;
	s7 =	sshrl.u32 s4, $0x3;
	s4 =	sadd.s32 $0x2600, s5  }
0xe: {  	s15 =	smax.u32 s15, $0x1;
	s14 =	sadd.s32 s7, s5;
	s5 =	sadd.s32 s30, s2  }
0xf: {  	s16 =	sshrl.u32 s10, $0x3;
	s6 =	sadd.s32 $0x4000, s5;
	s7 =	sadd.s32 $0x8000, s5  }
0x10: {  	s8 =	sadd.s32 $0xC000, s5;
	s9 =	sadd.s32 $0x10000, s5;
	s10 =	sadd.s32 s12, s16  }
0x11: {  	s11 =	sadd.s32 s13, s16;
	s16 =	sadd.s32 $0x280, s16;
	s14 =	sadd.s32 $0x2A600, s14  }
0x12: {  	v0 =	vimm.f32 $0.0e+00;
	s12 =	sadd.s32 s12, s16;
	s13 =	sadd.s32 s13, s16;
	s16 =	simm.s32 $0x2800  }
.LBB2_1:
0x13: {  	s28 =	sand.u32 $0xFE00, s3  }
0x14: {  	s29 =	sand.u32 $0x70, s3;
	s30 =	sshrl.u32 s28, $0x2  }
0x15: {  	s28 =	simm.s32 $0x40;
	s30 =	sor.u32 s29, s30;
	s29 =	simm.s32 $0x0  }
.LBB2_2:
0x16: {  	p0 =	sne.s32 s28, $0xFFC0  }
0x17: {  	[tilespmem:s30+$0x2800] =	vst v0;
	s29 =	sadd.s32 $0x10, s29;
	s30 =	smov.u32 s28;
	s28 =	sadd.s32 $0x40, s28  }
.Ltmp0:
0x18: {  	(pc) =	sbr.rel @p0 .LBB2_2-.Ltmp0, $4  }
0x19: {  	_ = 	snop  }
0x1a: {  	s30 =	sand.u32 $0xFE00, s30  }
0x1b: {  	s31 =	sand.u32 $0x70, s29;
	s30 =	sshrl.u32 s30, $0x2  }
0x1c: {  	s30 =	sor.u32 s31, s30  }
0x1d: {  	[tilespmem:s30+$0x2800] =	vst v0  }
0x1e: {  	[spmem:s5] =	stream.linear.scatter [tilespmem:s16], [sflag:$0x3], $0x4000, $0x38;
	[tilespmem:$0x1E800] =	vst v63  }
0x1f: {  	_ =	swait.ge [sflag:s17], $0x4000  }
0x20: {  	[sflag:s17] =	ssyncset.done $0x0  }
0x21: {  	[sflag:s17] =	ssyncadd.s32 $0xFFFFC000  }
0x22: {  	[spmem:s6] =	stream.linear.scatter [tilespmem:s16], [sflag:$0x3], $0x4000, $0x38;
	[tilespmem:$0x1E800] =	vst v63  }
0x23: {  	_ =	swait.ge [sflag:s17], $0x4000  }
0x24: {  	[sflag:s17] =	ssyncset.done $0x0  }
0x25: {  	[sflag:s17] =	ssyncadd.s32 $0xFFFFC000  }
0x26: {  	[spmem:s7] =	stream.linear.scatter [tilespmem:s16], [sflag:$0x3], $0x4000, $0x38;
	[tilespmem:$0x1E800] =	vst v63  }
0x27: {  	_ =	swait.ge [sflag:s17], $0x4000  }
0x28: {  	[sflag:s17] =	ssyncset.done $0x0  }
0x29: {  	[sflag:s17] =	ssyncadd.s32 $0xFFFFC000  }
0x2a: {  	[spmem:s8] =	stream.linear.scatter [tilespmem:s16], [sflag:$0x3], $0x4000, $0x38;
	[tilespmem:$0x1E800] =	vst v63  }
0x2b: {  	_ =	swait.ge [sflag:s17], $0x4000  }
0x2c: {  	[sflag:s17] =	ssyncset.done $0x0  }
0x2d: {  	[sflag:s17] =	ssyncadd.s32 $0xFFFFC000  }
0x2e: {  	[spmem:s9] =	stream.linear.scatter [tilespmem:s16], [sflag:$0x3], $0x4000, $0x38;
	[tilespmem:$0x1E800] =	vst v63  }
0x2f: {  	_ =	swait.ge [sflag:s17], $0x4000  }
0x30: {  	[sflag:s17] =	ssyncset.done $0x0  }
0x31: {  	[sflag:s17] =	ssyncadd.s32 $0xFFFFC000  }
0x32: {  	s28 =	simm.s32 $0x0;
	[bflag:$0x0] =	sbarrier.arrive $0xFFFF  }
0x33: {  	[tilespmem:s28], [sflag:$0x3] =	stream.linear.gather [hbm4b:s10+s28], $0x1400, $0x38;
	[tilespmem:$0x1E800] =	vst v63  }
0x34: {  	_ =	swait.ge [sflag:s17], $0x1400  }
0x35: {  	[sflag:s17] =	ssyncset.done $0x0  }
0x36: {  	[sflag:s17] =	ssyncadd.s32 $0xFFFFEC00  }
0x37: {  	[tilespmem:s18], [sflag:$0x3] =	stream.linear.gather [hbm4b:s11+s28], $0x1400, $0x38;
	[tilespmem:$0x1E800] =	vst v63  }
0x38: {  	_ =	swait.ge [sflag:s17], $0x1400  }
0x39: {  	[sflag:s17] =	ssyncset.done $0x0  }
0x3a: {  	[sflag:s17] =	ssyncadd.s32 $0xFFFFEC00  }
0x3b: {  	[tilespmem:s16], [sflag:$0x1] =	stream.indirect.gather [hbm4b:s4+s19], $0x80, s28, s19, $0xb8;
	[tilespmem:$0x1E800] =	vst v63  }
0x3c: {  	s28 =	simm.s32 $0x80  }
0x3d: {  	[tilespmem:s20], [sflag:$0x2] =	stream.indirect.gather [hbm4b:s4+s19], $0x80, s28, s19, $0xb8;
	[tilespmem:$0x1E800] =	vst v63  }
0x3e: {  	_ =	swait.ge [sflag:s21], $0x4000  }
0x3f: {  	[sflag:s21] =	ssyncset.done $0x0  }
0x40: {  	s28 =	simm.s32 $0x1400;
	[sflag:s21] =	ssyncadd.s32 $0xFFFFC000  }
0x41: {  	[spmem:s2] =	stream.indirect.scatter.add.f32 [tilespmem:s16], [sflag:$0x3], $0x80, s28, s19, $0xb8;
	[tilespmem:$0x1E800] =	vst v63  }
0x42: {  	_ =	swait.ge [sflag:s17], $0x4000  }
0x43: {  	[sflag:s17] =	ssyncset.done $0x0  }
0x44: {  	s28 =	simm.s32 $0x100;
	[sflag:s17] =	ssyncadd.s32 $0xFFFFC000  }
0x45: {  	[tilespmem:s16], [sflag:$0x1] =	stream.indirect.gather [hbm4b:s4+s19], $0x80, s28, s19, $0xb8;
	[tilespmem:$0x1E800] =	vst v63  }
0x46: {  	_ =	swait.ge [sflag:s22], $0x4000  }
0x47: {  	[sflag:s22] =	ssyncset.done $0x0  }
0x48: {  	s28 =	simm.s32 $0x1480;
	[sflag:s22] =	ssyncadd.s32 $0xFFFFC000  }
0x49: {  	[spmem:s2] =	stream.indirect.scatter.add.f32 [tilespmem:s20], [sflag:$0x3], $0x80, s28, s19, $0xb8;
	[tilespmem:$0x1E800] =	vst v63  }
0x4a: {  	_ =	swait.ge [sflag:s17], $0x4000  }
0x4b: {  	s29 =	simm.s32 $0x800;
	s28 =	simm.s32 $0x100;
	[sflag:s17] =	ssyncset.done $0x0  }
.LBB2_4:
0x4c: {  	s30 =	sadd.s32 $0x80, s28  }
0x4d: {  	[sflag:s17] =	ssyncadd.s32 $0xFFFFC000;
	s31 =	smov.u32 s29;
	s1 =	sadd.s32 $0x400, s29  }
0x4e: {  	[tilespmem:s20], [sflag:$0x2] =	stream.indirect.gather [hbm4b:s4+s19], $0x80, s30, s19, $0xb8;
	[tilespmem:$0x1E800] =	vst v63  }
0x4f: {  	p0 =	sne.s32 s29, $0x4800;
	_ =	swait.ge [sflag:s21], $0x4000  }
0x50: {  	[sflag:s21] =	ssyncset.done $0x0  }
0x51: {  	s29 =	sadd.s32 $0x1400, s28;
	[sflag:s21] =	ssyncadd.s32 $0xFFFFC000  }
0x52: {  	[spmem:s2] =	stream.indirect.scatter.add.f32 [tilespmem:s16], [sflag:$0x3], $0x80, s29, s19, $0xb8;
	[tilespmem:$0x1E800] =	vst v63  }
0x53: {  	_ =	swait.ge [sflag:s17], $0x4000  }
0x54: {  	[sflag:s17] =	ssyncset.done $0x0  }
0x55: {  	s29 =	sadd.s32 $0x100, s28;
	[sflag:s17] =	ssyncadd.s32 $0xFFFFC000  }
0x56: {  	[tilespmem:s16], [sflag:$0x1] =	stream.indirect.gather [hbm4b:s4+s19], $0x80, s29, s19, $0xb8;
	[tilespmem:$0x1E800] =	vst v63  }
0x57: {  	_ =	swait.ge [sflag:s22], $0x4000  }
.Ltmp1:
0x58: {  	[sflag:s22] =	ssyncset.done $0x0;
	(pc) =	sbr.rel @p0 .LBB2_4-.Ltmp1, $4  }
0x59: {  	s28 =	sadd.s32 $0x1480, s28;
	[sflag:s22] =	ssyncadd.s32 $0xFFFFC000  }
0x5a: {  	[spmem:s2] =	stream.indirect.scatter.add.f32 [tilespmem:s20], [sflag:$0x3], $0x80, s28, s19, $0xb8;
	[tilespmem:$0x1E800] =	vst v63  }
0x5b: {  	_ =	swait.ge [sflag:s17], $0x4000  }
0x5c: {  	s29 =	smov.u32 s1;
	s28 =	sshra.s32 s31, $0x2;
	[sflag:s17] =	ssyncset.done $0x0  }
0x5d: {  	s1 =	sadd.s32 $0x80, s28;
	[sflag:s17] =	ssyncadd.s32 $0xFFFFC000  }
0x5e: {  	[tilespmem:s20], [sflag:$0x2] =	stream.indirect.gather [hbm4b:s4+s19], $0x80, s1, s19, $0xb8;
	[tilespmem:$0x1E800] =	vst v63  }
0x5f: {  	_ =	swait.ge [sflag:s21], $0x4000  }
0x60: {  	[sflag:s21] =	ssyncset.done $0x0  }
0x61: {  	s30 =	sadd.s32 $0x1400, s28;
	[sflag:s21] =	ssyncadd.s32 $0xFFFFC000  }
0x62: {  	[spmem:s2] =	stream.indirect.scatter.add.f32 [tilespmem:s16], [sflag:$0x3], $0x80, s30, s19, $0xb8;
	[tilespmem:$0x1E800] =	vst v63  }
0x63: {  	_ =	swait.ge [sflag:s17], $0x4000  }
0x64: {  	[sflag:s17] =	ssyncset.done $0x0  }
0x65: {  	s31 =	sadd.s32 $0x100, s28;
	[sflag:s17] =	ssyncadd.s32 $0xFFFFC000  }
0x66: {  	[tilespmem:s16], [sflag:$0x1] =	stream.indirect.gather [hbm4b:s4+s19], $0x80, s31, s19, $0xb8;
	[tilespmem:$0x1E800] =	vst v63  }
0x67: {  	_ =	swait.ge [sflag:s22], $0x4000  }
0x68: {  	[sflag:s22] =	ssyncset.done $0x0  }
0x69: {  	s30 =	sadd.s32 $0x1480, s28;
	[sflag:s22] =	ssyncadd.s32 $0xFFFFC000  }
0x6a: {  	[spmem:s2] =	stream.indirect.scatter.add.f32 [tilespmem:s20], [sflag:$0x3], $0x80, s30, s19, $0xb8;
	[tilespmem:$0x1E800] =	vst v63  }
0x6b: {  	_ =	swait.ge [sflag:s17], $0x4000  }
0x6c: {  	[sflag:s17] =	ssyncset.done $0x0  }
0x6d: {  	[sflag:s17] =	ssyncadd.s32 $0xFFFFC000  }
0x6e: {  	_ =	swait.ge [sflag:s21], $0x4000  }
0x6f: {  	[sflag:s21] =	ssyncset.done $0x0  }
0x70: {  	[sflag:s21] =	ssyncadd.s32 $0xFFFFC000  }
0x71: {  	[tilespmem:s20], [sflag:$0x2] =	stream.indirect.gather [hbm4b:s4+s19], $0x80, s23, s19, $0xb8;
	[tilespmem:$0x1E800] =	vst v63  }
0x72: {  	_ = 	snop  }
0x73: {  	[spmem:s2] =	stream.indirect.scatter.add.f32 [tilespmem:s16], [sflag:$0x3], $0x80, s24, s19, $0xb8;
	[tilespmem:$0x1E800] =	vst v63  }
0x74: {  	_ =	swait.ge [sflag:s17], $0x4000  }
0x75: {  	[sflag:s17] =	ssyncset.done $0x0  }
0x76: {  	[sflag:s17] =	ssyncadd.s32 $0xFFFFC000  }
0x77: {  	_ =	swait.ge [sflag:s22], $0x4000  }
0x78: {  	[sflag:s22] =	ssyncset.done $0x0  }
0x79: {  	[sflag:s22] =	ssyncadd.s32 $0xFFFFC000  }
0x7a: {  	[spmem:s2] =	stream.indirect.scatter.add.f32 [tilespmem:s20], [sflag:$0x3], $0x80, s25, s19, $0xb8;
	[tilespmem:$0x1E800] =	vst v63  }
0x7b: {  	_ =	swait.ge [sflag:s17], $0x4000  }
0x7c: {  	[sflag:s17] =	ssyncset.done $0x0  }
0x7d: {  	s31 =	simm.s32 $0x0;
	[sflag:s17] =	ssyncadd.s32 $0xFFFFC000  }
0x7e: {  	[tilespmem:s31], [sflag:$0x3] =	stream.linear.gather [hbm4b:s12+s31], $0x1400, $0x38;
	[tilespmem:$0x1E800] =	vst v63  }
0x7f: {  	_ =	swait.ge [sflag:s17], $0x1400  }
0x80: {  	[sflag:s17] =	ssyncset.done $0x0  }
0x81: {  	[sflag:s17] =	ssyncadd.s32 $0xFFFFEC00  }
0x82: {  	[tilespmem:s18], [sflag:$0x3] =	stream.linear.gather [hbm4b:s13+s31], $0x1400, $0x38;
	[tilespmem:$0x1E800] =	vst v63  }
0x83: {  	_ =	swait.ge [sflag:s17], $0x1400  }
0x84: {  	[sflag:s17] =	ssyncset.done $0x0  }
0x85: {  	[sflag:s17] =	ssyncadd.s32 $0xFFFFEC00  }
0x86: {  	[tilespmem:s16], [sflag:$0x1] =	stream.indirect.gather [hbm4b:s4+s19], $0x80, s31, s19, $0xb8;
	[tilespmem:$0x1E800] =	vst v63  }
0x87: {  	s30 =	simm.s32 $0x80  }
0x88: {  	[tilespmem:s20], [sflag:$0x2] =	stream.indirect.gather [hbm4b:s4+s19], $0x80, s30, s19, $0xb8;
	[tilespmem:$0x1E800] =	vst v63  }
0x89: {  	_ =	swait.ge [sflag:s21], $0x4000  }
0x8a: {  	[sflag:s21] =	ssyncset.done $0x0  }
0x8b: {  	s31 =	simm.s32 $0x1400;
	[sflag:s21] =	ssyncadd.s32 $0xFFFFC000  }
0x8c: {  	[spmem:s2] =	stream.indirect.scatter.add.f32 [tilespmem:s16], [sflag:$0x3], $0x80, s31, s19, $0xb8;
	[tilespmem:$0x1E800] =	vst v63  }
0x8d: {  	_ =	swait.ge [sflag:s17], $0x4000  }
0x8e: {  	[sflag:s17] =	ssyncset.done $0x0  }
0x8f: {  	s30 =	simm.s32 $0x100;
	[sflag:s17] =	ssyncadd.s32 $0xFFFFC000  }
0x90: {  	[tilespmem:s16], [sflag:$0x1] =	stream.indirect.gather [hbm4b:s4+s19], $0x80, s30, s19, $0xb8;
	[tilespmem:$0x1E800] =	vst v63  }
0x91: {  	_ =	swait.ge [sflag:s22], $0x4000  }
0x92: {  	[sflag:s22] =	ssyncset.done $0x0  }
0x93: {  	s31 =	simm.s32 $0x1480;
	[sflag:s22] =	ssyncadd.s32 $0xFFFFC000  }
0x94: {  	[spmem:s2] =	stream.indirect.scatter.add.f32 [tilespmem:s20], [sflag:$0x3], $0x80, s31, s19, $0xb8;
	[tilespmem:$0x1E800] =	vst v63  }
0x95: {  	_ =	swait.ge [sflag:s17], $0x4000  }
0x96: {  	s29 =	simm.s32 $0x800;
	s28 =	simm.s32 $0x100;
	[sflag:s17] =	ssyncset.done $0x0  }
.LBB2_6:
0x97: {  	s1 =	sadd.s32 $0x80, s28  }
0x98: {  	[sflag:s17] =	ssyncadd.s32 $0xFFFFC000;
	s30 =	smov.u32 s29;
	s31 =	sadd.s32 $0x400, s29  }
0x99: {  	[tilespmem:s20], [sflag:$0x2] =	stream.indirect.gather [hbm4b:s4+s19], $0x80, s1, s19, $0xb8;
	[tilespmem:$0x1E800] =	vst v63  }
0x9a: {  	p0 =	sne.s32 s29, $0x4800;
	_ =	swait.ge [sflag:s21], $0x4000  }
0x9b: {  	[sflag:s21] =	ssyncset.done $0x0  }
0x9c: {  	s1 =	sadd.s32 $0x1400, s28;
	[sflag:s21] =	ssyncadd.s32 $0xFFFFC000  }
0x9d: {  	[spmem:s2] =	stream.indirect.scatter.add.f32 [tilespmem:s16], [sflag:$0x3], $0x80, s1, s19, $0xb8;
	[tilespmem:$0x1E800] =	vst v63  }
0x9e: {  	_ =	swait.ge [sflag:s17], $0x4000  }
0x9f: {  	[sflag:s17] =	ssyncset.done $0x0  }
0xa0: {  	s1 =	sadd.s32 $0x100, s28;
	[sflag:s17] =	ssyncadd.s32 $0xFFFFC000  }
0xa1: {  	[tilespmem:s16], [sflag:$0x1] =	stream.indirect.gather [hbm4b:s4+s19], $0x80, s1, s19, $0xb8;
	[tilespmem:$0x1E800] =	vst v63  }
0xa2: {  	_ =	swait.ge [sflag:s22], $0x4000  }
.Ltmp2:
0xa3: {  	[sflag:s22] =	ssyncset.done $0x0;
	(pc) =	sbr.rel @p0 .LBB2_6-.Ltmp2, $4  }
0xa4: {  	s1 =	sadd.s32 $0x1480, s28;
	[sflag:s22] =	ssyncadd.s32 $0xFFFFC000  }
0xa5: {  	[spmem:s2] =	stream.indirect.scatter.add.f32 [tilespmem:s20], [sflag:$0x3], $0x80, s1, s19, $0xb8;
	[tilespmem:$0x1E800] =	vst v63  }
0xa6: {  	_ =	swait.ge [sflag:s17], $0x4000  }
0xa7: {  	s29 =	smov.u32 s31;
	s28 =	sshra.s32 s30, $0x2;
	[sflag:s17] =	ssyncset.done $0x0  }
0xa8: {  	s1 =	sadd.s32 $0x80, s28;
	[sflag:s17] =	ssyncadd.s32 $0xFFFFC000  }
0xa9: {  	[tilespmem:s20], [sflag:$0x2] =	stream.indirect.gather [hbm4b:s4+s19], $0x80, s1, s19, $0xb8;
	[tilespmem:$0x1E800] =	vst v63  }
0xaa: {  	_ =	swait.ge [sflag:s21], $0x4000  }
0xab: {  	[sflag:s21] =	ssyncset.done $0x0  }
0xac: {  	s30 =	sadd.s32 $0x1400, s28;
	[sflag:s21] =	ssyncadd.s32 $0xFFFFC000  }
0xad: {  	[spmem:s2] =	stream.indirect.scatter.add.f32 [tilespmem:s16], [sflag:$0x3], $0x80, s30, s19, $0xb8;
	[tilespmem:$0x1E800] =	vst v63  }
0xae: {  	_ =	swait.ge [sflag:s17], $0x4000  }
0xaf: {  	[sflag:s17] =	ssyncset.done $0x0  }
0xb0: {  	s31 =	sadd.s32 $0x100, s28;
	[sflag:s17] =	ssyncadd.s32 $0xFFFFC000  }
0xb1: {  	[tilespmem:s16], [sflag:$0x1] =	stream.indirect.gather [hbm4b:s4+s19], $0x80, s31, s19, $0xb8;
	[tilespmem:$0x1E800] =	vst v63  }
0xb2: {  	_ =	swait.ge [sflag:s22], $0x4000  }
0xb3: {  	[sflag:s22] =	ssyncset.done $0x0  }
0xb4: {  	s29 =	sadd.s32 $0x1480, s28;
	[sflag:s22] =	ssyncadd.s32 $0xFFFFC000  }
0xb5: {  	[spmem:s2] =	stream.indirect.scatter.add.f32 [tilespmem:s20], [sflag:$0x3], $0x80, s29, s19, $0xb8;
	[tilespmem:$0x1E800] =	vst v63  }
0xb6: {  	_ =	swait.ge [sflag:s17], $0x4000  }
0xb7: {  	[sflag:s17] =	ssyncset.done $0x0  }
0xb8: {  	[sflag:s17] =	ssyncadd.s32 $0xFFFFC000  }
0xb9: {  	_ =	swait.ge [sflag:s21], $0x4000  }
0xba: {  	[sflag:s21] =	ssyncset.done $0x0  }
0xbb: {  	[sflag:s21] =	ssyncadd.s32 $0xFFFFC000  }
0xbc: {  	[tilespmem:s20], [sflag:$0x2] =	stream.indirect.gather [hbm4b:s4+s19], $0x80, s23, s19, $0xb8;
	[tilespmem:$0x1E800] =	vst v63  }
0xbd: {  	_ = 	snop  }
0xbe: {  	[spmem:s2] =	stream.indirect.scatter.add.f32 [tilespmem:s16], [sflag:$0x3], $0x80, s24, s19, $0xb8;
	[tilespmem:$0x1E800] =	vst v63  }
0xbf: {  	_ =	swait.ge [sflag:s17], $0x4000  }
0xc0: {  	[sflag:s17] =	ssyncset.done $0x0  }
0xc1: {  	[sflag:s17] =	ssyncadd.s32 $0xFFFFC000  }
0xc2: {  	_ =	swait.ge [sflag:s22], $0x4000  }
0xc3: {  	[sflag:s22] =	ssyncset.done $0x0  }
0xc4: {  	[sflag:s22] =	ssyncadd.s32 $0xFFFFC000  }
0xc5: {  	[spmem:s2] =	stream.indirect.scatter.add.f32 [tilespmem:s20], [sflag:$0x3], $0x80, s25, s19, $0xb8;
	[tilespmem:$0x1E800] =	vst v63  }
0xc6: {  	_ =	swait.ge [sflag:s17], $0x4000  }
0xc7: {  	s26 =	sadd.s32 $0x1, s26;
	s30 =	sshll.u32 s0, $0x6;
	[sflag:s17] =	ssyncset.done $0x0  }
0xc8: {  	p0 =	sne.s32 s26, s15;
	s1 =	sor.u32 $0x1C03, s30;
	[sflag:s17] =	ssyncadd.s32 $0xFFFFC000  }
.Ltmp3:
0xc9: {  	s31 =	sshrl.u32 s5, $0x3;
	[bflag:$0x0] =	sbarrier.arrive $0xFFFF;
	(pc) =	sbr.rel @p0 .LBB2_1-.Ltmp3, $4  }
0xca: {  	[hbm:s14], [sflag:s1] =	dma.local [spmem:s31], $0x2800  }
0xcb: {  	_ =	swait.ge [sflag:s17], $0x2800  }
0xcc: {  	[sflag:s17] =	ssyncset.done $0x0  }
0xcd: {  	[sflag:s17] =	ssyncadd.s32 $0xFFFFD800  }
0xce: {  	_ =	sfence.sel $0x180000  }
0xcf: {  	[bflag:$0x0] =	sbarrier.arrive $0xFFFF  }
0xd0: {  	_ =	strace $0x9000004D  }
0xd1: {  	[bflag:$0x2] =	sbarrier.arrive $0xFFFF  }
0xd2: {  	p0 =	sne.s32 s0, $0x0;
	s0 =	rddreg [dreg:$0x4]  }
0xd3: {  	s0 =	sadd.s32 @!p0 $0x100000, s0  }
0xd4: {  	[sflag:s0] =	ssyncadd.tile.s32 @!p0 $0x1;
	_ =	shalt  }
.Lfunc_end2:
_tile_overlayer_lowered:
.L_overlay_start_2:
0xd5: {  	(tag) =	ssettag $0x2  }
0xd6: {  	s0 =	rddreg [dreg:$0x0];
	s2 =	stileid.u32  }
0xd7: {  	s1 =	rddreg [dreg:$0x1];
	p0 =	sne.s32 s2, $0x0  }
0xd8: {  	s3 =	rddreg [dreg:$0x2];
	[bflag:$0x3] =	sbarrier.arrive $0xFFFF;
	s2 =	simm.s32 @!p0 $0x1C03  }
0xd9: {  	[timem:s3], [sflag:s2] =	dma.local @!p0 [hbm:s0], s1  }
0xda: {  	s0 =	simm.s32 @!p0 $0x3  }
0xdb: {  	_ =	swait.ge @!p0 [sflag:s0], s1  }
0xdc: {  	s1 =	ssub.s32 @!p0 $0x0, s1;
	[sflag:s0] =	ssyncset.done @!p0 $0x0  }
0xdd: {  	[sflag:s0] =	ssyncadd.s32 @!p0 s1  }
0xde: {  	[bflag:$0x3] =	sbarrier.arrive $0xFFFF  }
0xdf: {  	_ =	shalt  }

// kernel: kernel.8.cloned.1.call-start
scs
__scs_entry_jumppad:
0x0: {  	(pc) =	sbr.rel $0x88, $3  }
0x1: {  	(tag) =	ssettag $0x0;
	lr =	simm.s32 $0x1  }
0x2: {  	[smem:$0x3F9B] =	sst lr;
	_ =	strace $0xD0000000  }
0x3: {  	_ = 	snop  }
0x4: {  	_ = 	snop  }
0x5: {  	_ = 	snop  }
0x6: {  	_ = 	snop  }
0x7: {  	_ = 	snop  }
__scs_overlays_trampoline_lowered:
0x8: {  	[smem:$0x3FAA] =	sst s0  }
0x9: {  	[smem:$0x3FAB] =	sst s1  }
0xa: {  	[smem:$0x3FAC] =	sst s2  }
0xb: {  	[smem:$0x3FAD] =	sst s3  }
0xc: {  	[smem:$0x3FAE] =	sst s4  }
0xd: {  	[smem:$0x3FAF] =	sst s5  }
0xe: {  	[smem:$0x3FB0] =	sst s6  }
0xf: {  	[smem:$0x3FB1] =	sst s7  }
0x10: {  	[smem:$0x3FB2] =	sst s8  }
0x11: {  	[smem:$0x3FB3] =	sst s9;
	s0 =	simm.s32 @!p0 $0x0  }
0x12: {  	s1 =	sld [smem:$0x3F99];
	s0 =	simm.s32 @p0 $0x1  }
0x13: {  	[smem:$0x3FB4] =	sst s0;
	s0 =	simm.s32 @!p1 $0x0  }
0x14: {  	s2 =	sld [smem:$0x3F98];
	s0 =	simm.s32 @p1 $0x1  }
0x15: {  	[smem:$0x3FB5] =	sst s0;
	s0 =	simm.s32 @!p2 $0x0  }
0x16: {  	s3 =	sld [smem:$0x3FDB];
	s0 =	simm.s32 @p2 $0x1  }
0x17: {  	s4 =	simm.s32 $0x1BF5;
	[smem:$0x3FB7] =	sst s0  }
0x18: {  	s0 =	sld [smem:$0x3F9A];
	_ =	swait.ge [sflag:s4], $0x0  }
0x19: {  	s7 =	sld [smem:$0x3F9B]  }
0x1a: {  	s8 =	sadd.s32 $0xFFFFE003, lr  }
0x1b: {  	s9 =	sadd.s32 $0xFFFFFEF7, lr;
	s5 =	simm.s32 $0xFFFFFFFF;
	p2 =	slt.u32 s8, $0xFFFFF086  }
0x1c: {  	p1 =	slt.u32 s9, $0xF7A;
	s5 =	simm.s32 @!p2 $0x0  }
0x1d: {  	s5 =	simm.s32 @p1 $0x1;
	p0 =	seq.s32 s7, s2  }
0x1e: {  	s7 =	smul.u32 @!p0 $0xF7A, s2;
	p2 =	seq.s32 @!p0 s5, $0x0  }
0x1f: {  	s9 =	smul.u32 $0xF7A, s1;
	s8 =	simm.s32 @!p0 $0x1BF5;
	p2 =	por !p2, p0  }
0x20: {  	[sflag:s8] =	ssyncset.s32 @!p0 $0xFFFFF086;
	s6 =	sadd.s32 @!p0 s3, s7;
	s7 =	simm.s32 @!p0 $0x108  }
0x21: {  	s3 =	sadd.s32 s3, s9;
	s6 =	sadd.s32 @!p0 $0x88, s6;
	s7 =	simm.s32 @p2 $0x1082  }
0x22: {  	[simem:s7], [sflag:s8] =	dma.local @!p0 [hbm:s6], $0xF7A  }
0x23: {  	s9 =	sor.u32 $0xD0000000, s2;
	s6 =	simm.s32 $0x108;
	_ =	swait.ge @!p0 [sflag:s8], $0x0  }
0x24: {  	s3 =	sadd.s32 $0x88, s3;
	s6 =	simm.s32 @!p1 $0x1082;
	[sflag:s4] =	ssyncset.s32 $0xFFFFF086  }
0x25: {  	[simem:s6], [sflag:s4] =	dma.local [hbm:s3], $0xF7A  }
0x26: {  	[smem:$0x3F9B] =	sst s1;
	(tag) =	ssettag s2;
	_ =	strace s9  }
0x27: {  	s1 =	sld [smem:$0x3FAB]  }
0x28: {  	s2 =	sld [smem:$0x3FAC]  }
0x29: {  	s4 =	sld [smem:$0x3FAE]  }
0x2a: {  	p0 =	seq.s32 s5, $0x0;
	s5 =	sld [smem:$0x3FAF]  }
0x2b: {  	s6 =	sld [smem:$0x3FB0]  }
0x2c: {  	s7 =	sld [smem:$0x3FB1]  }
0x2d: {  	s3 =	simm.s32 $0x108;
	s8 =	sld [smem:$0x3FB2]  }
0x2e: {  	s3 =	simm.s32 @!p0 $0x1082;
	s9 =	sld [smem:$0x3FB3]  }
0x2f: {  	lr =	sadd.s32 s0, s3;
	s0 =	sld [smem:$0x3FAA]  }
0x30: {  	s3 =	sld [smem:$0x3FAD]  }
0x31: {  	[smem:$0x3FB6] =	sst s10  }
0x32: {  	s10 =	sld [smem:$0x3FB4];
	_ =	sdelay $0x3  }
0x33: {  	p0 =	seq.s32 s10, $0x1;
	s10 =	sld [smem:$0x3FB6];
	_ =	sdelay $0x3  }
0x34: {  	[smem:$0x3FB6] =	sst s10  }
0x35: {  	s10 =	sld [smem:$0x3FB5];
	_ =	sdelay $0x3  }
0x36: {  	p1 =	seq.s32 s10, $0x1;
	s10 =	sld [smem:$0x3FB6];
	_ =	sdelay $0x3  }
0x37: {  	[smem:$0x3FB6] =	sst s10  }
0x38: {  	s10 =	sld [smem:$0x3FB7]  }
0x39: {  	_ = 	snop;
	(pc) =	sbr.ind lr, $3  }
0x3a: {  	_ = 	snop  }
0x3b: {  	_ = 	snop  }
0x3c: {  	p2 =	seq.s32 s10, $0x1;
	s10 =	sld [smem:$0x3FB6]  }
0x3d: {  	_ =	shalt  }
0x3e: {  	_ =	shalt  }
0x3f: {  	_ =	shalt  }
0x40: {  	_ =	shalt  }
0x41: {  	_ =	shalt  }
0x42: {  	_ =	shalt  }
0x43: {  	_ =	shalt  }
0x44: {  	_ =	shalt  }
0x45: {  	_ =	shalt  }
0x46: {  	_ =	shalt  }
0x47: {  	_ =	shalt  }
0x48: {  	_ =	shalt  }
0x49: {  	_ =	shalt  }
0x4a: {  	_ =	shalt  }
0x4b: {  	_ =	shalt  }
0x4c: {  	_ =	shalt  }
0x4d: {  	_ =	shalt  }
0x4e: {  	_ =	shalt  }
0x4f: {  	_ =	shalt  }
0x50: {  	_ =	shalt  }
0x51: {  	_ =	shalt  }
0x52: {  	_ =	shalt  }
0x53: {  	_ =	shalt  }
0x54: {  	_ =	shalt  }
0x55: {  	_ =	shalt  }
0x56: {  	_ =	shalt  }
0x57: {  	_ =	shalt  }
0x58: {  	_ =	shalt  }
0x59: {  	_ =	shalt  }
0x5a: {  	_ =	shalt  }
0x5b: {  	_ =	shalt  }
0x5c: {  	_ =	shalt  }
0x5d: {  	_ =	shalt  }
0x5e: {  	_ =	shalt  }
0x5f: {  	_ =	shalt  }
0x60: {  	_ =	shalt  }
0x61: {  	_ =	shalt  }
0x62: {  	_ =	shalt  }
0x63: {  	_ =	shalt  }
0x64: {  	_ =	shalt  }
0x65: {  	_ =	shalt  }
0x66: {  	_ =	shalt  }
0x67: {  	_ =	shalt  }
0x68: {  	_ =	shalt  }
0x69: {  	_ =	shalt  }
0x6a: {  	_ =	shalt  }
0x6b: {  	_ =	shalt  }
0x6c: {  	_ =	shalt  }
0x6d: {  	_ =	shalt  }
0x6e: {  	_ =	shalt  }
0x6f: {  	_ =	shalt  }
0x70: {  	_ =	shalt  }
0x71: {  	_ =	shalt  }
0x72: {  	_ =	shalt  }
0x73: {  	_ =	shalt  }
0x74: {  	_ =	shalt  }
0x75: {  	_ =	shalt  }
0x76: {  	_ =	shalt  }
0x77: {  	_ =	shalt  }
0x78: {  	_ =	shalt  }
0x79: {  	_ =	shalt  }
0x7a: {  	_ =	shalt  }
0x7b: {  	_ =	shalt  }
0x7c: {  	_ =	shalt  }
0x7d: {  	_ =	shalt  }
0x7e: {  	_ =	shalt  }
0x7f: {  	_ =	shalt  }
0x80: {  	_ =	shalt  }
0x81: {  	_ =	shalt  }
0x82: {  	_ =	shalt  }
0x83: {  	_ =	shalt  }
0x84: {  	_ =	shalt  }
0x85: {  	_ =	shalt  }
0x86: {  	_ =	shalt  }
0x87: {  	_ =	shalt  }
.Lfunc_end0:
.L_simem_size_0:
called_computation_lowered:
.L_overlay_start_0:
0x88: {  	s2 =	sld [smem:$0x3FD9]  }
0x89: {  	s3 =	sld [smem:$0x3FFE];
	_ =	sdelay $0x1  }
0x8a: {  	s1 =	srdreg.scid  }
0x8b: {  	s0 =	sand.u32 $0x1, s1  }
0x8c: {  	s14 =	sshll.u32 s0, $0xA;
	s2 =	sadd.s32 s3, s2  }
0x8d: {  	s2 =	sadd.s32 s2, s14  }
0x8e: {  	[smem:$0x3FC2] =	sst s2  }
0x8f: {  	_ = 	snop  }
0x90: {  	s2 =	sld [smem:$0x3FD0];
	_ =	sdelay $0x2  }
0x91: {  	s15 =	simm.s32 $0xA;
	s4 =	simm.s32 $0x10  }
0x92: {  	[smem:s4], [sflag:s15] =	dma.local [hbm:s2], $0x1  }
0x93: {  	_ =	swait.eq [sflag:s15], $0x1  }
0x94: {  	[sflag:s15] =	ssyncset.done $0x0  }
0x95: {  	[sflag:s15] =	ssyncadd.s32 $0xFFFFFFFF  }
0x96: {  	s16 =	sld [smem:$0x10];
	(tm) =	ssettm $0x1  }
0x97: {  	s17 =	sld [smem:$0x3FFB];
	_ =	sdelay $0x3  }
0x98: {  	_ =	strace s17  }
0x99: {  	s3 =	sld [smem:$0x3FFC];
	_ =	sdelay $0x3  }
0x9a: {  	_ =	strace s3  }
0x9b: {  	s3 =	sld [smem:$0x3FFD];
	_ =	sdelay $0x3  }
0x9c: {  	_ =	strace s3  }
0x9d: {  	_ =	strace $0x8FFFFFFF  }
0x9e: {  	s18 =	sld [smem:$0x3FDB];
	_ =	sdelay $0x1  }
0x9f: {  	s19 =	simm.s32 $_scs_section_size  }
0xa0: {  	s5 =	simm.s32 $_size__tile_overlayer_lowered;
	s6 =	simm.s32 $_tile_overlayer_lowered  }
0xa1: {  	s22 =	simm.s32 $0x1BFF;
	s21 =	sshll.u32 s6, $0x1;
	s3 =	sadd.s32 s19, s18  }
0xa2: {  	s7 =	simm.s32 $0x0;
	s20 =	sshll.u32 s5, $0x1;
	s5 =	sadd.s32 s21, s3  }
0xa3: {  	[timem:s7], [sflag:s22] =	dma.local [hbm:s5], s20  }
0xa4: {  	_ =	swait.ge [sflag:s22], s20  }
0xa5: {  	s4 =	ssub.s32 $0x0, s20;
	[sflag:s22] =	ssyncset.done $0x0  }
0xa6: {  	[sflag:s22] =	ssyncadd.s32 s4;
	_ =	sdelay $0x1  }
0xa7: {  	s23 =	simm.s32 $0x1B8B  }
0xa8: {  	_ =	swait.ge [sflag:s23], $0x1  }
0xa9: {  	[sflag:s23] =	ssyncset.done $0x0  }
0xaa: {  	s25 =	simm.s32 $0x1B8E;
	s24 =	sld [smem:$0x3FFE];
	[sflag:s23] =	ssyncadd.s32 $0xFFFFFFFF  }
0xab: {  	s26 =	simm.s32 $execute0_lowered;
	[smem:$0x3FD2] =	sst s25  }
0xac: {  	s5 =	sshll.u32 s26, $0x1;
	_ =	strace $0x80000046;
	[dreg:$0x1] =	wrdreg $0xFFFFFFFF  }
0xad: {  	s28 =	simm.s32 $_size_execute0_lowered;
	s3 =	sadd.s32 s3, s5;
	[dreg:$0x0] =	wrdreg $0x0  }
0xae: {  	s5 =	sshll.u32 s28, $0x1;
	[dreg:$0x2] =	wrdreg s3  }
0xaf: {  	[dreg:$0x3] =	wrdreg s5  }
0xb0: {  	[dreg:$0x4] =	wrdreg $0xC0  }
0xb1: {  	_ =	task [dreg:s7], $0x5FFFF  }
0xb2: {  	[dreg:$0x1] =	wrdreg $0xFFFFFFFF  }
0xb3: {  	[dreg:$0x0] =	wrdreg $0x60  }
0xb4: {  	[dreg:$0x2] =	wrdreg s16  }
0xb5: {  	[dreg:$0x3] =	wrdreg s24  }
0xb6: {  	[dreg:$0x4] =	wrdreg $0x17000  }
0xb7: {  	[dreg:$0x5] =	wrdreg $0x9  }
0xb8: {  	_ =	task.clear_ibuf [dreg:s7], $0x6FFFF;
	_ =	strace $0x90000046  }
0xb9: {  	s29 =	simm.s32 $0x9;
	_ =	strace $0x80000048  }
0xba: {  	_ =	swait.ge [sflag:s29], $0x1  }
0xbb: {  	[sflag:s29] =	ssyncadd.s32 $0xFFFFFFFF  }
0xbc: {  	_ =	strace $0x90000048  }
0xbd: {  	_ =	sfence  }
0xbe: {  	s30 =	sld [smem:$0x0];
	_ =	sdelay $0x2  }
0xbf: {  	s31 =	sshll.u32 s1, $0xD;
	s1 =	sshrl.u32 s1, $0x2  }
0xc0: {  	s3 =	sand.u32 $0x4000, s31;
	s1 =	sadd.s32 s1, s30  }
0xc1: {  	s0 =	sor.u32 s3, s0;
	s1 =	sshll.u32 s1, $0x11  }
0xc2: {  	s0 =	sor.u32 s1, s0  }
0xc3: {  	s0 =	sadd.s32 $0x8F2B, s0  }
0xc4: {  	[sflag:s0] =	ssyncadd.remote.s32 $0x1  }
0xc5: {  	_ =	sfence.sel $0xFFFF  }
0xc6: {  	[dreg:$0x0] =	wrdreg $0xFFFFFFFF;
	(pc) =	sbr.abs _section_cstart, $3  }
0xc7: {  	[dreg:$0x1] =	wrdreg $0xFFFFFFFF  }
0xc8: {  	_ =	task.clear_ibuf [dreg:s7], $0x2FFFF;
	_ =	strace $0x9FFFFFFF  }
0xc9: {  	(tm) =	ssettm $0x7FFFFFFF  }
tec
execute0_lowered:
.L_overlay_start_1:
0x0: {  	(tag) =	ssettag $0x1  }
0x1: {  	s4 =	rddreg [dreg:$0x0]  }
0x2: {  	s5 =	rddreg [dreg:$0x1];
	s0 =	srdreg.scid  }
0x3: {  	s2 =	rddreg [dreg:$0x2];
	s1 =	stileid.u32  }
0x4: {  	s3 =	simm.s32 $0x0;
	s11 =	simm.s32 $0x80;
	s12 =	simm.s32 $0x1400  }
0x5: {  	s15 =	simm.s32 $0x0;
	s6 =	sand.u32 $0x1, s0;
	s0 =	rddreg [dreg:$0x3]  }
0x6: {  	s7 =	smul.u32 $0x280, s1;
	[smem:$0x7FF] =	sst s3;
	s8 =	sshll.u32 s6, $0x4  }
0x7: {  	s13 =	sshll.u32 s1, $0x6;
	s9 =	smul.u32 $0x2800, s6;
	s8 =	sor.u32 s1, s8  }
0x8: {  	_ =	strace $0x80000047;
	s6 =	ssub.s32 $0x2, s6;
	s8 =	smul.u32 $0x2800, s8  }
0x9: {  	s13 =	sor.u32 $0x1C01, s13;
	s10 =	sshrl.u32 s6, $0x1;
	s9 =	sadd.s32 s7, s9  }
0xa: {  	s10 =	ssub.s32 s6, s10;
	s9 =	sshrl.u32 s9, $0x3;
	s8 =	sshrl.u32 s8, $0x3  }
0xb: {  	s9 =	sadd.s32 s9, s5;
	s5 =	sadd.s32 s7, s2;
	s4 =	sadd.s32 s4, s8  }
0xc: {  	s7 =	sadd.s32 $0x2600, s9;
	s8 =	smax.u32 s10, $0x1;
	s9 =	simm.s32 $0x1480  }
0xd: {  	v0 =	vimm.f32 $1.000000000e+00;
	v1 =	vimm.f32 $0.0e+00;
	s10 =	simm.s32 $0x1;
	s14 =	sshrl.u32 s5, $0x3;
	s6 =	sadd.s32 $0x280, s4  }
.LBB2_1:
0xe: {  	[tilespmem:$0x1400] =	vst v0  }
0xf: {  	[tilespmem:$0x1410] =	vst v0  }
0x10: {  	[tilespmem:$0x1420] =	vst v0  }
0x11: {  	[tilespmem:$0x1430] =	vst v0  }
0x12: {  	[tilespmem:$0x1440] =	vst v0  }
0x13: {  	[tilespmem:$0x1450] =	vst v0  }
0x14: {  	[tilespmem:$0x1460] =	vst v0  }
0x15: {  	[tilespmem:$0x1470] =	vst v0  }
0x16: {  	[tilespmem:$0x1480] =	vst v1  }
0x17: {  	[tilespmem:$0x1490] =	vst v1  }
0x18: {  	[tilespmem:$0x14A0] =	vst v1  }
0x19: {  	[tilespmem:$0x14B0] =	vst v1  }
0x1a: {  	[tilespmem:$0x14C0] =	vst v1  }
0x1b: {  	[tilespmem:$0x14D0] =	vst v1  }
0x1c: {  	[tilespmem:$0x14E0] =	vst v1  }
0x1d: {  	[tilespmem:$0x14F0] =	vst v1  }
0x1e: {  	[tilespmem:$0x1500] =	vst v1  }
0x1f: {  	[tilespmem:$0x1510] =	vst v1  }
0x20: {  	[tilespmem:$0x1520] =	vst v1  }
0x21: {  	[tilespmem:$0x1530] =	vst v1  }
0x22: {  	[tilespmem:$0x1540] =	vst v1  }
0x23: {  	[tilespmem:$0x1550] =	vst v1  }
0x24: {  	[tilespmem:$0x1560] =	vst v1  }
0x25: {  	[tilespmem:$0x1570] =	vst v1  }
0x26: {  	[tilespmem:$0x1580] =	vst v1  }
0x27: {  	[tilespmem:$0x1590] =	vst v1  }
0x28: {  	[tilespmem:$0x15A0] =	vst v1  }
0x29: {  	[tilespmem:$0x15B0] =	vst v1  }
0x2a: {  	[tilespmem:$0x15C0] =	vst v1  }
0x2b: {  	[tilespmem:$0x15D0] =	vst v1  }
0x2c: {  	[tilespmem:$0x15E0] =	vst v1  }
0x2d: {  	[tilespmem:$0x15F0] =	vst v1  }
0x2e: {  	[tilespmem:$0x1600] =	vst v1  }
0x2f: {  	[tilespmem:$0x1610] =	vst v1  }
0x30: {  	[tilespmem:$0x1620] =	vst v1  }
0x31: {  	[tilespmem:$0x1630] =	vst v1  }
0x32: {  	[tilespmem:$0x1640] =	vst v1  }
0x33: {  	[tilespmem:$0x1650] =	vst v1  }
0x34: {  	[tilespmem:$0x1660] =	vst v1  }
0x35: {  	[tilespmem:$0x1670] =	vst v1  }
0x36: {  	[tilespmem:$0x1680] =	vst v1  }
0x37: {  	[tilespmem:$0x1690] =	vst v1  }
0x38: {  	[tilespmem:$0x16A0] =	vst v1  }
0x39: {  	[tilespmem:$0x16B0] =	vst v1  }
0x3a: {  	[tilespmem:$0x16C0] =	vst v1  }
0x3b: {  	[tilespmem:$0x16D0] =	vst v1  }
0x3c: {  	[tilespmem:$0x16E0] =	vst v1  }
0x3d: {  	[tilespmem:$0x16F0] =	vst v1  }
0x3e: {  	[spmem:s5] =	stream.linear.scatter [tilespmem:s9], [sflag:$0x1], $0x280, $0x38;
	[tilespmem:$0x1980] =	vst v63  }
0x3f: {  	_ =	swait.ge [sflag:s10], $0x280  }
0x40: {  	[sflag:s10] =	ssyncset.done $0x0  }
0x41: {  	[sflag:s10] =	ssyncadd.s32 $0xFFFFFD80  }
0x42: {  	[bflag:$0x0] =	sbarrier.arrive $0xFFFF  }
0x43: {  	[tilespmem:s3], [sflag:$0x1] =	stream.linear.gather [hbm4b:s4+s3], $0x1400, $0x38;
	[tilespmem:$0x1980] =	vst v63  }
0x44: {  	_ =	swait.ge [sflag:s10], $0x1400  }
0x45: {  	[sflag:s10] =	ssyncset.done $0x0  }
0x46: {  	s16 =	simm.s32 $0x0;
	[sflag:s10] =	ssyncadd.s32 $0xFFFFEC00  }
0x47: {  	[spmem:s2] =	stream.indirect.scatter.add.f32 [tilespmem:s12], [sflag:$0x1], $0x1, s16, s11, $0xb8;
	[tilespmem:$0x1980] =	vst v63  }
0x48: {  	_ =	swait.ge [sflag:s10], $0x80  }
0x49: {  	s16 =	simm.s32 $0x200;
	[sflag:s10] =	ssyncset.done $0x0  }
.LBB2_2:
0x4a: {  	s17 =	sshra.s32 s16, $0x2;
	[sflag:s10] =	ssyncadd.s32 $0xFFFFFF80;
	p0 =	sne.s32 s16, $0x4E00  }
0x4b: {  	[spmem:s2] =	stream.indirect.scatter.add.f32 [tilespmem:s12], [sflag:$0x1], $0x1, s17, s11, $0xb8;
	[tilespmem:$0x1980] =	vst v63  }
.Ltmp0:
0x4c: {  	_ = 	snop;
	(pc) =	sbr.rel @p0 .LBB2_2-.Ltmp0, $4  }
0x4d: {  	_ = 	snop  }
0x4e: {  	s16 =	sadd.s32 $0x200, s16  }
0x4f: {  	_ =	swait.ge [sflag:s10], $0x80  }
0x50: {  	[sflag:s10] =	ssyncset.done $0x0  }
0x51: {  	[sflag:s10] =	ssyncadd.s32 $0xFFFFFF80;
	s16 =	simm.s32 $0x0  }
0x52: {  	[tilespmem:s16], [sflag:$0x1] =	stream.linear.gather [hbm4b:s6+s16], $0x1400, $0x38;
	[tilespmem:$0x1980] =	vst v63  }
0x53: {  	_ =	swait.ge [sflag:s10], $0x1400  }
0x54: {  	[sflag:s10] =	ssyncset.done $0x0  }
0x55: {  	s31 =	simm.s32 $0x0;
	[sflag:s10] =	ssyncadd.s32 $0xFFFFEC00  }
0x56: {  	[spmem:s2] =	stream.indirect.scatter.add.f32 [tilespmem:s12], [sflag:$0x1], $0x1, s31, s11, $0xb8;
	[tilespmem:$0x1980] =	vst v63  }
0x57: {  	_ =	swait.ge [sflag:s10], $0x80  }
0x58: {  	s16 =	simm.s32 $0x200;
	[sflag:s10] =	ssyncset.done $0x0  }
.LBB2_4:
0x59: {  	s17 =	sshra.s32 s16, $0x2;
	[sflag:s10] =	ssyncadd.s32 $0xFFFFFF80;
	p0 =	sne.s32 s16, $0x4E00  }
0x5a: {  	[spmem:s2] =	stream.indirect.scatter.add.f32 [tilespmem:s12], [sflag:$0x1], $0x1, s17, s11, $0xb8;
	[tilespmem:$0x1980] =	vst v63  }
.Ltmp1:
0x5b: {  	_ = 	snop;
	(pc) =	sbr.rel @p0 .LBB2_4-.Ltmp1, $4  }
0x5c: {  	_ = 	snop  }
0x5d: {  	s16 =	sadd.s32 $0x200, s16  }
0x5e: {  	_ =	swait.ge [sflag:s10], $0x80  }
0x5f: {  	[sflag:s10] =	ssyncset.done $0x0  }
0x60: {  	s15 =	sadd.s32 $0x1, s15  }
0x61: {  	[sflag:s10] =	ssyncadd.s32 $0xFFFFFF80;
	p0 =	sne.s32 s15, s8  }
.Ltmp2:
0x62: {  	[bflag:$0x0] =	sbarrier.arrive $0xFFFF;
	(pc) =	sbr.rel @p0 .LBB2_1-.Ltmp2, $4  }
0x63: {  	[hbm:s7], [sflag:s13] =	dma.local [spmem:s14], $0x50  }
0x64: {  	_ =	swait.ge [sflag:s10], $0x50  }
0x65: {  	[sflag:s10] =	ssyncset.done $0x0  }
0x66: {  	[sflag:s10] =	ssyncadd.s32 $0xFFFFFFB0  }
0x67: {  	_ =	sfence.sel $0x180000  }
0x68: {  	[bflag:$0x0] =	sbarrier.arrive $0xFFFF  }
0x69: {  	p0 =	sne.s32 s1, $0x0;
	_ =	strace $0x90000047  }
0x6a: {  	s0 =	sadd.s32 @!p0 $0x100000, s0;
	[bflag:$0x2] =	sbarrier.arrive $0xFFFF  }
0x6b: {  	[sflag:s0] =	ssyncadd.tile.s32 @!p0 $0x1;
	_ =	shalt  }
.Lfunc_end2:
_tile_overlayer_lowered:
.L_overlay_start_2:
0x6c: {  	(tag) =	ssettag $0x2  }
0x6d: {  	s0 =	rddreg [dreg:$0x0];
	s2 =	stileid.u32  }
0x6e: {  	s1 =	rddreg [dreg:$0x1];
	p0 =	sne.s32 s2, $0x0  }
0x6f: {  	s3 =	rddreg [dreg:$0x2];
	[bflag:$0x3] =	sbarrier.arrive $0xFFFF;
	s2 =	simm.s32 @!p0 $0x1C01  }
0x70: {  	[timem:s3], [sflag:s2] =	dma.local @!p0 [hbm:s0], s1  }
0x71: {  	s0 =	simm.s32 @!p0 $0x1  }
0x72: {  	_ =	swait.ge @!p0 [sflag:s0], s1  }
0x73: {  	s1 =	ssub.s32 @!p0 $0x0, s1;
	[sflag:s0] =	ssyncset.done @!p0 $0x0  }
0x74: {  	[sflag:s0] =	ssyncadd.s32 @!p0 s1  }
0x75: {  	[bflag:$0x3] =	sbarrier.arrive $0xFFFF  }
0x76: {  	_ =	shalt  }

</sc_bundles>
